<compile_context>
chip_gen: v7x
topology: tpu7x:2x2x1
jax: 0.10.2.dev20260603
libtpu: 0.0.44.dev20260713+nightly
codegen_flags: <defaults>
</compile_context>

<pallas_src>
import functools

import jax
import jax.numpy as jnp
from jax import lax
from jax.experimental import pallas as pl
from jax.experimental.pallas import tpu as pltpu
from jax.experimental.pallas import tpu_sc as plsc

_N = 4096
_K = 20
_C = 3
_B = 4
_R = 256

_NEG = -3.0e38

_NSUB = 32
_PLANE = _N * _K


def _topk_body(bofs, x_ref, xt_ref, widx_ref, ctr_ref):
    b = pl.program_id(0) + bofs
    xr = [x_ref[0, c : c + 1, :] for c in range(_C)]
    cc = [xt_ref[0, :, c : c + 1] for c in range(_C)]

    xsq = xr[0] * xr[0] + xr[1] * xr[1] + xr[2] * xr[2]
    csq = cc[0] * cc[0] + cc[1] * cc[1] + cc[2] * cc[2]

    xrb = [v.astype(jnp.bfloat16).astype(jnp.float32) for v in xr]
    ccb = [
        2.0 * v.astype(jnp.bfloat16).astype(jnp.float32) for v in cc
    ]
    dot2 = ccb[0] * xrb[0] + ccb[1] * xrb[1] + ccb[2] * xrb[2]
    work = dot2 - csq - xsq

    iota = lax.broadcasted_iota(jnp.int32, (_R, _N), 1)
    cols = []
    for kk in range(_K):
        m = jnp.max(work, axis=1, keepdims=True)
        cand = jnp.where(work == m, iota, _N)
        idx = jnp.min(cand, axis=1, keepdims=True)
        if kk < _K - 1:
            work = jnp.where(iota == idx, _NEG, work)
        cols.append(idx)
    idxm = jnp.concatenate(cols, axis=1)
    nb_base = 3 * (idxm + b * _N)
    for c in range(_C):
        widx_ref[c, 0] = nb_base + c
        ctr_ref[0, c] = jnp.broadcast_to(cc[c], (_R, _K))


def _topk_windices(x, xt, bofs):
    nb = x.shape[0]
    grid = (nb, _N // _R)
    return pl.pallas_call(
        functools.partial(_topk_body, bofs),
        grid=grid,
        in_specs=[
            pl.BlockSpec((1, _C, _N), lambda b, r: (b, 0, 0)),
            pl.BlockSpec((1, _R, _C), lambda b, r: (b, r, 0)),
        ],
        out_specs=[
            pl.BlockSpec((_C, 1, _R, _K), lambda b, r: (0, b, r, 0)),
            pl.BlockSpec((1, _C, _R, _K), lambda b, r: (b, 0, r, 0)),
        ],
        out_shape=[
            jax.ShapeDtypeStruct((_C, nb, _N, _K), jnp.int32),
            jax.ShapeDtypeStruct((nb, _C, _N, _K), jnp.float32),
        ],
        compiler_params=pltpu.CompilerParams(
            dimension_semantics=("parallel", "parallel"),
        ),
    )(x, xt)


def _gather_assemble(widx, ctr_flat, table, nb):
    p_total = nb * _N * _K
    pw = p_total // _NSUB
    chp = pw
    nchunk = 1
    grp = chp // 128
    mesh = plsc.VectorSubcoreMesh(core_axis_name="c", subcore_axis_name="s")

    @functools.partial(
        pl.kernel,
        mesh=mesh,
        out_type=jax.ShapeDtypeStruct((nb * _C * _PLANE,), jnp.float32),
        scratch_types=[
            pltpu.VMEM((_C * grp, 128), jnp.int32),
            pltpu.VMEM((2 * _C, chp), jnp.float32),
            pltpu.SemaphoreType.DMA,
        ],
    )
    def sck(widx_hbm, ctr_hbm, tab_hbm, out_hbm, widx_v, stage_v, sem):
        wid = lax.axis_index("s") * 2 + lax.axis_index("c")
        for chunk in range(nchunk):
            p0 = wid * pw + chunk * chp
            g0 = lax.div(p0, 128)
            b = lax.div(p0, _PLANE)
            local0 = p0 - b * _PLANE
            for c in range(_C):
                pltpu.sync_copy(
                    widx_hbm.at[c, pl.ds(g0, grp), :],
                    widx_v.at[pl.ds(c * grp, grp)],
                )

            def fire(g, carry):
                for c in range(_C):
                    pltpu.async_copy(
                        tab_hbm.at[widx_v.at[c * grp + g]],
                        stage_v.at[c, pl.ds(g * 128, 128)],
                        sem,
                    )
                return carry

            lax.fori_loop(0, grp, fire, 0)
            for c in range(_C):
                coff = (b * _C + c) * _PLANE + local0
                pltpu.sync_copy(
                    ctr_hbm.at[pl.ds(pl.multiple_of(coff, 8), chp)],
                    stage_v.at[_C + c],
                )
            for c in range(_C):
                pltpu.make_async_copy(
                    tab_hbm.at[pl.ds(0, chp)], stage_v.at[c], sem
                ).wait()

            def diff(i, carry):
                sl = pl.ds(i * 16, 16)
                for c in range(_C):
                    stage_v[c, sl] = stage_v[c, sl] - stage_v[_C + c, sl]
                return carry

            lax.fori_loop(0, chp // 16, diff, 0)
            for c in range(_C):
                off = (b * _C + c) * _PLANE + local0
                pltpu.sync_copy(
                    stage_v.at[c],
                    out_hbm.at[pl.ds(pl.multiple_of(off, 8), chp)],
                )

    return sck(widx, ctr_flat, table)


def kernel(x, k):
    del k
    xt = jnp.transpose(x, (0, 2, 1))
    table = xt.reshape(-1)
    halves = []
    hb = _B // 2
    for h in range(2):
        xs = x[h * hb : (h + 1) * hb]
        xts = xt[h * hb : (h + 1) * hb]
        widx, ctr = _topk_windices(xs, xts, h * hb)
        diffp = _gather_assemble(
            widx.reshape(_C, hb * _N * _K // 128, 128),
            ctr.reshape(-1),
            table,
            hb,
        )
        halves.append(
            jnp.concatenate([diffp.reshape(hb, _C, _N, _K), ctr], axis=1)
        )
    return jnp.concatenate(halves, axis=0)

# --- scband reference (transcript-rebuilt; emitter-appended) ---
"""Pipeline reference for scband-final-910533067699 (READ-ONLY COPY).

The authoritative reference and input builder live on the scoring server;
editing this copy changes nothing except your own understanding.
"""

import jax, jax.numpy as jnp
import numpy as np


def setup_inputs(seed: int = 0) -> dict:
    key = jax.random.key(seed)
    x = jax.random.normal(key, (4, 3, 4096), dtype=jnp.float32)
    return {"x": x, "k": 20}


def reference(x, k):
    # Faithful jax translation of knn() + index_points_neighbors() + get_neighbors()
    # from the torch module: pairwise-distance top-k masking followed by a
    # flat-index gather of neighbor features.
    B, C, N = x.shape
    K = 20
    xt = jnp.transpose(x, (0, 2, 1))  # [B, N, C]
    # knn: pairwise negative squared distances
    inner = -2.0 * jnp.matmul(xt, x)                      # [B, N, N]
    xx = jnp.sum(x * x, axis=1, keepdims=True)            # [B, 1, N]
    pairwise_distance = -xx - inner - jnp.transpose(xx, (0, 2, 1))  # [B, N, N]
    pairwise_distance = pairwise_distance + jnp.zeros((), pairwise_distance.dtype) * k
    _, idx = jax.lax.top_k(pairwise_distance, K)          # [B, N, k] indices
    # index_points_neighbors: flat gather exactly like the torch code
    idx_base = jnp.arange(B, dtype=idx.dtype).reshape(-1, 1, 1) * N
    flat_idx = (idx + idx_base).reshape(-1)
    neighbors = xt.reshape(B * N, C)[flat_idx].reshape(B, N, K, C)
    # center replicated across k, then concat (neighbors - center, center)
    center = jnp.broadcast_to(xt[:, :, None, :], (B, N, K, C))
    feature = jnp.concatenate([neighbors - center, center], axis=3)  # [B, N, k, 2C]
    feature = jnp.transpose(feature, (0, 3, 1, 2))                   # [B, 2C, N, k]
    return feature

if __name__ == "__main__":
    import jax
    _d = setup_inputs()
    print(jax.jit(kernel)(*tuple(_d.values())))

</pallas_src>

<mosaic_0001>
#map = affine_map<(d0, d1) -> (0, 0, 0)>
#map1 = affine_map<(d0, d1) -> (0)>
module attributes {stable_mosaic.version = 14 : i64} {
  func.func @sck(%arg0: i32, %arg1: i32, %arg2: memref<3x1280x128xi32, #tpu.memory_space<hbm>>, %arg3: memref<491520xf32, #tpu.memory_space<hbm>>, %arg4: memref<49152xf32, #tpu.memory_space<hbm>>, %arg5: memref<491520xf32, #tpu.memory_space<hbm>>, %arg6: memref<120x128xi32, #tpu.memory_space<vmem>>, %arg7: memref<6x5120xf32, #tpu.memory_space<vmem>>, %arg8: memref<!tpu.dma_semaphore, #tpu.memory_space<semaphore_mem>>) attributes {dimension_semantics = [#tpu.dimension_semantics<core_parallel>, #tpu.dimension_semantics<subcore_parallel>], iteration_bounds = array<i64: 2, 16>, scalar_prefetch = 0 : i64, scratch_operands = 3 : i64, tpu.core_type = #tpu.core_type<sc_vector_subcore>, window_params = [{transform_indices = #map}, {transform_indices = #map1}, {transform_indices = #map1}, {transform_indices = #map1}]} {
    %mul3A = arith.constant 2 : i32
    %mul3A_0 = arith.muli %arg1, %mul3A : i32
    %add3A = arith.addi %mul3A_0, %arg0 : i32
    %mul3A_1 = arith.constant 5120 : i32
    %mul3A_2 = arith.muli %add3A, %mul3A_1 : i32
    %add3A_3 = arith.constant 0 : i32
    %add3A_4 = arith.addi %mul3A_2, %add3A_3 : i32
    %div3A = arith.constant 128 : i32
    %div3A_5 = arith.divsi %add3A_4, %div3A : i32
    %div3A_6 = arith.constant 81920 : i32
    %div3A_7 = arith.divsi %add3A_4, %div3A_6 : i32
    %mul3A_8 = arith.constant 81920 : i32
    %mul3A_9 = arith.muli %div3A_7, %mul3A_8 : i32
    %sub3A = arith.subi %add3A_4, %mul3A_9 : i32
    %run_scoped3A = arith.constant 0 : i32
    "tpu.region"() ({
      %run_scoped3A_108 = tpu.sem_alloc : memref<!tpu.dma_semaphore, #tpu.memory_space<semaphore_mem>>
      %dma_start3A = arith.constant 0 : i32
      %dma_start3A_109 = arith.constant 0 : i32
      %dma_start3A_110 = tpu.memref_slice %arg6[%dma_start3A, %dma_start3A_109] : memref<120x128xi32, #tpu.memory_space<vmem>> -> memref<40x128xi32, #tpu.memory_space<vmem>>
      %dma_start3A_111 = arith.constant 0 : i32
      %dma_start3A_112 = tpu.memref_slice %arg2[%run_scoped3A, %div3A_5, %dma_start3A_111] : memref<3x1280x128xi32, #tpu.memory_space<hbm>> -> memref<1x40x128xi32, #tpu.memory_space<hbm>>
      %dma_start3A_113 = tpu.memref_squeeze %dma_start3A_112 : memref<1x40x128xi32, #tpu.memory_space<hbm>> -> memref<40x128xi32, #tpu.memory_space<hbm>>
      %dma_start3A_114 = arith.constant 0 : i32
      %dma_start3A_115 = arith.constant 0 : i32
      %dma_start3A_116 = tpu.memref_slice %arg6[%dma_start3A_114, %dma_start3A_115] : memref<120x128xi32, #tpu.memory_space<vmem>> -> memref<40x128xi32, #tpu.memory_space<vmem>>
      %dma_start3A_117 = arith.constant 0 : i32
      %dma_start3A_118 = tpu.memref_slice %arg2[%run_scoped3A, %div3A_5, %dma_start3A_117] : memref<3x1280x128xi32, #tpu.memory_space<hbm>> -> memref<1x40x128xi32, #tpu.memory_space<hbm>>
      %dma_start3A_119 = tpu.memref_squeeze %dma_start3A_118 : memref<1x40x128xi32, #tpu.memory_space<hbm>> -> memref<40x128xi32, #tpu.memory_space<hbm>>
      tpu.enqueue_dma source(%dma_start3A_119 : memref<40x128xi32, #tpu.memory_space<hbm>>) target(%dma_start3A_116 : memref<40x128xi32, #tpu.memory_space<vmem>>) target_semaphore(%run_scoped3A_108 : memref<!tpu.dma_semaphore, #tpu.memory_space<semaphore_mem>>)
      %dma_wait3A_120 = arith.constant 0 : i32
      %dma_wait3A_121 = arith.constant 0 : i32
      %dma_wait3A_122 = tpu.memref_slice %arg6[%dma_wait3A_120, %dma_wait3A_121] : memref<120x128xi32, #tpu.memory_space<vmem>> -> memref<40x128xi32, #tpu.memory_space<vmem>>
      %dma_wait3A_123 = arith.constant 0 : i32
      %dma_wait3A_124 = tpu.memref_slice %arg2[%run_scoped3A, %div3A_5, %dma_wait3A_123] : memref<3x1280x128xi32, #tpu.memory_space<hbm>> -> memref<1x40x128xi32, #tpu.memory_space<hbm>>
      %dma_wait3A_125 = tpu.memref_squeeze %dma_wait3A_124 : memref<1x40x128xi32, #tpu.memory_space<hbm>> -> memref<40x128xi32, #tpu.memory_space<hbm>>
      %dma_wait3A_126 = arith.constant 0 : i32
      %dma_wait3A_127 = arith.constant 0 : i32
      %dma_wait3A_128 = tpu.memref_slice %arg6[%dma_wait3A_126, %dma_wait3A_127] : memref<120x128xi32, #tpu.memory_space<vmem>> -> memref<40x128xi32, #tpu.memory_space<vmem>>
      %dma_wait3A_129 = arith.constant 0 : i32
      %dma_wait3A_130 = tpu.memref_slice %arg2[%run_scoped3A, %div3A_5, %dma_wait3A_129] : memref<3x1280x128xi32, #tpu.memory_space<hbm>> -> memref<1x40x128xi32, #tpu.memory_space<hbm>>
      %dma_wait3A_131 = tpu.memref_squeeze %dma_wait3A_130 : memref<1x40x128xi32, #tpu.memory_space<hbm>> -> memref<40x128xi32, #tpu.memory_space<hbm>>
      tpu.wait_dma2 semaphore(%run_scoped3A_108 : memref<!tpu.dma_semaphore, #tpu.memory_space<semaphore_mem>>) src(%dma_wait3A_131 : memref<40x128xi32, #tpu.memory_space<hbm>>) dst(%dma_wait3A_128 : memref<40x128xi32, #tpu.memory_space<vmem>>)
      tpu.yield
    }) : () -> ()
    %run_scoped3A_10 = arith.constant 1 : i32
    "tpu.region"() ({
      %run_scoped3A_108 = tpu.sem_alloc : memref<!tpu.dma_semaphore, #tpu.memory_space<semaphore_mem>>
      %dma_start3A = arith.constant 40 : i32
      %dma_start3A_109 = arith.constant 0 : i32
      %dma_start3A_110 = tpu.memref_slice %arg6[%dma_start3A, %dma_start3A_109] : memref<120x128xi32, #tpu.memory_space<vmem>> -> memref<40x128xi32, #tpu.memory_space<vmem>>
      %dma_start3A_111 = arith.constant 0 : i32
      %dma_start3A_112 = tpu.memref_slice %arg2[%run_scoped3A_10, %div3A_5, %dma_start3A_111] : memref<3x1280x128xi32, #tpu.memory_space<hbm>> -> memref<1x40x128xi32, #tpu.memory_space<hbm>>
      %dma_start3A_113 = tpu.memref_squeeze %dma_start3A_112 : memref<1x40x128xi32, #tpu.memory_space<hbm>> -> memref<40x128xi32, #tpu.memory_space<hbm>>
      %dma_start3A_114 = arith.constant 40 : i32
      %dma_start3A_115 = arith.constant 0 : i32
      %dma_start3A_116 = tpu.memref_slice %arg6[%dma_start3A_114, %dma_start3A_115] : memref<120x128xi32, #tpu.memory_space<vmem>> -> memref<40x128xi32, #tpu.memory_space<vmem>>
      %dma_start3A_117 = arith.constant 0 : i32
      %dma_start3A_118 = tpu.memref_slice %arg2[%run_scoped3A_10, %div3A_5, %dma_start3A_117] : memref<3x1280x128xi32, #tpu.memory_space<hbm>> -> memref<1x40x128xi32, #tpu.memory_space<hbm>>
      %dma_start3A_119 = tpu.memref_squeeze %dma_start3A_118 : memref<1x40x128xi32, #tpu.memory_space<hbm>> -> memref<40x128xi32, #tpu.memory_space<hbm>>
      tpu.enqueue_dma source(%dma_start3A_119 : memref<40x128xi32, #tpu.memory_space<hbm>>) target(%dma_start3A_116 : memref<40x128xi32, #tpu.memory_space<vmem>>) target_semaphore(%run_scoped3A_108 : memref<!tpu.dma_semaphore, #tpu.memory_space<semaphore_mem>>)
      %dma_wait3A_120 = arith.constant 40 : i32
      %dma_wait3A_121 = arith.constant 0 : i32
      %dma_wait3A_122 = tpu.memref_slice %arg6[%dma_wait3A_120, %dma_wait3A_121] : memref<120x128xi32, #tpu.memory_space<vmem>> -> memref<40x128xi32, #tpu.memory_space<vmem>>
      %dma_wait3A_123 = arith.constant 0 : i32
      %dma_wait3A_124 = tpu.memref_slice %arg2[%run_scoped3A_10, %div3A_5, %dma_wait3A_123] : memref<3x1280x128xi32, #tpu.memory_space<hbm>> -> memref<1x40x128xi32, #tpu.memory_space<hbm>>
      %dma_wait3A_125 = tpu.memref_squeeze %dma_wait3A_124 : memref<1x40x128xi32, #tpu.memory_space<hbm>> -> memref<40x128xi32, #tpu.memory_space<hbm>>
      %dma_wait3A_126 = arith.constant 40 : i32
      %dma_wait3A_127 = arith.constant 0 : i32
      %dma_wait3A_128 = tpu.memref_slice %arg6[%dma_wait3A_126, %dma_wait3A_127] : memref<120x128xi32, #tpu.memory_space<vmem>> -> memref<40x128xi32, #tpu.memory_space<vmem>>
      %dma_wait3A_129 = arith.constant 0 : i32
      %dma_wait3A_130 = tpu.memref_slice %arg2[%run_scoped3A_10, %div3A_5, %dma_wait3A_129] : memref<3x1280x128xi32, #tpu.memory_space<hbm>> -> memref<1x40x128xi32, #tpu.memory_space<hbm>>
      %dma_wait3A_131 = tpu.memref_squeeze %dma_wait3A_130 : memref<1x40x128xi32, #tpu.memory_space<hbm>> -> memref<40x128xi32, #tpu.memory_space<hbm>>
      tpu.wait_dma2 semaphore(%run_scoped3A_108 : memref<!tpu.dma_semaphore, #tpu.memory_space<semaphore_mem>>) src(%dma_wait3A_131 : memref<40x128xi32, #tpu.memory_space<hbm>>) dst(%dma_wait3A_128 : memref<40x128xi32, #tpu.memory_space<vmem>>)
      tpu.yield
    }) : () -> ()
    %run_scoped3A_11 = arith.constant 2 : i32
    "tpu.region"() ({
      %run_scoped3A_108 = tpu.sem_alloc : memref<!tpu.dma_semaphore, #tpu.memory_space<semaphore_mem>>
      %dma_start3A = arith.constant 80 : i32
      %dma_start3A_109 = arith.constant 0 : i32
      %dma_start3A_110 = tpu.memref_slice %arg6[%dma_start3A, %dma_start3A_109] : memref<120x128xi32, #tpu.memory_space<vmem>> -> memref<40x128xi32, #tpu.memory_space<vmem>>
      %dma_start3A_111 = arith.constant 0 : i32
      %dma_start3A_112 = tpu.memref_slice %arg2[%run_scoped3A_11, %div3A_5, %dma_start3A_111] : memref<3x1280x128xi32, #tpu.memory_space<hbm>> -> memref<1x40x128xi32, #tpu.memory_space<hbm>>
      %dma_start3A_113 = tpu.memref_squeeze %dma_start3A_112 : memref<1x40x128xi32, #tpu.memory_space<hbm>> -> memref<40x128xi32, #tpu.memory_space<hbm>>
      %dma_start3A_114 = arith.constant 80 : i32
      %dma_start3A_115 = arith.constant 0 : i32
      %dma_start3A_116 = tpu.memref_slice %arg6[%dma_start3A_114, %dma_start3A_115] : memref<120x128xi32, #tpu.memory_space<vmem>> -> memref<40x128xi32, #tpu.memory_space<vmem>>
      %dma_start3A_117 = arith.constant 0 : i32
      %dma_start3A_118 = tpu.memref_slice %arg2[%run_scoped3A_11, %div3A_5, %dma_start3A_117] : memref<3x1280x128xi32, #tpu.memory_space<hbm>> -> memref<1x40x128xi32, #tpu.memory_space<hbm>>
      %dma_start3A_119 = tpu.memref_squeeze %dma_start3A_118 : memref<1x40x128xi32, #tpu.memory_space<hbm>> -> memref<40x128xi32, #tpu.memory_space<hbm>>
      tpu.enqueue_dma source(%dma_start3A_119 : memref<40x128xi32, #tpu.memory_space<hbm>>) target(%dma_start3A_116 : memref<40x128xi32, #tpu.memory_space<vmem>>) target_semaphore(%run_scoped3A_108 : memref<!tpu.dma_semaphore, #tpu.memory_space<semaphore_mem>>)
      %dma_wait3A_120 = arith.constant 80 : i32
      %dma_wait3A_121 = arith.constant 0 : i32
      %dma_wait3A_122 = tpu.memref_slice %arg6[%dma_wait3A_120, %dma_wait3A_121] : memref<120x128xi32, #tpu.memory_space<vmem>> -> memref<40x128xi32, #tpu.memory_space<vmem>>
      %dma_wait3A_123 = arith.constant 0 : i32
      %dma_wait3A_124 = tpu.memref_slice %arg2[%run_scoped3A_11, %div3A_5, %dma_wait3A_123] : memref<3x1280x128xi32, #tpu.memory_space<hbm>> -> memref<1x40x128xi32, #tpu.memory_space<hbm>>
      %dma_wait3A_125 = tpu.memref_squeeze %dma_wait3A_124 : memref<1x40x128xi32, #tpu.memory_space<hbm>> -> memref<40x128xi32, #tpu.memory_space<hbm>>
      %dma_wait3A_126 = arith.constant 80 : i32
      %dma_wait3A_127 = arith.constant 0 : i32
      %dma_wait3A_128 = tpu.memref_slice %arg6[%dma_wait3A_126, %dma_wait3A_127] : memref<120x128xi32, #tpu.memory_space<vmem>> -> memref<40x128xi32, #tpu.memory_space<vmem>>
      %dma_wait3A_129 = arith.constant 0 : i32
      %dma_wait3A_130 = tpu.memref_slice %arg2[%run_scoped3A_11, %div3A_5, %dma_wait3A_129] : memref<3x1280x128xi32, #tpu.memory_space<hbm>> -> memref<1x40x128xi32, #tpu.memory_space<hbm>>
      %dma_wait3A_131 = tpu.memref_squeeze %dma_wait3A_130 : memref<1x40x128xi32, #tpu.memory_space<hbm>> -> memref<40x128xi32, #tpu.memory_space<hbm>>
      tpu.wait_dma2 semaphore(%run_scoped3A_108 : memref<!tpu.dma_semaphore, #tpu.memory_space<semaphore_mem>>) src(%dma_wait3A_131 : memref<40x128xi32, #tpu.memory_space<hbm>>) dst(%dma_wait3A_128 : memref<40x128xi32, #tpu.memory_space<vmem>>)
      tpu.yield
    }) : () -> ()
    %scan3A = arith.constant 0 : i32
    %scan3A_12 = arith.constant 0 : i32
    %scan3A_13 = arith.constant 40 : i32
    %scan3A_14 = arith.addi %scan3A_12, %scan3A_13 : i32
    %scan3A_15 = arith.constant 1 : i32
    scf.for %scan3A_108 = %scan3A_12 to %scan3A_14 step %scan3A_15  : i32 {
      %add3A_109 = arith.constant 0 : i32
      %add3A_110 = arith.addi %add3A_109, %scan3A_108 : i32
      %mul3A_111 = arith.constant 128 : i32
      %mul3A_112 = arith.muli %scan3A_108, %mul3A_111 : i32
      %dma_start3A = arith.constant 0 : i32
      %dma_start3A_113 = tpu.memref_slice %arg7[%dma_start3A, %mul3A_112] : memref<6x5120xf32, #tpu.memory_space<vmem>> -> memref<1x128xf32, #tpu.memory_space<vmem>>
      %dma_start3A_114 = tpu.memref_squeeze %dma_start3A_113 : memref<1x128xf32, #tpu.memory_space<vmem>> -> memref<128xf32, #tpu.memory_space<vmem>>
      %dma_start3A_115 = arith.constant 0 : i32
      %dma_start3A_116 = tpu.memref_slice %arg6[%add3A_110, %dma_start3A_115] : memref<120x128xi32, #tpu.memory_space<vmem>> -> memref<1x128xi32, #tpu.memory_space<vmem>>
      %dma_start3A_117 = tpu.memref_squeeze %dma_start3A_116 : memref<1x128xi32, #tpu.memory_space<vmem>> -> memref<128xi32, #tpu.memory_space<vmem>>
      %dma_start3A_118 = arith.constant 0 : i32
      %dma_start3A_119 = tpu.memref_slice %arg4[%dma_start3A_118] : memref<49152xf32, #tpu.memory_space<hbm>> -> memref<49152xf32, #tpu.memory_space<hbm>>
      tpu.enqueue_indirect_dma source(%dma_start3A_119 : memref<49152xf32, #tpu.memory_space<hbm>>) target(%dma_start3A_114 : memref<128xf32, #tpu.memory_space<vmem>>) offsets(%dma_start3A_117 : memref<128xi32, #tpu.memory_space<vmem>>) semaphore(%arg8 : memref<!tpu.dma_semaphore, #tpu.memory_space<semaphore_mem>>)
      %add3A_120 = arith.constant 40 : i32
      %add3A_121 = arith.addi %add3A_120, %scan3A_108 : i32
      %mul3A_122 = arith.constant 128 : i32
      %mul3A_123 = arith.muli %scan3A_108, %mul3A_122 : i32
      %dma_start3A_124 = arith.constant 1 : i32
      %dma_start3A_125 = tpu.memref_slice %arg7[%dma_start3A_124, %mul3A_123] : memref<6x5120xf32, #tpu.memory_space<vmem>> -> memref<1x128xf32, #tpu.memory_space<vmem>>
      %dma_start3A_126 = tpu.memref_squeeze %dma_start3A_125 : memref<1x128xf32, #tpu.memory_space<vmem>> -> memref<128xf32, #tpu.memory_space<vmem>>
      %dma_start3A_127 = arith.constant 0 : i32
      %dma_start3A_128 = tpu.memref_slice %arg6[%add3A_121, %dma_start3A_127] : memref<120x128xi32, #tpu.memory_space<vmem>> -> memref<1x128xi32, #tpu.memory_space<vmem>>
      %dma_start3A_129 = tpu.memref_squeeze %dma_start3A_128 : memref<1x128xi32, #tpu.memory_space<vmem>> -> memref<128xi32, #tpu.memory_space<vmem>>
      %dma_start3A_130 = arith.constant 0 : i32
      %dma_start3A_131 = tpu.memref_slice %arg4[%dma_start3A_130] : memref<49152xf32, #tpu.memory_space<hbm>> -> memref<49152xf32, #tpu.memory_space<hbm>>
      tpu.enqueue_indirect_dma source(%dma_start3A_131 : memref<49152xf32, #tpu.memory_space<hbm>>) target(%dma_start3A_126 : memref<128xf32, #tpu.memory_space<vmem>>) offsets(%dma_start3A_129 : memref<128xi32, #tpu.memory_space<vmem>>) semaphore(%arg8 : memref<!tpu.dma_semaphore, #tpu.memory_space<semaphore_mem>>)
      %add3A_132 = arith.constant 80 : i32
      %add3A_133 = arith.addi %add3A_132, %scan3A_108 : i32
      %mul3A_134 = arith.constant 128 : i32
      %mul3A_135 = arith.muli %scan3A_108, %mul3A_134 : i32
      %dma_start3A_136 = arith.constant 2 : i32
      %dma_start3A_137 = tpu.memref_slice %arg7[%dma_start3A_136, %mul3A_135] : memref<6x5120xf32, #tpu.memory_space<vmem>> -> memref<1x128xf32, #tpu.memory_space<vmem>>
      %dma_start3A_138 = tpu.memref_squeeze %dma_start3A_137 : memref<1x128xf32, #tpu.memory_space<vmem>> -> memref<128xf32, #tpu.memory_space<vmem>>
      %dma_start3A_139 = arith.constant 0 : i32
      %dma_start3A_140 = tpu.memref_slice %arg6[%add3A_133, %dma_start3A_139] : memref<120x128xi32, #tpu.memory_space<vmem>> -> memref<1x128xi32, #tpu.memory_space<vmem>>
      %dma_start3A_141 = tpu.memref_squeeze %dma_start3A_140 : memref<1x128xi32, #tpu.memory_space<vmem>> -> memref<128xi32, #tpu.memory_space<vmem>>
      %dma_start3A_142 = arith.constant 0 : i32
      %dma_start3A_143 = tpu.memref_slice %arg4[%dma_start3A_142] : memref<49152xf32, #tpu.memory_space<hbm>> -> memref<49152xf32, #tpu.memory_space<hbm>>
      tpu.enqueue_indirect_dma source(%dma_start3A_143 : memref<49152xf32, #tpu.memory_space<hbm>>) target(%dma_start3A_138 : memref<128xf32, #tpu.memory_space<vmem>>) offsets(%dma_start3A_141 : memref<128xi32, #tpu.memory_space<vmem>>) semaphore(%arg8 : memref<!tpu.dma_semaphore, #tpu.memory_space<semaphore_mem>>)
    }
    %scan3A_16 = arith.constant 40 : i32
    %mul3A_17 = arith.constant 3 : i32
    %mul3A_18 = arith.muli %div3A_7, %mul3A_17 : i32
    %add3A_19 = arith.constant 0 : i32
    %add3A_20 = arith.addi %mul3A_18, %add3A_19 : i32
    %mul3A_21 = arith.constant 81920 : i32
    %mul3A_22 = arith.muli %add3A_20, %mul3A_21 : i32
    %add3A_23 = arith.addi %mul3A_22, %sub3A : i32
    %multiple_of3A = tpu.assume_multiple %add3A_23, 8 : i32
    %run_scoped3A_24 = arith.constant 3 : i32
    "tpu.region"() ({
      %run_scoped3A_108 = tpu.sem_alloc : memref<!tpu.dma_semaphore, #tpu.memory_space<semaphore_mem>>
      %dma_start3A = arith.constant 0 : i32
      %dma_start3A_109 = tpu.memref_slice %arg7[%run_scoped3A_24, %dma_start3A] : memref<6x5120xf32, #tpu.memory_space<vmem>> -> memref<1x5120xf32, #tpu.memory_space<vmem>>
      %dma_start3A_110 = tpu.memref_squeeze %dma_start3A_109 : memref<1x5120xf32, #tpu.memory_space<vmem>> -> memref<5120xf32, #tpu.memory_space<vmem>>
      %dma_start3A_111 = tpu.memref_slice %arg3[%multiple_of3A] : memref<491520xf32, #tpu.memory_space<hbm>> -> memref<5120xf32, #tpu.memory_space<hbm>>
      %dma_start3A_112 = arith.constant 0 : i32
      %dma_start3A_113 = tpu.memref_slice %arg7[%run_scoped3A_24, %dma_start3A_112] : memref<6x5120xf32, #tpu.memory_space<vmem>> -> memref<1x5120xf32, #tpu.memory_space<vmem>>
      %dma_start3A_114 = tpu.memref_squeeze %dma_start3A_113 : memref<1x5120xf32, #tpu.memory_space<vmem>> -> memref<5120xf32, #tpu.memory_space<vmem>>
      %dma_start3A_115 = tpu.memref_slice %arg3[%multiple_of3A] : memref<491520xf32, #tpu.memory_space<hbm>> -> memref<5120xf32, #tpu.memory_space<hbm>>
      tpu.enqueue_dma source(%dma_start3A_115 : memref<5120xf32, #tpu.memory_space<hbm>>) target(%dma_start3A_114 : memref<5120xf32, #tpu.memory_space<vmem>>) target_semaphore(%run_scoped3A_108 : memref<!tpu.dma_semaphore, #tpu.memory_space<semaphore_mem>>)
      %dma_wait3A_116 = arith.constant 0 : i32
      %dma_wait3A_117 = tpu.memref_slice %arg7[%run_scoped3A_24, %dma_wait3A_116] : memref<6x5120xf32, #tpu.memory_space<vmem>> -> memref<1x5120xf32, #tpu.memory_space<vmem>>
      %dma_wait3A_118 = tpu.memref_squeeze %dma_wait3A_117 : memref<1x5120xf32, #tpu.memory_space<vmem>> -> memref<5120xf32, #tpu.memory_space<vmem>>
      %dma_wait3A_119 = tpu.memref_slice %arg3[%multiple_of3A] : memref<491520xf32, #tpu.memory_space<hbm>> -> memref<5120xf32, #tpu.memory_space<hbm>>
      %dma_wait3A_120 = arith.constant 0 : i32
      %dma_wait3A_121 = tpu.memref_slice %arg7[%run_scoped3A_24, %dma_wait3A_120] : memref<6x5120xf32, #tpu.memory_space<vmem>> -> memref<1x5120xf32, #tpu.memory_space<vmem>>
      %dma_wait3A_122 = tpu.memref_squeeze %dma_wait3A_121 : memref<1x5120xf32, #tpu.memory_space<vmem>> -> memref<5120xf32, #tpu.memory_space<vmem>>
      %dma_wait3A_123 = tpu.memref_slice %arg3[%multiple_of3A] : memref<491520xf32, #tpu.memory_space<hbm>> -> memref<5120xf32, #tpu.memory_space<hbm>>
      tpu.wait_dma2 semaphore(%run_scoped3A_108 : memref<!tpu.dma_semaphore, #tpu.memory_space<semaphore_mem>>) src(%dma_wait3A_123 : memref<5120xf32, #tpu.memory_space<hbm>>) dst(%dma_wait3A_122 : memref<5120xf32, #tpu.memory_space<vmem>>)
      tpu.yield
    }) : () -> ()
    %mul3A_25 = arith.constant 3 : i32
    %mul3A_26 = arith.muli %div3A_7, %mul3A_25 : i32
    %add3A_27 = arith.constant 1 : i32
    %add3A_28 = arith.addi %mul3A_26, %add3A_27 : i32
    %mul3A_29 = arith.constant 81920 : i32
    %mul3A_30 = arith.muli %add3A_28, %mul3A_29 : i32
    %add3A_31 = arith.addi %mul3A_30, %sub3A : i32
    %multiple_of3A_32 = tpu.assume_multiple %add3A_31, 8 : i32
    %run_scoped3A_33 = arith.constant 4 : i32
    "tpu.region"() ({
      %run_scoped3A_108 = tpu.sem_alloc : memref<!tpu.dma_semaphore, #tpu.memory_space<semaphore_mem>>
      %dma_start3A = arith.constant 0 : i32
      %dma_start3A_109 = tpu.memref_slice %arg7[%run_scoped3A_33, %dma_start3A] : memref<6x5120xf32, #tpu.memory_space<vmem>> -> memref<1x5120xf32, #tpu.memory_space<vmem>>
      %dma_start3A_110 = tpu.memref_squeeze %dma_start3A_109 : memref<1x5120xf32, #tpu.memory_space<vmem>> -> memref<5120xf32, #tpu.memory_space<vmem>>
      %dma_start3A_111 = tpu.memref_slice %arg3[%multiple_of3A_32] : memref<491520xf32, #tpu.memory_space<hbm>> -> memref<5120xf32, #tpu.memory_space<hbm>>
      %dma_start3A_112 = arith.constant 0 : i32
      %dma_start3A_113 = tpu.memref_slice %arg7[%run_scoped3A_33, %dma_start3A_112] : memref<6x5120xf32, #tpu.memory_space<vmem>> -> memref<1x5120xf32, #tpu.memory_space<vmem>>
      %dma_start3A_114 = tpu.memref_squeeze %dma_start3A_113 : memref<1x5120xf32, #tpu.memory_space<vmem>> -> memref<5120xf32, #tpu.memory_space<vmem>>
      %dma_start3A_115 = tpu.memref_slice %arg3[%multiple_of3A_32] : memref<491520xf32, #tpu.memory_space<hbm>> -> memref<5120xf32, #tpu.memory_space<hbm>>
      tpu.enqueue_dma source(%dma_start3A_115 : memref<5120xf32, #tpu.memory_space<hbm>>) target(%dma_start3A_114 : memref<5120xf32, #tpu.memory_space<vmem>>) target_semaphore(%run_scoped3A_108 : memref<!tpu.dma_semaphore, #tpu.memory_space<semaphore_mem>>)
      %dma_wait3A_116 = arith.constant 0 : i32
      %dma_wait3A_117 = tpu.memref_slice %arg7[%run_scoped3A_33, %dma_wait3A_116] : memref<6x5120xf32, #tpu.memory_space<vmem>> -> memref<1x5120xf32, #tpu.memory_space<vmem>>
      %dma_wait3A_118 = tpu.memref_squeeze %dma_wait3A_117 : memref<1x5120xf32, #tpu.memory_space<vmem>> -> memref<5120xf32, #tpu.memory_space<vmem>>
      %dma_wait3A_119 = tpu.memref_slice %arg3[%multiple_of3A_32] : memref<491520xf32, #tpu.memory_space<hbm>> -> memref<5120xf32, #tpu.memory_space<hbm>>
      %dma_wait3A_120 = arith.constant 0 : i32
      %dma_wait3A_121 = tpu.memref_slice %arg7[%run_scoped3A_33, %dma_wait3A_120] : memref<6x5120xf32, #tpu.memory_space<vmem>> -> memref<1x5120xf32, #tpu.memory_space<vmem>>
      %dma_wait3A_122 = tpu.memref_squeeze %dma_wait3A_121 : memref<1x5120xf32, #tpu.memory_space<vmem>> -> memref<5120xf32, #tpu.memory_space<vmem>>
      %dma_wait3A_123 = tpu.memref_slice %arg3[%multiple_of3A_32] : memref<491520xf32, #tpu.memory_space<hbm>> -> memref<5120xf32, #tpu.memory_space<hbm>>
      tpu.wait_dma2 semaphore(%run_scoped3A_108 : memref<!tpu.dma_semaphore, #tpu.memory_space<semaphore_mem>>) src(%dma_wait3A_123 : memref<5120xf32, #tpu.memory_space<hbm>>) dst(%dma_wait3A_122 : memref<5120xf32, #tpu.memory_space<vmem>>)
      tpu.yield
    }) : () -> ()
    %mul3A_34 = arith.constant 3 : i32
    %mul3A_35 = arith.muli %div3A_7, %mul3A_34 : i32
    %add3A_36 = arith.constant 2 : i32
    %add3A_37 = arith.addi %mul3A_35, %add3A_36 : i32
    %mul3A_38 = arith.constant 81920 : i32
    %mul3A_39 = arith.muli %add3A_37, %mul3A_38 : i32
    %add3A_40 = arith.addi %mul3A_39, %sub3A : i32
    %multiple_of3A_41 = tpu.assume_multiple %add3A_40, 8 : i32
    %run_scoped3A_42 = arith.constant 5 : i32
    "tpu.region"() ({
      %run_scoped3A_108 = tpu.sem_alloc : memref<!tpu.dma_semaphore, #tpu.memory_space<semaphore_mem>>
      %dma_start3A = arith.constant 0 : i32
      %dma_start3A_109 = tpu.memref_slice %arg7[%run_scoped3A_42, %dma_start3A] : memref<6x5120xf32, #tpu.memory_space<vmem>> -> memref<1x5120xf32, #tpu.memory_space<vmem>>
      %dma_start3A_110 = tpu.memref_squeeze %dma_start3A_109 : memref<1x5120xf32, #tpu.memory_space<vmem>> -> memref<5120xf32, #tpu.memory_space<vmem>>
      %dma_start3A_111 = tpu.memref_slice %arg3[%multiple_of3A_41] : memref<491520xf32, #tpu.memory_space<hbm>> -> memref<5120xf32, #tpu.memory_space<hbm>>
      %dma_start3A_112 = arith.constant 0 : i32
      %dma_start3A_113 = tpu.memref_slice %arg7[%run_scoped3A_42, %dma_start3A_112] : memref<6x5120xf32, #tpu.memory_space<vmem>> -> memref<1x5120xf32, #tpu.memory_space<vmem>>
      %dma_start3A_114 = tpu.memref_squeeze %dma_start3A_113 : memref<1x5120xf32, #tpu.memory_space<vmem>> -> memref<5120xf32, #tpu.memory_space<vmem>>
      %dma_start3A_115 = tpu.memref_slice %arg3[%multiple_of3A_41] : memref<491520xf32, #tpu.memory_space<hbm>> -> memref<5120xf32, #tpu.memory_space<hbm>>
      tpu.enqueue_dma source(%dma_start3A_115 : memref<5120xf32, #tpu.memory_space<hbm>>) target(%dma_start3A_114 : memref<5120xf32, #tpu.memory_space<vmem>>) target_semaphore(%run_scoped3A_108 : memref<!tpu.dma_semaphore, #tpu.memory_space<semaphore_mem>>)
      %dma_wait3A_116 = arith.constant 0 : i32
      %dma_wait3A_117 = tpu.memref_slice %arg7[%run_scoped3A_42, %dma_wait3A_116] : memref<6x5120xf32, #tpu.memory_space<vmem>> -> memref<1x5120xf32, #tpu.memory_space<vmem>>
      %dma_wait3A_118 = tpu.memref_squeeze %dma_wait3A_117 : memref<1x5120xf32, #tpu.memory_space<vmem>> -> memref<5120xf32, #tpu.memory_space<vmem>>
      %dma_wait3A_119 = tpu.memref_slice %arg3[%multiple_of3A_41] : memref<491520xf32, #tpu.memory_space<hbm>> -> memref<5120xf32, #tpu.memory_space<hbm>>
      %dma_wait3A_120 = arith.constant 0 : i32
      %dma_wait3A_121 = tpu.memref_slice %arg7[%run_scoped3A_42, %dma_wait3A_120] : memref<6x5120xf32, #tpu.memory_space<vmem>> -> memref<1x5120xf32, #tpu.memory_space<vmem>>
      %dma_wait3A_122 = tpu.memref_squeeze %dma_wait3A_121 : memref<1x5120xf32, #tpu.memory_space<vmem>> -> memref<5120xf32, #tpu.memory_space<vmem>>
      %dma_wait3A_123 = tpu.memref_slice %arg3[%multiple_of3A_41] : memref<491520xf32, #tpu.memory_space<hbm>> -> memref<5120xf32, #tpu.memory_space<hbm>>
      tpu.wait_dma2 semaphore(%run_scoped3A_108 : memref<!tpu.dma_semaphore, #tpu.memory_space<semaphore_mem>>) src(%dma_wait3A_123 : memref<5120xf32, #tpu.memory_space<hbm>>) dst(%dma_wait3A_122 : memref<5120xf32, #tpu.memory_space<vmem>>)
      tpu.yield
    }) : () -> ()
    %dma_wait3A = arith.constant 0 : i32
    %dma_wait3A_43 = arith.constant 0 : i32
    %dma_wait3A_44 = tpu.memref_slice %arg7[%dma_wait3A, %dma_wait3A_43] : memref<6x5120xf32, #tpu.memory_space<vmem>> -> memref<1x5120xf32, #tpu.memory_space<vmem>>
    %dma_wait3A_45 = tpu.memref_squeeze %dma_wait3A_44 : memref<1x5120xf32, #tpu.memory_space<vmem>> -> memref<5120xf32, #tpu.memory_space<vmem>>
    %dma_wait3A_46 = arith.constant 0 : i32
    %dma_wait3A_47 = tpu.memref_slice %arg4[%dma_wait3A_46] : memref<49152xf32, #tpu.memory_space<hbm>> -> memref<5120xf32, #tpu.memory_space<hbm>>
    %dma_wait3A_48 = arith.constant 0 : i32
    %dma_wait3A_49 = tpu.memref_slice %arg7[%dma_wait3A, %dma_wait3A_48] : memref<6x5120xf32, #tpu.memory_space<vmem>> -> memref<1x5120xf32, #tpu.memory_space<vmem>>
    %dma_wait3A_50 = tpu.memref_squeeze %dma_wait3A_49 : memref<1x5120xf32, #tpu.memory_space<vmem>> -> memref<5120xf32, #tpu.memory_space<vmem>>
    %dma_wait3A_51 = arith.constant 0 : i32
    %dma_wait3A_52 = tpu.memref_slice %arg4[%dma_wait3A_51] : memref<49152xf32, #tpu.memory_space<hbm>> -> memref<5120xf32, #tpu.memory_space<hbm>>
    tpu.wait_dma2 semaphore(%arg8 : memref<!tpu.dma_semaphore, #tpu.memory_space<semaphore_mem>>) src(%dma_wait3A_52 : memref<5120xf32, #tpu.memory_space<hbm>>) dst(%dma_wait3A_50 : memref<5120xf32, #tpu.memory_space<vmem>>)
    %dma_wait3A_53 = arith.constant 1 : i32
    %dma_wait3A_54 = arith.constant 0 : i32
    %dma_wait3A_55 = tpu.memref_slice %arg7[%dma_wait3A_53, %dma_wait3A_54] : memref<6x5120xf32, #tpu.memory_space<vmem>> -> memref<1x5120xf32, #tpu.memory_space<vmem>>
    %dma_wait3A_56 = tpu.memref_squeeze %dma_wait3A_55 : memref<1x5120xf32, #tpu.memory_space<vmem>> -> memref<5120xf32, #tpu.memory_space<vmem>>
    %dma_wait3A_57 = arith.constant 0 : i32
    %dma_wait3A_58 = tpu.memref_slice %arg4[%dma_wait3A_57] : memref<49152xf32, #tpu.memory_space<hbm>> -> memref<5120xf32, #tpu.memory_space<hbm>>
    %dma_wait3A_59 = arith.constant 0 : i32
    %dma_wait3A_60 = tpu.memref_slice %arg7[%dma_wait3A_53, %dma_wait3A_59] : memref<6x5120xf32, #tpu.memory_space<vmem>> -> memref<1x5120xf32, #tpu.memory_space<vmem>>
    %dma_wait3A_61 = tpu.memref_squeeze %dma_wait3A_60 : memref<1x5120xf32, #tpu.memory_space<vmem>> -> memref<5120xf32, #tpu.memory_space<vmem>>
    %dma_wait3A_62 = arith.constant 0 : i32
    %dma_wait3A_63 = tpu.memref_slice %arg4[%dma_wait3A_62] : memref<49152xf32, #tpu.memory_space<hbm>> -> memref<5120xf32, #tpu.memory_space<hbm>>
    tpu.wait_dma2 semaphore(%arg8 : memref<!tpu.dma_semaphore, #tpu.memory_space<semaphore_mem>>) src(%dma_wait3A_63 : memref<5120xf32, #tpu.memory_space<hbm>>) dst(%dma_wait3A_61 : memref<5120xf32, #tpu.memory_space<vmem>>)
    %dma_wait3A_64 = arith.constant 2 : i32
    %dma_wait3A_65 = arith.constant 0 : i32
    %dma_wait3A_66 = tpu.memref_slice %arg7[%dma_wait3A_64, %dma_wait3A_65] : memref<6x5120xf32, #tpu.memory_space<vmem>> -> memref<1x5120xf32, #tpu.memory_space<vmem>>
    %dma_wait3A_67 = tpu.memref_squeeze %dma_wait3A_66 : memref<1x5120xf32, #tpu.memory_space<vmem>> -> memref<5120xf32, #tpu.memory_space<vmem>>
    %dma_wait3A_68 = arith.constant 0 : i32
    %dma_wait3A_69 = tpu.memref_slice %arg4[%dma_wait3A_68] : memref<49152xf32, #tpu.memory_space<hbm>> -> memref<5120xf32, #tpu.memory_space<hbm>>
    %dma_wait3A_70 = arith.constant 0 : i32
    %dma_wait3A_71 = tpu.memref_slice %arg7[%dma_wait3A_64, %dma_wait3A_70] : memref<6x5120xf32, #tpu.memory_space<vmem>> -> memref<1x5120xf32, #tpu.memory_space<vmem>>
    %dma_wait3A_72 = tpu.memref_squeeze %dma_wait3A_71 : memref<1x5120xf32, #tpu.memory_space<vmem>> -> memref<5120xf32, #tpu.memory_space<vmem>>
    %dma_wait3A_73 = arith.constant 0 : i32
    %dma_wait3A_74 = tpu.memref_slice %arg4[%dma_wait3A_73] : memref<49152xf32, #tpu.memory_space<hbm>> -> memref<5120xf32, #tpu.memory_space<hbm>>
    tpu.wait_dma2 semaphore(%arg8 : memref<!tpu.dma_semaphore, #tpu.memory_space<semaphore_mem>>) src(%dma_wait3A_74 : memref<5120xf32, #tpu.memory_space<hbm>>) dst(%dma_wait3A_72 : memref<5120xf32, #tpu.memory_space<vmem>>)
    %scan3A_75 = arith.constant 0 : i32
    %scan3A_76 = arith.constant 0 : i32
    %scan3A_77 = arith.constant 320 : i32
    %scan3A_78 = arith.addi %scan3A_76, %scan3A_77 : i32
    %scan3A_79 = arith.constant 1 : i32
    scf.for %scan3A_108 = %scan3A_76 to %scan3A_78 step %scan3A_79  : i32 {
      %mul3A_109 = arith.constant 16 : i32
      %mul3A_110 = arith.muli %scan3A_108, %mul3A_109 : i32
      %get3A = arith.constant 0 : i32
      %get3A_111 = arith.index_cast %get3A : i32 to index
      %get3A_112 = arith.index_cast %mul3A_110 : i32 to index
      %get3A_113 = tpu.vector_load %arg7[%get3A_111, %get3A_112] {strides = array<i32>} : memref<6x5120xf32, #tpu.memory_space<vmem>>, vector<1x16xf32>,
      %get3A_114 = vector.shape_cast %get3A_113 : vector<1x16xf32> to vector<16xf32>
      %get3A_115 = arith.constant 3 : i32
      %get3A_116 = arith.index_cast %get3A_115 : i32 to index
      %get3A_117 = arith.index_cast %mul3A_110 : i32 to index
      %get3A_118 = tpu.vector_load %arg7[%get3A_116, %get3A_117] {strides = array<i32>} : memref<6x5120xf32, #tpu.memory_space<vmem>>, vector<1x16xf32>,
      %get3A_119 = vector.shape_cast %get3A_118 : vector<1x16xf32> to vector<16xf32>
      %sub3A_120 = arith.subf %get3A_114, %get3A_119 : vector<16xf32>
      %swap3A = arith.constant 0 : i32
      %swap3A_121 = arith.index_cast %swap3A : i32 to index
      %swap3A_122 = arith.index_cast %mul3A_110 : i32 to index
      %swap3A_123 = tpu.vector_load %arg7[%swap3A_121, %swap3A_122] {strides = array<i32>} : memref<6x5120xf32, #tpu.memory_space<vmem>>, vector<1x16xf32>,
      %swap3A_124 = vector.shape_cast %swap3A_123 : vector<1x16xf32> to vector<16xf32>
      %swap3A_125 = vector.shape_cast %sub3A_120 : vector<16xf32> to vector<1x16xf32>
      tpu.vector_store %arg7[%swap3A_121, %swap3A_122], %swap3A_125 {strides = array<i32>} : memref<6x5120xf32, #tpu.memory_space<vmem>>, vector<1x16xf32>,
      %get3A_126 = arith.constant 1 : i32
      %get3A_127 = arith.index_cast %get3A_126 : i32 to index
      %get3A_128 = arith.index_cast %mul3A_110 : i32 to index
      %get3A_129 = tpu.vector_load %arg7[%get3A_127, %get3A_128] {strides = array<i32>} : memref<6x5120xf32, #tpu.memory_space<vmem>>, vector<1x16xf32>,
      %get3A_130 = vector.shape_cast %get3A_129 : vector<1x16xf32> to vector<16xf32>
      %get3A_131 = arith.constant 4 : i32
      %get3A_132 = arith.index_cast %get3A_131 : i32 to index
      %get3A_133 = arith.index_cast %mul3A_110 : i32 to index
      %get3A_134 = tpu.vector_load %arg7[%get3A_132, %get3A_133] {strides = array<i32>} : memref<6x5120xf32, #tpu.memory_space<vmem>>, vector<1x16xf32>,
      %get3A_135 = vector.shape_cast %get3A_134 : vector<1x16xf32> to vector<16xf32>
      %sub3A_136 = arith.subf %get3A_130, %get3A_135 : vector<16xf32>
      %swap3A_137 = arith.constant 1 : i32
      %swap3A_138 = arith.index_cast %swap3A_137 : i32 to index
      %swap3A_139 = arith.index_cast %mul3A_110 : i32 to index
      %swap3A_140 = tpu.vector_load %arg7[%swap3A_138, %swap3A_139] {strides = array<i32>} : memref<6x5120xf32, #tpu.memory_space<vmem>>, vector<1x16xf32>,
      %swap3A_141 = vector.shape_cast %swap3A_140 : vector<1x16xf32> to vector<16xf32>
      %swap3A_142 = vector.shape_cast %sub3A_136 : vector<16xf32> to vector<1x16xf32>
      tpu.vector_store %arg7[%swap3A_138, %swap3A_139], %swap3A_142 {strides = array<i32>} : memref<6x5120xf32, #tpu.memory_space<vmem>>, vector<1x16xf32>,
      %get3A_143 = arith.constant 2 : i32
      %get3A_144 = arith.index_cast %get3A_143 : i32 to index
      %get3A_145 = arith.index_cast %mul3A_110 : i32 to index
      %get3A_146 = tpu.vector_load %arg7[%get3A_144, %get3A_145] {strides = array<i32>} : memref<6x5120xf32, #tpu.memory_space<vmem>>, vector<1x16xf32>,
      %get3A_147 = vector.shape_cast %get3A_146 : vector<1x16xf32> to vector<16xf32>
      %get3A_148 = arith.constant 5 : i32
      %get3A_149 = arith.index_cast %get3A_148 : i32 to index
      %get3A_150 = arith.index_cast %mul3A_110 : i32 to index
      %get3A_151 = tpu.vector_load %arg7[%get3A_149, %get3A_150] {strides = array<i32>} : memref<6x5120xf32, #tpu.memory_space<vmem>>, vector<1x16xf32>,
      %get3A_152 = vector.shape_cast %get3A_151 : vector<1x16xf32> to vector<16xf32>
      %sub3A_153 = arith.subf %get3A_147, %get3A_152 : vector<16xf32>
      %swap3A_154 = arith.constant 2 : i32
      %swap3A_155 = arith.index_cast %swap3A_154 : i32 to index
      %swap3A_156 = arith.index_cast %mul3A_110 : i32 to index
      %swap3A_157 = tpu.vector_load %arg7[%swap3A_155, %swap3A_156] {strides = array<i32>} : memref<6x5120xf32, #tpu.memory_space<vmem>>, vector<1x16xf32>,
      %swap3A_158 = vector.shape_cast %swap3A_157 : vector<1x16xf32> to vector<16xf32>
      %swap3A_159 = vector.shape_cast %sub3A_153 : vector<16xf32> to vector<1x16xf32>
      tpu.vector_store %arg7[%swap3A_155, %swap3A_156], %swap3A_159 {strides = array<i32>} : memref<6x5120xf32, #tpu.memory_space<vmem>>, vector<1x16xf32>,
    }
    %scan3A_80 = arith.constant 320 : i32
    %mul3A_81 = arith.constant 3 : i32
    %mul3A_82 = arith.muli %div3A_7, %mul3A_81 : i32
    %add3A_83 = arith.constant 0 : i32
    %add3A_84 = arith.addi %mul3A_82, %add3A_83 : i32
    %mul3A_85 = arith.constant 81920 : i32
    %mul3A_86 = arith.muli %add3A_84, %mul3A_85 : i32
    %add3A_87 = arith.addi %mul3A_86, %sub3A : i32
    %multiple_of3A_88 = tpu.assume_multiple %add3A_87, 8 : i32
    %run_scoped3A_89 = arith.constant 0 : i32
    "tpu.region"() ({
      %run_scoped3A_108 = tpu.sem_alloc : memref<!tpu.dma_semaphore, #tpu.memory_space<semaphore_mem>>
      %dma_start3A = arith.constant 0 : i32
      %dma_start3A_109 = tpu.memref_slice %arg7[%run_scoped3A_89, %dma_start3A] : memref<6x5120xf32, #tpu.memory_space<vmem>> -> memref<1x5120xf32, #tpu.memory_space<vmem>>
      %dma_start3A_110 = tpu.memref_squeeze %dma_start3A_109 : memref<1x5120xf32, #tpu.memory_space<vmem>> -> memref<5120xf32, #tpu.memory_space<vmem>>
      %dma_start3A_111 = tpu.memref_slice %arg5[%multiple_of3A_88] : memref<491520xf32, #tpu.memory_space<hbm>> -> memref<5120xf32, #tpu.memory_space<hbm>>
      %dma_start3A_112 = tpu.memref_slice %arg5[%multiple_of3A_88] : memref<491520xf32, #tpu.memory_space<hbm>> -> memref<5120xf32, #tpu.memory_space<hbm>>
      %dma_start3A_113 = arith.constant 0 : i32
      %dma_start3A_114 = tpu.memref_slice %arg7[%run_scoped3A_89, %dma_start3A_113] : memref<6x5120xf32, #tpu.memory_space<vmem>> -> memref<1x5120xf32, #tpu.memory_space<vmem>>
      %dma_start3A_115 = tpu.memref_squeeze %dma_start3A_114 : memref<1x5120xf32, #tpu.memory_space<vmem>> -> memref<5120xf32, #tpu.memory_space<vmem>>
      tpu.enqueue_dma source(%dma_start3A_115 : memref<5120xf32, #tpu.memory_space<vmem>>) target(%dma_start3A_112 : memref<5120xf32, #tpu.memory_space<hbm>>) target_semaphore(%run_scoped3A_108 : memref<!tpu.dma_semaphore, #tpu.memory_space<semaphore_mem>>)
      %dma_wait3A_116 = arith.constant 0 : i32
      %dma_wait3A_117 = tpu.memref_slice %arg7[%run_scoped3A_89, %dma_wait3A_116] : memref<6x5120xf32, #tpu.memory_space<vmem>> -> memref<1x5120xf32, #tpu.memory_space<vmem>>
      %dma_wait3A_118 = tpu.memref_squeeze %dma_wait3A_117 : memref<1x5120xf32, #tpu.memory_space<vmem>> -> memref<5120xf32, #tpu.memory_space<vmem>>
      %dma_wait3A_119 = tpu.memref_slice %arg5[%multiple_of3A_88] : memref<491520xf32, #tpu.memory_space<hbm>> -> memref<5120xf32, #tpu.memory_space<hbm>>
      %dma_wait3A_120 = tpu.memref_slice %arg5[%multiple_of3A_88] : memref<491520xf32, #tpu.memory_space<hbm>> -> memref<5120xf32, #tpu.memory_space<hbm>>
      %dma_wait3A_121 = arith.constant 0 : i32
      %dma_wait3A_122 = tpu.memref_slice %arg7[%run_scoped3A_89, %dma_wait3A_121] : memref<6x5120xf32, #tpu.memory_space<vmem>> -> memref<1x5120xf32, #tpu.memory_space<vmem>>
      %dma_wait3A_123 = tpu.memref_squeeze %dma_wait3A_122 : memref<1x5120xf32, #tpu.memory_space<vmem>> -> memref<5120xf32, #tpu.memory_space<vmem>>
      tpu.wait_dma2 semaphore(%run_scoped3A_108 : memref<!tpu.dma_semaphore, #tpu.memory_space<semaphore_mem>>) src(%dma_wait3A_123 : memref<5120xf32, #tpu.memory_space<vmem>>) dst(%dma_wait3A_120 : memref<5120xf32, #tpu.memory_space<hbm>>)
      tpu.yield
    }) : () -> ()
    %mul3A_90 = arith.constant 3 : i32
    %mul3A_91 = arith.muli %div3A_7, %mul3A_90 : i32
    %add3A_92 = arith.constant 1 : i32
    %add3A_93 = arith.addi %mul3A_91, %add3A_92 : i32
    %mul3A_94 = arith.constant 81920 : i32
    %mul3A_95 = arith.muli %add3A_93, %mul3A_94 : i32
    %add3A_96 = arith.addi %mul3A_95, %sub3A : i32
    %multiple_of3A_97 = tpu.assume_multiple %add3A_96, 8 : i32
    %run_scoped3A_98 = arith.constant 1 : i32
    "tpu.region"() ({
      %run_scoped3A_108 = tpu.sem_alloc : memref<!tpu.dma_semaphore, #tpu.memory_space<semaphore_mem>>
      %dma_start3A = arith.constant 0 : i32
      %dma_start3A_109 = tpu.memref_slice %arg7[%run_scoped3A_98, %dma_start3A] : memref<6x5120xf32, #tpu.memory_space<vmem>> -> memref<1x5120xf32, #tpu.memory_space<vmem>>
      %dma_start3A_110 = tpu.memref_squeeze %dma_start3A_109 : memref<1x5120xf32, #tpu.memory_space<vmem>> -> memref<5120xf32, #tpu.memory_space<vmem>>
      %dma_start3A_111 = tpu.memref_slice %arg5[%multiple_of3A_97] : memref<491520xf32, #tpu.memory_space<hbm>> -> memref<5120xf32, #tpu.memory_space<hbm>>
      %dma_start3A_112 = tpu.memref_slice %arg5[%multiple_of3A_97] : memref<491520xf32, #tpu.memory_space<hbm>> -> memref<5120xf32, #tpu.memory_space<hbm>>
      %dma_start3A_113 = arith.constant 0 : i32
      %dma_start3A_114 = tpu.memref_slice %arg7[%run_scoped3A_98, %dma_start3A_113] : memref<6x5120xf32, #tpu.memory_space<vmem>> -> memref<1x5120xf32, #tpu.memory_space<vmem>>
      %dma_start3A_115 = tpu.memref_squeeze %dma_start3A_114 : memref<1x5120xf32, #tpu.memory_space<vmem>> -> memref<5120xf32, #tpu.memory_space<vmem>>
      tpu.enqueue_dma source(%dma_start3A_115 : memref<5120xf32, #tpu.memory_space<vmem>>) target(%dma_start3A_112 : memref<5120xf32, #tpu.memory_space<hbm>>) target_semaphore(%run_scoped3A_108 : memref<!tpu.dma_semaphore, #tpu.memory_space<semaphore_mem>>)
      %dma_wait3A_116 = arith.constant 0 : i32
      %dma_wait3A_117 = tpu.memref_slice %arg7[%run_scoped3A_98, %dma_wait3A_116] : memref<6x5120xf32, #tpu.memory_space<vmem>> -> memref<1x5120xf32, #tpu.memory_space<vmem>>
      %dma_wait3A_118 = tpu.memref_squeeze %dma_wait3A_117 : memref<1x5120xf32, #tpu.memory_space<vmem>> -> memref<5120xf32, #tpu.memory_space<vmem>>
      %dma_wait3A_119 = tpu.memref_slice %arg5[%multiple_of3A_97] : memref<491520xf32, #tpu.memory_space<hbm>> -> memref<5120xf32, #tpu.memory_space<hbm>>
      %dma_wait3A_120 = tpu.memref_slice %arg5[%multiple_of3A_97] : memref<491520xf32, #tpu.memory_space<hbm>> -> memref<5120xf32, #tpu.memory_space<hbm>>
      %dma_wait3A_121 = arith.constant 0 : i32
      %dma_wait3A_122 = tpu.memref_slice %arg7[%run_scoped3A_98, %dma_wait3A_121] : memref<6x5120xf32, #tpu.memory_space<vmem>> -> memref<1x5120xf32, #tpu.memory_space<vmem>>
      %dma_wait3A_123 = tpu.memref_squeeze %dma_wait3A_122 : memref<1x5120xf32, #tpu.memory_space<vmem>> -> memref<5120xf32, #tpu.memory_space<vmem>>
      tpu.wait_dma2 semaphore(%run_scoped3A_108 : memref<!tpu.dma_semaphore, #tpu.memory_space<semaphore_mem>>) src(%dma_wait3A_123 : memref<5120xf32, #tpu.memory_space<vmem>>) dst(%dma_wait3A_120 : memref<5120xf32, #tpu.memory_space<hbm>>)
      tpu.yield
    }) : () -> ()
    %mul3A_99 = arith.constant 3 : i32
    %mul3A_100 = arith.muli %div3A_7, %mul3A_99 : i32
    %add3A_101 = arith.constant 2 : i32
    %add3A_102 = arith.addi %mul3A_100, %add3A_101 : i32
    %mul3A_103 = arith.constant 81920 : i32
    %mul3A_104 = arith.muli %add3A_102, %mul3A_103 : i32
    %add3A_105 = arith.addi %mul3A_104, %sub3A : i32
    %multiple_of3A_106 = tpu.assume_multiple %add3A_105, 8 : i32
    %run_scoped3A_107 = arith.constant 2 : i32
    "tpu.region"() ({
      %run_scoped3A_108 = tpu.sem_alloc : memref<!tpu.dma_semaphore, #tpu.memory_space<semaphore_mem>>
      %dma_start3A = arith.constant 0 : i32
      %dma_start3A_109 = tpu.memref_slice %arg7[%run_scoped3A_107, %dma_start3A] : memref<6x5120xf32, #tpu.memory_space<vmem>> -> memref<1x5120xf32, #tpu.memory_space<vmem>>
      %dma_start3A_110 = tpu.memref_squeeze %dma_start3A_109 : memref<1x5120xf32, #tpu.memory_space<vmem>> -> memref<5120xf32, #tpu.memory_space<vmem>>
      %dma_start3A_111 = tpu.memref_slice %arg5[%multiple_of3A_106] : memref<491520xf32, #tpu.memory_space<hbm>> -> memref<5120xf32, #tpu.memory_space<hbm>>
      %dma_start3A_112 = tpu.memref_slice %arg5[%multiple_of3A_106] : memref<491520xf32, #tpu.memory_space<hbm>> -> memref<5120xf32, #tpu.memory_space<hbm>>
      %dma_start3A_113 = arith.constant 0 : i32
      %dma_start3A_114 = tpu.memref_slice %arg7[%run_scoped3A_107, %dma_start3A_113] : memref<6x5120xf32, #tpu.memory_space<vmem>> -> memref<1x5120xf32, #tpu.memory_space<vmem>>
      %dma_start3A_115 = tpu.memref_squeeze %dma_start3A_114 : memref<1x5120xf32, #tpu.memory_space<vmem>> -> memref<5120xf32, #tpu.memory_space<vmem>>
      tpu.enqueue_dma source(%dma_start3A_115 : memref<5120xf32, #tpu.memory_space<vmem>>) target(%dma_start3A_112 : memref<5120xf32, #tpu.memory_space<hbm>>) target_semaphore(%run_scoped3A_108 : memref<!tpu.dma_semaphore, #tpu.memory_space<semaphore_mem>>)
      %dma_wait3A_116 = arith.constant 0 : i32
      %dma_wait3A_117 = tpu.memref_slice %arg7[%run_scoped3A_107, %dma_wait3A_116] : memref<6x5120xf32, #tpu.memory_space<vmem>> -> memref<1x5120xf32, #tpu.memory_space<vmem>>
      %dma_wait3A_118 = tpu.memref_squeeze %dma_wait3A_117 : memref<1x5120xf32, #tpu.memory_space<vmem>> -> memref<5120xf32, #tpu.memory_space<vmem>>
      %dma_wait3A_119 = tpu.memref_slice %arg5[%multiple_of3A_106] : memref<491520xf32, #tpu.memory_space<hbm>> -> memref<5120xf32, #tpu.memory_space<hbm>>
      %dma_wait3A_120 = tpu.memref_slice %arg5[%multiple_of3A_106] : memref<491520xf32, #tpu.memory_space<hbm>> -> memref<5120xf32, #tpu.memory_space<hbm>>
      %dma_wait3A_121 = arith.constant 0 : i32
      %dma_wait3A_122 = tpu.memref_slice %arg7[%run_scoped3A_107, %dma_wait3A_121] : memref<6x5120xf32, #tpu.memory_space<vmem>> -> memref<1x5120xf32, #tpu.memory_space<vmem>>
      %dma_wait3A_123 = tpu.memref_squeeze %dma_wait3A_122 : memref<1x5120xf32, #tpu.memory_space<vmem>> -> memref<5120xf32, #tpu.memory_space<vmem>>
      tpu.wait_dma2 semaphore(%run_scoped3A_108 : memref<!tpu.dma_semaphore, #tpu.memory_space<semaphore_mem>>) src(%dma_wait3A_123 : memref<5120xf32, #tpu.memory_space<vmem>>) dst(%dma_wait3A_120 : memref<5120xf32, #tpu.memory_space<hbm>>)
      tpu.yield
    }) : () -> ()
    return
  }
}

#map = affine_map<(d0, d1) -> (0, 0, 0)>
#map1 = affine_map<(d0, d1) -> (0)>
module attributes {stable_mosaic.version = 14 : i64} {
  func.func @sck(%arg0: i32, %arg1: i32, %arg2: memref<3x1280x128xi32, #tpu.memory_space<hbm>>, %arg3: memref<491520xf32, #tpu.memory_space<hbm>>, %arg4: memref<49152xf32, #tpu.memory_space<hbm>>, %arg5: memref<491520xf32, #tpu.memory_space<hbm>>, %arg6: memref<120x128xi32, #tpu.memory_space<vmem>>, %arg7: memref<6x5120xf32, #tpu.memory_space<vmem>>, %arg8: memref<!tpu.dma_semaphore, #tpu.memory_space<semaphore_mem>>) attributes {dimension_semantics = [#tpu.dimension_semantics<core_parallel>, #tpu.dimension_semantics<subcore_parallel>], iteration_bounds = array<i64: 2, 16>, scalar_prefetch = 0 : i64, scratch_operands = 3 : i64, tpu.core_type = #tpu.core_type<sc_vector_subcore>, window_params = [{transform_indices = #map}, {transform_indices = #map1}, {transform_indices = #map1}, {transform_indices = #map1}]} {
    %mul3A = arith.constant 2 : i32
    %mul3A_0 = arith.muli %arg1, %mul3A : i32
    %add3A = arith.addi %mul3A_0, %arg0 : i32
    %mul3A_1 = arith.constant 5120 : i32
    %mul3A_2 = arith.muli %add3A, %mul3A_1 : i32
    %add3A_3 = arith.constant 0 : i32
    %add3A_4 = arith.addi %mul3A_2, %add3A_3 : i32
    %div3A = arith.constant 128 : i32
    %div3A_5 = arith.divsi %add3A_4, %div3A : i32
    %div3A_6 = arith.constant 81920 : i32
    %div3A_7 = arith.divsi %add3A_4, %div3A_6 : i32
    %mul3A_8 = arith.constant 81920 : i32
    %mul3A_9 = arith.muli %div3A_7, %mul3A_8 : i32
    %sub3A = arith.subi %add3A_4, %mul3A_9 : i32
    %run_scoped3A = arith.constant 0 : i32
    "tpu.region"() ({
      %run_scoped3A_108 = tpu.sem_alloc : memref<!tpu.dma_semaphore, #tpu.memory_space<semaphore_mem>>
      %dma_start3A = arith.constant 0 : i32
      %dma_start3A_109 = arith.constant 0 : i32
      %dma_start3A_110 = tpu.memref_slice %arg6[%dma_start3A, %dma_start3A_109] : memref<120x128xi32, #tpu.memory_space<vmem>> -> memref<40x128xi32, #tpu.memory_space<vmem>>
      %dma_start3A_111 = arith.constant 0 : i32
      %dma_start3A_112 = tpu.memref_slice %arg2[%run_scoped3A, %div3A_5, %dma_start3A_111] : memref<3x1280x128xi32, #tpu.memory_space<hbm>> -> memref<1x40x128xi32, #tpu.memory_space<hbm>>
      %dma_start3A_113 = tpu.memref_squeeze %dma_start3A_112 : memref<1x40x128xi32, #tpu.memory_space<hbm>> -> memref<40x128xi32, #tpu.memory_space<hbm>>
      %dma_start3A_114 = arith.constant 0 : i32
      %dma_start3A_115 = arith.constant 0 : i32
      %dma_start3A_116 = tpu.memref_slice %arg6[%dma_start3A_114, %dma_start3A_115] : memref<120x128xi32, #tpu.memory_space<vmem>> -> memref<40x128xi32, #tpu.memory_space<vmem>>
      %dma_start3A_117 = arith.constant 0 : i32
      %dma_start3A_118 = tpu.memref_slice %arg2[%run_scoped3A, %div3A_5, %dma_start3A_117] : memref<3x1280x128xi32, #tpu.memory_space<hbm>> -> memref<1x40x128xi32, #tpu.memory_space<hbm>>
      %dma_start3A_119 = tpu.memref_squeeze %dma_start3A_118 : memref<1x40x128xi32, #tpu.memory_space<hbm>> -> memref<40x128xi32, #tpu.memory_space<hbm>>
      tpu.enqueue_dma source(%dma_start3A_119 : memref<40x128xi32, #tpu.memory_space<hbm>>) target(%dma_start3A_116 : memref<40x128xi32, #tpu.memory_space<vmem>>) target_semaphore(%run_scoped3A_108 : memref<!tpu.dma_semaphore, #tpu.memory_space<semaphore_mem>>)
      %dma_wait3A_120 = arith.constant 0 : i32
      %dma_wait3A_121 = arith.constant 0 : i32
      %dma_wait3A_122 = tpu.memref_slice %arg6[%dma_wait3A_120, %dma_wait3A_121] : memref<120x128xi32, #tpu.memory_space<vmem>> -> memref<40x128xi32, #tpu.memory_space<vmem>>
      %dma_wait3A_123 = arith.constant 0 : i32
      %dma_wait3A_124 = tpu.memref_slice %arg2[%run_scoped3A, %div3A_5, %dma_wait3A_123] : memref<3x1280x128xi32, #tpu.memory_space<hbm>> -> memref<1x40x128xi32, #tpu.memory_space<hbm>>
      %dma_wait3A_125 = tpu.memref_squeeze %dma_wait3A_124 : memref<1x40x128xi32, #tpu.memory_space<hbm>> -> memref<40x128xi32, #tpu.memory_space<hbm>>
      %dma_wait3A_126 = arith.constant 0 : i32
      %dma_wait3A_127 = arith.constant 0 : i32
      %dma_wait3A_128 = tpu.memref_slice %arg6[%dma_wait3A_126, %dma_wait3A_127] : memref<120x128xi32, #tpu.memory_space<vmem>> -> memref<40x128xi32, #tpu.memory_space<vmem>>
      %dma_wait3A_129 = arith.constant 0 : i32
      %dma_wait3A_130 = tpu.memref_slice %arg2[%run_scoped3A, %div3A_5, %dma_wait3A_129] : memref<3x1280x128xi32, #tpu.memory_space<hbm>> -> memref<1x40x128xi32, #tpu.memory_space<hbm>>
      %dma_wait3A_131 = tpu.memref_squeeze %dma_wait3A_130 : memref<1x40x128xi32, #tpu.memory_space<hbm>> -> memref<40x128xi32, #tpu.memory_space<hbm>>
      tpu.wait_dma2 semaphore(%run_scoped3A_108 : memref<!tpu.dma_semaphore, #tpu.memory_space<semaphore_mem>>) src(%dma_wait3A_131 : memref<40x128xi32, #tpu.memory_space<hbm>>) dst(%dma_wait3A_128 : memref<40x128xi32, #tpu.memory_space<vmem>>)
      tpu.yield
    }) : () -> ()
    %run_scoped3A_10 = arith.constant 1 : i32
    "tpu.region"() ({
      %run_scoped3A_108 = tpu.sem_alloc : memref<!tpu.dma_semaphore, #tpu.memory_space<semaphore_mem>>
      %dma_start3A = arith.constant 40 : i32
      %dma_start3A_109 = arith.constant 0 : i32
      %dma_start3A_110 = tpu.memref_slice %arg6[%dma_start3A, %dma_start3A_109] : memref<120x128xi32, #tpu.memory_space<vmem>> -> memref<40x128xi32, #tpu.memory_space<vmem>>
      %dma_start3A_111 = arith.constant 0 : i32
      %dma_start3A_112 = tpu.memref_slice %arg2[%run_scoped3A_10, %div3A_5, %dma_start3A_111] : memref<3x1280x128xi32, #tpu.memory_space<hbm>> -> memref<1x40x128xi32, #tpu.memory_space<hbm>>
      %dma_start3A_113 = tpu.memref_squeeze %dma_start3A_112 : memref<1x40x128xi32, #tpu.memory_space<hbm>> -> memref<40x128xi32, #tpu.memory_space<hbm>>
      %dma_start3A_114 = arith.constant 40 : i32
      %dma_start3A_115 = arith.constant 0 : i32
      %dma_start3A_116 = tpu.memref_slice %arg6[%dma_start3A_114, %dma_start3A_115] : memref<120x128xi32, #tpu.memory_space<vmem>> -> memref<40x128xi32, #tpu.memory_space<vmem>>
      %dma_start3A_117 = arith.constant 0 : i32
      %dma_start3A_118 = tpu.memref_slice %arg2[%run_scoped3A_10, %div3A_5, %dma_start3A_117] : memref<3x1280x128xi32, #tpu.memory_space<hbm>> -> memref<1x40x128xi32, #tpu.memory_space<hbm>>
      %dma_start3A_119 = tpu.memref_squeeze %dma_start3A_118 : memref<1x40x128xi32, #tpu.memory_space<hbm>> -> memref<40x128xi32, #tpu.memory_space<hbm>>
      tpu.enqueue_dma source(%dma_start3A_119 : memref<40x128xi32, #tpu.memory_space<hbm>>) target(%dma_start3A_116 : memref<40x128xi32, #tpu.memory_space<vmem>>) target_semaphore(%run_scoped3A_108 : memref<!tpu.dma_semaphore, #tpu.memory_space<semaphore_mem>>)
      %dma_wait3A_120 = arith.constant 40 : i32
      %dma_wait3A_121 = arith.constant 0 : i32
      %dma_wait3A_122 = tpu.memref_slice %arg6[%dma_wait3A_120, %dma_wait3A_121] : memref<120x128xi32, #tpu.memory_space<vmem>> -> memref<40x128xi32, #tpu.memory_space<vmem>>
      %dma_wait3A_123 = arith.constant 0 : i32
      %dma_wait3A_124 = tpu.memref_slice %arg2[%run_scoped3A_10, %div3A_5, %dma_wait3A_123] : memref<3x1280x128xi32, #tpu.memory_space<hbm>> -> memref<1x40x128xi32, #tpu.memory_space<hbm>>
      %dma_wait3A_125 = tpu.memref_squeeze %dma_wait3A_124 : memref<1x40x128xi32, #tpu.memory_space<hbm>> -> memref<40x128xi32, #tpu.memory_space<hbm>>
      %dma_wait3A_126 = arith.constant 40 : i32
      %dma_wait3A_127 = arith.constant 0 : i32
      %dma_wait3A_128 = tpu.memref_slice %arg6[%dma_wait3A_126, %dma_wait3A_127] : memref<120x128xi32, #tpu.memory_space<vmem>> -> memref<40x128xi32, #tpu.memory_space<vmem>>
      %dma_wait3A_129 = arith.constant 0 : i32
      %dma_wait3A_130 = tpu.memref_slice %arg2[%run_scoped3A_10, %div3A_5, %dma_wait3A_129] : memref<3x1280x128xi32, #tpu.memory_space<hbm>> -> memref<1x40x128xi32, #tpu.memory_space<hbm>>
      %dma_wait3A_131 = tpu.memref_squeeze %dma_wait3A_130 : memref<1x40x128xi32, #tpu.memory_space<hbm>> -> memref<40x128xi32, #tpu.memory_space<hbm>>
      tpu.wait_dma2 semaphore(%run_scoped3A_108 : memref<!tpu.dma_semaphore, #tpu.memory_space<semaphore_mem>>) src(%dma_wait3A_131 : memref<40x128xi32, #tpu.memory_space<hbm>>) dst(%dma_wait3A_128 : memref<40x128xi32, #tpu.memory_space<vmem>>)
      tpu.yield
    }) : () -> ()
    %run_scoped3A_11 = arith.constant 2 : i32
    "tpu.region"() ({
      %run_scoped3A_108 = tpu.sem_alloc : memref<!tpu.dma_semaphore, #tpu.memory_space<semaphore_mem>>
      %dma_start3A = arith.constant 80 : i32
      %dma_start3A_109 = arith.constant 0 : i32
      %dma_start3A_110 = tpu.memref_slice %arg6[%dma_start3A, %dma_start3A_109] : memref<120x128xi32, #tpu.memory_space<vmem>> -> memref<40x128xi32, #tpu.memory_space<vmem>>
      %dma_start3A_111 = arith.constant 0 : i32
      %dma_start3A_112 = tpu.memref_slice %arg2[%run_scoped3A_11, %div3A_5, %dma_start3A_111] : memref<3x1280x128xi32, #tpu.memory_space<hbm>> -> memref<1x40x128xi32, #tpu.memory_space<hbm>>
      %dma_start3A_113 = tpu.memref_squeeze %dma_start3A_112 : memref<1x40x128xi32, #tpu.memory_space<hbm>> -> memref<40x128xi32, #tpu.memory_space<hbm>>
      %dma_start3A_114 = arith.constant 80 : i32
      %dma_start3A_115 = arith.constant 0 : i32
      %dma_start3A_116 = tpu.memref_slice %arg6[%dma_start3A_114, %dma_start3A_115] : memref<120x128xi32, #tpu.memory_space<vmem>> -> memref<40x128xi32, #tpu.memory_space<vmem>>
      %dma_start3A_117 = arith.constant 0 : i32
      %dma_start3A_118 = tpu.memref_slice %arg2[%run_scoped3A_11, %div3A_5, %dma_start3A_117] : memref<3x1280x128xi32, #tpu.memory_space<hbm>> -> memref<1x40x128xi32, #tpu.memory_space<hbm>>
      %dma_start3A_119 = tpu.memref_squeeze %dma_start3A_118 : memref<1x40x128xi32, #tpu.memory_space<hbm>> -> memref<40x128xi32, #tpu.memory_space<hbm>>
      tpu.enqueue_dma source(%dma_start3A_119 : memref<40x128xi32, #tpu.memory_space<hbm>>) target(%dma_start3A_116 : memref<40x128xi32, #tpu.memory_space<vmem>>) target_semaphore(%run_scoped3A_108 : memref<!tpu.dma_semaphore, #tpu.memory_space<semaphore_mem>>)
      %dma_wait3A_120 = arith.constant 80 : i32
      %dma_wait3A_121 = arith.constant 0 : i32
      %dma_wait3A_122 = tpu.memref_slice %arg6[%dma_wait3A_120, %dma_wait3A_121] : memref<120x128xi32, #tpu.memory_space<vmem>> -> memref<40x128xi32, #tpu.memory_space<vmem>>
      %dma_wait3A_123 = arith.constant 0 : i32
      %dma_wait3A_124 = tpu.memref_slice %arg2[%run_scoped3A_11, %div3A_5, %dma_wait3A_123] : memref<3x1280x128xi32, #tpu.memory_space<hbm>> -> memref<1x40x128xi32, #tpu.memory_space<hbm>>
      %dma_wait3A_125 = tpu.memref_squeeze %dma_wait3A_124 : memref<1x40x128xi32, #tpu.memory_space<hbm>> -> memref<40x128xi32, #tpu.memory_space<hbm>>
      %dma_wait3A_126 = arith.constant 80 : i32
      %dma_wait3A_127 = arith.constant 0 : i32
      %dma_wait3A_128 = tpu.memref_slice %arg6[%dma_wait3A_126, %dma_wait3A_127] : memref<120x128xi32, #tpu.memory_space<vmem>> -> memref<40x128xi32, #tpu.memory_space<vmem>>
      %dma_wait3A_129 = arith.constant 0 : i32
      %dma_wait3A_130 = tpu.memref_slice %arg2[%run_scoped3A_11, %div3A_5, %dma_wait3A_129] : memref<3x1280x128xi32, #tpu.memory_space<hbm>> -> memref<1x40x128xi32, #tpu.memory_space<hbm>>
      %dma_wait3A_131 = tpu.memref_squeeze %dma_wait3A_130 : memref<1x40x128xi32, #tpu.memory_space<hbm>> -> memref<40x128xi32, #tpu.memory_space<hbm>>
      tpu.wait_dma2 semaphore(%run_scoped3A_108 : memref<!tpu.dma_semaphore, #tpu.memory_space<semaphore_mem>>) src(%dma_wait3A_131 : memref<40x128xi32, #tpu.memory_space<hbm>>) dst(%dma_wait3A_128 : memref<40x128xi32, #tpu.memory_space<vmem>>)
      tpu.yield
    }) : () -> ()
    %scan3A = arith.constant 0 : i32
    %scan3A_12 = arith.constant 0 : i32
    %scan3A_13 = arith.constant 40 : i32
    %scan3A_14 = arith.addi %scan3A_12, %scan3A_13 : i32
    %scan3A_15 = arith.constant 1 : i32
    scf.for %scan3A_108 = %scan3A_12 to %scan3A_14 step %scan3A_15  : i32 {
      %add3A_109 = arith.constant 0 : i32
      %add3A_110 = arith.addi %add3A_109, %scan3A_108 : i32
      %mul3A_111 = arith.constant 128 : i32
      %mul3A_112 = arith.muli %scan3A_108, %mul3A_111 : i32
      %dma_start3A = arith.constant 0 : i32
      %dma_start3A_113 = tpu.memref_slice %arg7[%dma_start3A, %mul3A_112] : memref<6x5120xf32, #tpu.memory_space<vmem>> -> memref<1x128xf32, #tpu.memory_space<vmem>>
      %dma_start3A_114 = tpu.memref_squeeze %dma_start3A_113 : memref<1x128xf32, #tpu.memory_space<vmem>> -> memref<128xf32, #tpu.memory_space<vmem>>
      %dma_start3A_115 = arith.constant 0 : i32
      %dma_start3A_116 = tpu.memref_slice %arg6[%add3A_110, %dma_start3A_115] : memref<120x128xi32, #tpu.memory_space<vmem>> -> memref<1x128xi32, #tpu.memory_space<vmem>>
      %dma_start3A_117 = tpu.memref_squeeze %dma_start3A_116 : memref<1x128xi32, #tpu.memory_space<vmem>> -> memref<128xi32, #tpu.memory_space<vmem>>
      %dma_start3A_118 = arith.constant 0 : i32
      %dma_start3A_119 = tpu.memref_slice %arg4[%dma_start3A_118] : memref<49152xf32, #tpu.memory_space<hbm>> -> memref<49152xf32, #tpu.memory_space<hbm>>
      tpu.enqueue_indirect_dma source(%dma_start3A_119 : memref<49152xf32, #tpu.memory_space<hbm>>) target(%dma_start3A_114 : memref<128xf32, #tpu.memory_space<vmem>>) offsets(%dma_start3A_117 : memref<128xi32, #tpu.memory_space<vmem>>) semaphore(%arg8 : memref<!tpu.dma_semaphore, #tpu.memory_space<semaphore_mem>>)
      %add3A_120 = arith.constant 40 : i32
      %add3A_121 = arith.addi %add3A_120, %scan3A_108 : i32
      %mul3A_122 = arith.constant 128 : i32
      %mul3A_123 = arith.muli %scan3A_108, %mul3A_122 : i32
      %dma_start3A_124 = arith.constant 1 : i32
      %dma_start3A_125 = tpu.memref_slice %arg7[%dma_start3A_124, %mul3A_123] : memref<6x5120xf32, #tpu.memory_space<vmem>> -> memref<1x128xf32, #tpu.memory_space<vmem>>
      %dma_start3A_126 = tpu.memref_squeeze %dma_start3A_125 : memref<1x128xf32, #tpu.memory_space<vmem>> -> memref<128xf32, #tpu.memory_space<vmem>>
      %dma_start3A_127 = arith.constant 0 : i32
      %dma_start3A_128 = tpu.memref_slice %arg6[%add3A_121, %dma_start3A_127] : memref<120x128xi32, #tpu.memory_space<vmem>> -> memref<1x128xi32, #tpu.memory_space<vmem>>
      %dma_start3A_129 = tpu.memref_squeeze %dma_start3A_128 : memref<1x128xi32, #tpu.memory_space<vmem>> -> memref<128xi32, #tpu.memory_space<vmem>>
      %dma_start3A_130 = arith.constant 0 : i32
      %dma_start3A_131 = tpu.memref_slice %arg4[%dma_start3A_130] : memref<49152xf32, #tpu.memory_space<hbm>> -> memref<49152xf32, #tpu.memory_space<hbm>>
      tpu.enqueue_indirect_dma source(%dma_start3A_131 : memref<49152xf32, #tpu.memory_space<hbm>>) target(%dma_start3A_126 : memref<128xf32, #tpu.memory_space<vmem>>) offsets(%dma_start3A_129 : memref<128xi32, #tpu.memory_space<vmem>>) semaphore(%arg8 : memref<!tpu.dma_semaphore, #tpu.memory_space<semaphore_mem>>)
      %add3A_132 = arith.constant 80 : i32
      %add3A_133 = arith.addi %add3A_132, %scan3A_108 : i32
      %mul3A_134 = arith.constant 128 : i32
      %mul3A_135 = arith.muli %scan3A_108, %mul3A_134 : i32
      %dma_start3A_136 = arith.constant 2 : i32
      %dma_start3A_137 = tpu.memref_slice %arg7[%dma_start3A_136, %mul3A_135] : memref<6x5120xf32, #tpu.memory_space<vmem>> -> memref<1x128xf32, #tpu.memory_space<vmem>>
      %dma_start3A_138 = tpu.memref_squeeze %dma_start3A_137 : memref<1x128xf32, #tpu.memory_space<vmem>> -> memref<128xf32, #tpu.memory_space<vmem>>
      %dma_start3A_139 = arith.constant 0 : i32
      %dma_start3A_140 = tpu.memref_slice %arg6[%add3A_133, %dma_start3A_139] : memref<120x128xi32, #tpu.memory_space<vmem>> -> memref<1x128xi32, #tpu.memory_space<vmem>>
      %dma_start3A_141 = tpu.memref_squeeze %dma_start3A_140 : memref<1x128xi32, #tpu.memory_space<vmem>> -> memref<128xi32, #tpu.memory_space<vmem>>
      %dma_start3A_142 = arith.constant 0 : i32
      %dma_start3A_143 = tpu.memref_slice %arg4[%dma_start3A_142] : memref<49152xf32, #tpu.memory_space<hbm>> -> memref<49152xf32, #tpu.memory_space<hbm>>
      tpu.enqueue_indirect_dma source(%dma_start3A_143 : memref<49152xf32, #tpu.memory_space<hbm>>) target(%dma_start3A_138 : memref<128xf32, #tpu.memory_space<vmem>>) offsets(%dma_start3A_141 : memref<128xi32, #tpu.memory_space<vmem>>) semaphore(%arg8 : memref<!tpu.dma_semaphore, #tpu.memory_space<semaphore_mem>>)
    }
    %scan3A_16 = arith.constant 40 : i32
    %mul3A_17 = arith.constant 3 : i32
    %mul3A_18 = arith.muli %div3A_7, %mul3A_17 : i32
    %add3A_19 = arith.constant 0 : i32
    %add3A_20 = arith.addi %mul3A_18, %add3A_19 : i32
    %mul3A_21 = arith.constant 81920 : i32
    %mul3A_22 = arith.muli %add3A_20, %mul3A_21 : i32
    %add3A_23 = arith.addi %mul3A_22, %sub3A : i32
    %multiple_of3A = tpu.assume_multiple %add3A_23, 8 : i32
    %run_scoped3A_24 = arith.constant 3 : i32
    "tpu.region"() ({
      %run_scoped3A_108 = tpu.sem_alloc : memref<!tpu.dma_semaphore, #tpu.memory_space<semaphore_mem>>
      %dma_start3A = arith.constant 0 : i32
      %dma_start3A_109 = tpu.memref_slice %arg7[%run_scoped3A_24, %dma_start3A] : memref<6x5120xf32, #tpu.memory_space<vmem>> -> memref<1x5120xf32, #tpu.memory_space<vmem>>
      %dma_start3A_110 = tpu.memref_squeeze %dma_start3A_109 : memref<1x5120xf32, #tpu.memory_space<vmem>> -> memref<5120xf32, #tpu.memory_space<vmem>>
      %dma_start3A_111 = tpu.memref_slice %arg3[%multiple_of3A] : memref<491520xf32, #tpu.memory_space<hbm>> -> memref<5120xf32, #tpu.memory_space<hbm>>
      %dma_start3A_112 = arith.constant 0 : i32
      %dma_start3A_113 = tpu.memref_slice %arg7[%run_scoped3A_24, %dma_start3A_112] : memref<6x5120xf32, #tpu.memory_space<vmem>> -> memref<1x5120xf32, #tpu.memory_space<vmem>>
      %dma_start3A_114 = tpu.memref_squeeze %dma_start3A_113 : memref<1x5120xf32, #tpu.memory_space<vmem>> -> memref<5120xf32, #tpu.memory_space<vmem>>
      %dma_start3A_115 = tpu.memref_slice %arg3[%multiple_of3A] : memref<491520xf32, #tpu.memory_space<hbm>> -> memref<5120xf32, #tpu.memory_space<hbm>>
      tpu.enqueue_dma source(%dma_start3A_115 : memref<5120xf32, #tpu.memory_space<hbm>>) target(%dma_start3A_114 : memref<5120xf32, #tpu.memory_space<vmem>>) target_semaphore(%run_scoped3A_108 : memref<!tpu.dma_semaphore, #tpu.memory_space<semaphore_mem>>)
      %dma_wait3A_116 = arith.constant 0 : i32
      %dma_wait3A_117 = tpu.memref_slice %arg7[%run_scoped3A_24, %dma_wait3A_116] : memref<6x5120xf32, #tpu.memory_space<vmem>> -> memref<1x5120xf32, #tpu.memory_space<vmem>>
      %dma_wait3A_118 = tpu.memref_squeeze %dma_wait3A_117 : memref<1x5120xf32, #tpu.memory_space<vmem>> -> memref<5120xf32, #tpu.memory_space<vmem>>
      %dma_wait3A_119 = tpu.memref_slice %arg3[%multiple_of3A] : memref<491520xf32, #tpu.memory_space<hbm>> -> memref<5120xf32, #tpu.memory_space<hbm>>
      %dma_wait3A_120 = arith.constant 0 : i32
      %dma_wait3A_121 = tpu.memref_slice %arg7[%run_scoped3A_24, %dma_wait3A_120] : memref<6x5120xf32, #tpu.memory_space<vmem>> -> memref<1x5120xf32, #tpu.memory_space<vmem>>
      %dma_wait3A_122 = tpu.memref_squeeze %dma_wait3A_121 : memref<1x5120xf32, #tpu.memory_space<vmem>> -> memref<5120xf32, #tpu.memory_space<vmem>>
      %dma_wait3A_123 = tpu.memref_slice %arg3[%multiple_of3A] : memref<491520xf32, #tpu.memory_space<hbm>> -> memref<5120xf32, #tpu.memory_space<hbm>>
      tpu.wait_dma2 semaphore(%run_scoped3A_108 : memref<!tpu.dma_semaphore, #tpu.memory_space<semaphore_mem>>) src(%dma_wait3A_123 : memref<5120xf32, #tpu.memory_space<hbm>>) dst(%dma_wait3A_122 : memref<5120xf32, #tpu.memory_space<vmem>>)
      tpu.yield
    }) : () -> ()
    %mul3A_25 = arith.constant 3 : i32
    %mul3A_26 = arith.muli %div3A_7, %mul3A_25 : i32
    %add3A_27 = arith.constant 1 : i32
    %add3A_28 = arith.addi %mul3A_26, %add3A_27 : i32
    %mul3A_29 = arith.constant 81920 : i32
    %mul3A_30 = arith.muli %add3A_28, %mul3A_29 : i32
    %add3A_31 = arith.addi %mul3A_30, %sub3A : i32
    %multiple_of3A_32 = tpu.assume_multiple %add3A_31, 8 : i32
    %run_scoped3A_33 = arith.constant 4 : i32
    "tpu.region"() ({
      %run_scoped3A_108 = tpu.sem_alloc : memref<!tpu.dma_semaphore, #tpu.memory_space<semaphore_mem>>
      %dma_start3A = arith.constant 0 : i32
      %dma_start3A_109 = tpu.memref_slice %arg7[%run_scoped3A_33, %dma_start3A] : memref<6x5120xf32, #tpu.memory_space<vmem>> -> memref<1x5120xf32, #tpu.memory_space<vmem>>
      %dma_start3A_110 = tpu.memref_squeeze %dma_start3A_109 : memref<1x5120xf32, #tpu.memory_space<vmem>> -> memref<5120xf32, #tpu.memory_space<vmem>>
      %dma_start3A_111 = tpu.memref_slice %arg3[%multiple_of3A_32] : memref<491520xf32, #tpu.memory_space<hbm>> -> memref<5120xf32, #tpu.memory_space<hbm>>
      %dma_start3A_112 = arith.constant 0 : i32
      %dma_start3A_113 = tpu.memref_slice %arg7[%run_scoped3A_33, %dma_start3A_112] : memref<6x5120xf32, #tpu.memory_space<vmem>> -> memref<1x5120xf32, #tpu.memory_space<vmem>>
      %dma_start3A_114 = tpu.memref_squeeze %dma_start3A_113 : memref<1x5120xf32, #tpu.memory_space<vmem>> -> memref<5120xf32, #tpu.memory_space<vmem>>
      %dma_start3A_115 = tpu.memref_slice %arg3[%multiple_of3A_32] : memref<491520xf32, #tpu.memory_space<hbm>> -> memref<5120xf32, #tpu.memory_space<hbm>>
      tpu.enqueue_dma source(%dma_start3A_115 : memref<5120xf32, #tpu.memory_space<hbm>>) target(%dma_start3A_114 : memref<5120xf32, #tpu.memory_space<vmem>>) target_semaphore(%run_scoped3A_108 : memref<!tpu.dma_semaphore, #tpu.memory_space<semaphore_mem>>)
      %dma_wait3A_116 = arith.constant 0 : i32
      %dma_wait3A_117 = tpu.memref_slice %arg7[%run_scoped3A_33, %dma_wait3A_116] : memref<6x5120xf32, #tpu.memory_space<vmem>> -> memref<1x5120xf32, #tpu.memory_space<vmem>>
      %dma_wait3A_118 = tpu.memref_squeeze %dma_wait3A_117 : memref<1x5120xf32, #tpu.memory_space<vmem>> -> memref<5120xf32, #tpu.memory_space<vmem>>
      %dma_wait3A_119 = tpu.memref_slice %arg3[%multiple_of3A_32] : memref<491520xf32, #tpu.memory_space<hbm>> -> memref<5120xf32, #tpu.memory_space<hbm>>
      %dma_wait3A_120 = arith.constant 0 : i32
      %dma_wait3A_121 = tpu.memref_slice %arg7[%run_scoped3A_33, %dma_wait3A_120] : memref<6x5120xf32, #tpu.memory_space<vmem>> -> memref<1x5120xf32, #tpu.memory_space<vmem>>
      %dma_wait3A_122 = tpu.memref_squeeze %dma_wait3A_121 : memref<1x5120xf32, #tpu.memory_space<vmem>> -> memref<5120xf32, #tpu.memory_space<vmem>>
      %dma_wait3A_123 = tpu.memref_slice %arg3[%multiple_of3A_32] : memref<491520xf32, #tpu.memory_space<hbm>> -> memref<5120xf32, #tpu.memory_space<hbm>>
      tpu.wait_dma2 semaphore(%run_scoped3A_108 : memref<!tpu.dma_semaphore, #tpu.memory_space<semaphore_mem>>) src(%dma_wait3A_123 : memref<5120xf32, #tpu.memory_space<hbm>>) dst(%dma_wait3A_122 : memref<5120xf32, #tpu.memory_space<vmem>>)
      tpu.yield
    }) : () -> ()
    %mul3A_34 = arith.constant 3 : i32
    %mul3A_35 = arith.muli %div3A_7, %mul3A_34 : i32
    %add3A_36 = arith.constant 2 : i32
    %add3A_37 = arith.addi %mul3A_35, %add3A_36 : i32
    %mul3A_38 = arith.constant 81920 : i32
    %mul3A_39 = arith.muli %add3A_37, %mul3A_38 : i32
    %add3A_40 = arith.addi %mul3A_39, %sub3A : i32
    %multiple_of3A_41 = tpu.assume_multiple %add3A_40, 8 : i32
    %run_scoped3A_42 = arith.constant 5 : i32
    "tpu.region"() ({
      %run_scoped3A_108 = tpu.sem_alloc : memref<!tpu.dma_semaphore, #tpu.memory_space<semaphore_mem>>
      %dma_start3A = arith.constant 0 : i32
      %dma_start3A_109 = tpu.memref_slice %arg7[%run_scoped3A_42, %dma_start3A] : memref<6x5120xf32, #tpu.memory_space<vmem>> -> memref<1x5120xf32, #tpu.memory_space<vmem>>
      %dma_start3A_110 = tpu.memref_squeeze %dma_start3A_109 : memref<1x5120xf32, #tpu.memory_space<vmem>> -> memref<5120xf32, #tpu.memory_space<vmem>>
      %dma_start3A_111 = tpu.memref_slice %arg3[%multiple_of3A_41] : memref<491520xf32, #tpu.memory_space<hbm>> -> memref<5120xf32, #tpu.memory_space<hbm>>
      %dma_start3A_112 = arith.constant 0 : i32
      %dma_start3A_113 = tpu.memref_slice %arg7[%run_scoped3A_42, %dma_start3A_112] : memref<6x5120xf32, #tpu.memory_space<vmem>> -> memref<1x5120xf32, #tpu.memory_space<vmem>>
      %dma_start3A_114 = tpu.memref_squeeze %dma_start3A_113 : memref<1x5120xf32, #tpu.memory_space<vmem>> -> memref<5120xf32, #tpu.memory_space<vmem>>
      %dma_start3A_115 = tpu.memref_slice %arg3[%multiple_of3A_41] : memref<491520xf32, #tpu.memory_space<hbm>> -> memref<5120xf32, #tpu.memory_space<hbm>>
      tpu.enqueue_dma source(%dma_start3A_115 : memref<5120xf32, #tpu.memory_space<hbm>>) target(%dma_start3A_114 : memref<5120xf32, #tpu.memory_space<vmem>>) target_semaphore(%run_scoped3A_108 : memref<!tpu.dma_semaphore, #tpu.memory_space<semaphore_mem>>)
      %dma_wait3A_116 = arith.constant 0 : i32
      %dma_wait3A_117 = tpu.memref_slice %arg7[%run_scoped3A_42, %dma_wait3A_116] : memref<6x5120xf32, #tpu.memory_space<vmem>> -> memref<1x5120xf32, #tpu.memory_space<vmem>>
      %dma_wait3A_118 = tpu.memref_squeeze %dma_wait3A_117 : memref<1x5120xf32, #tpu.memory_space<vmem>> -> memref<5120xf32, #tpu.memory_space<vmem>>
      %dma_wait3A_119 = tpu.memref_slice %arg3[%multiple_of3A_41] : memref<491520xf32, #tpu.memory_space<hbm>> -> memref<5120xf32, #tpu.memory_space<hbm>>
      %dma_wait3A_120 = arith.constant 0 : i32
      %dma_wait3A_121 = tpu.memref_slice %arg7[%run_scoped3A_42, %dma_wait3A_120] : memref<6x5120xf32, #tpu.memory_space<vmem>> -> memref<1x5120xf32, #tpu.memory_space<vmem>>
      %dma_wait3A_122 = tpu.memref_squeeze %dma_wait3A_121 : memref<1x5120xf32, #tpu.memory_space<vmem>> -> memref<5120xf32, #tpu.memory_space<vmem>>
      %dma_wait3A_123 = tpu.memref_slice %arg3[%multiple_of3A_41] : memref<491520xf32, #tpu.memory_space<hbm>> -> memref<5120xf32, #tpu.memory_space<hbm>>
      tpu.wait_dma2 semaphore(%run_scoped3A_108 : memref<!tpu.dma_semaphore, #tpu.memory_space<semaphore_mem>>) src(%dma_wait3A_123 : memref<5120xf32, #tpu.memory_space<hbm>>) dst(%dma_wait3A_122 : memref<5120xf32, #tpu.memory_space<vmem>>)
      tpu.yield
    }) : () -> ()
    %dma_wait3A = arith.constant 0 : i32
    %dma_wait3A_43 = arith.constant 0 : i32
    %dma_wait3A_44 = tpu.memref_slice %arg7[%dma_wait3A, %dma_wait3A_43] : memref<6x5120xf32, #tpu.memory_space<vmem>> -> memref<1x5120xf32, #tpu.memory_space<vmem>>
    %dma_wait3A_45 = tpu.memref_squeeze %dma_wait3A_44 : memref<1x5120xf32, #tpu.memory_space<vmem>> -> memref<5120xf32, #tpu.memory_space<vmem>>
    %dma_wait3A_46 = arith.constant 0 : i32
    %dma_wait3A_47 = tpu.memref_slice %arg4[%dma_wait3A_46] : memref<49152xf32, #tpu.memory_space<hbm>> -> memref<5120xf32, #tpu.memory_space<hbm>>
    %dma_wait3A_48 = arith.constant 0 : i32
    %dma_wait3A_49 = tpu.memref_slice %arg7[%dma_wait3A, %dma_wait3A_48] : memref<6x5120xf32, #tpu.memory_space<vmem>> -> memref<1x5120xf32, #tpu.memory_space<vmem>>
    %dma_wait3A_50 = tpu.memref_squeeze %dma_wait3A_49 : memref<1x5120xf32, #tpu.memory_space<vmem>> -> memref<5120xf32, #tpu.memory_space<vmem>>
    %dma_wait3A_51 = arith.constant 0 : i32
    %dma_wait3A_52 = tpu.memref_slice %arg4[%dma_wait3A_51] : memref<49152xf32, #tpu.memory_space<hbm>> -> memref<5120xf32, #tpu.memory_space<hbm>>
    tpu.wait_dma2 semaphore(%arg8 : memref<!tpu.dma_semaphore, #tpu.memory_space<semaphore_mem>>) src(%dma_wait3A_52 : memref<5120xf32, #tpu.memory_space<hbm>>) dst(%dma_wait3A_50 : memref<5120xf32, #tpu.memory_space<vmem>>)
    %dma_wait3A_53 = arith.constant 1 : i32
    %dma_wait3A_54 = arith.constant 0 : i32
    %dma_wait3A_55 = tpu.memref_slice %arg7[%dma_wait3A_53, %dma_wait3A_54] : memref<6x5120xf32, #tpu.memory_space<vmem>> -> memref<1x5120xf32, #tpu.memory_space<vmem>>
    %dma_wait3A_56 = tpu.memref_squeeze %dma_wait3A_55 : memref<1x5120xf32, #tpu.memory_space<vmem>> -> memref<5120xf32, #tpu.memory_space<vmem>>
    %dma_wait3A_57 = arith.constant 0 : i32
    %dma_wait3A_58 = tpu.memref_slice %arg4[%dma_wait3A_57] : memref<49152xf32, #tpu.memory_space<hbm>> -> memref<5120xf32, #tpu.memory_space<hbm>>
    %dma_wait3A_59 = arith.constant 0 : i32
    %dma_wait3A_60 = tpu.memref_slice %arg7[%dma_wait3A_53, %dma_wait3A_59] : memref<6x5120xf32, #tpu.memory_space<vmem>> -> memref<1x5120xf32, #tpu.memory_space<vmem>>
    %dma_wait3A_61 = tpu.memref_squeeze %dma_wait3A_60 : memref<1x5120xf32, #tpu.memory_space<vmem>> -> memref<5120xf32, #tpu.memory_space<vmem>>
    %dma_wait3A_62 = arith.constant 0 : i32
    %dma_wait3A_63 = tpu.memref_slice %arg4[%dma_wait3A_62] : memref<49152xf32, #tpu.memory_space<hbm>> -> memref<5120xf32, #tpu.memory_space<hbm>>
    tpu.wait_dma2 semaphore(%arg8 : memref<!tpu.dma_semaphore, #tpu.memory_space<semaphore_mem>>) src(%dma_wait3A_63 : memref<5120xf32, #tpu.memory_space<hbm>>) dst(%dma_wait3A_61 : memref<5120xf32, #tpu.memory_space<vmem>>)
    %dma_wait3A_64 = arith.constant 2 : i32
    %dma_wait3A_65 = arith.constant 0 : i32
    %dma_wait3A_66 = tpu.memref_slice %arg7[%dma_wait3A_64, %dma_wait3A_65] : memref<6x5120xf32, #tpu.memory_space<vmem>> -> memref<1x5120xf32, #tpu.memory_space<vmem>>
    %dma_wait3A_67 = tpu.memref_squeeze %dma_wait3A_66 : memref<1x5120xf32, #tpu.memory_space<vmem>> -> memref<5120xf32, #tpu.memory_space<vmem>>
    %dma_wait3A_68 = arith.constant 0 : i32
    %dma_wait3A_69 = tpu.memref_slice %arg4[%dma_wait3A_68] : memref<49152xf32, #tpu.memory_space<hbm>> -> memref<5120xf32, #tpu.memory_space<hbm>>
    %dma_wait3A_70 = arith.constant 0 : i32
    %dma_wait3A_71 = tpu.memref_slice %arg7[%dma_wait3A_64, %dma_wait3A_70] : memref<6x5120xf32, #tpu.memory_space<vmem>> -> memref<1x5120xf32, #tpu.memory_space<vmem>>
    %dma_wait3A_72 = tpu.memref_squeeze %dma_wait3A_71 : memref<1x5120xf32, #tpu.memory_space<vmem>> -> memref<5120xf32, #tpu.memory_space<vmem>>
    %dma_wait3A_73 = arith.constant 0 : i32
    %dma_wait3A_74 = tpu.memref_slice %arg4[%dma_wait3A_73] : memref<49152xf32, #tpu.memory_space<hbm>> -> memref<5120xf32, #tpu.memory_space<hbm>>
    tpu.wait_dma2 semaphore(%arg8 : memref<!tpu.dma_semaphore, #tpu.memory_space<semaphore_mem>>) src(%dma_wait3A_74 : memref<5120xf32, #tpu.memory_space<hbm>>) dst(%dma_wait3A_72 : memref<5120xf32, #tpu.memory_space<vmem>>)
    %scan3A_75 = arith.constant 0 : i32
    %scan3A_76 = arith.constant 0 : i32
    %scan3A_77 = arith.constant 320 : i32
    %scan3A_78 = arith.addi %scan3A_76, %scan3A_77 : i32
    %scan3A_79 = arith.constant 1 : i32
    scf.for %scan3A_108 = %scan3A_76 to %scan3A_78 step %scan3A_79  : i32 {
      %mul3A_109 = arith.constant 16 : i32
      %mul3A_110 = arith.muli %scan3A_108, %mul3A_109 : i32
      %get3A = arith.constant 0 : i32
      %get3A_111 = arith.index_cast %get3A : i32 to index
      %get3A_112 = arith.index_cast %mul3A_110 : i32 to index
      %get3A_113 = tpu.vector_load %arg7[%get3A_111, %get3A_112] {strides = array<i32>} : memref<6x5120xf32, #tpu.memory_space<vmem>>, vector<1x16xf32>,
      %get3A_114 = vector.shape_cast %get3A_113 : vector<1x16xf32> to vector<16xf32>
      %get3A_115 = arith.constant 3 : i32
      %get3A_116 = arith.index_cast %get3A_115 : i32 to index
      %get3A_117 = arith.index_cast %mul3A_110 : i32 to index
      %get3A_118 = tpu.vector_load %arg7[%get3A_116, %get3A_117] {strides = array<i32>} : memref<6x5120xf32, #tpu.memory_space<vmem>>, vector<1x16xf32>,
      %get3A_119 = vector.shape_cast %get3A_118 : vector<1x16xf32> to vector<16xf32>
      %sub3A_120 = arith.subf %get3A_114, %get3A_119 : vector<16xf32>
      %swap3A = arith.constant 0 : i32
      %swap3A_121 = arith.index_cast %swap3A : i32 to index
      %swap3A_122 = arith.index_cast %mul3A_110 : i32 to index
      %swap3A_123 = tpu.vector_load %arg7[%swap3A_121, %swap3A_122] {strides = array<i32>} : memref<6x5120xf32, #tpu.memory_space<vmem>>, vector<1x16xf32>,
      %swap3A_124 = vector.shape_cast %swap3A_123 : vector<1x16xf32> to vector<16xf32>
      %swap3A_125 = vector.shape_cast %sub3A_120 : vector<16xf32> to vector<1x16xf32>
      tpu.vector_store %arg7[%swap3A_121, %swap3A_122], %swap3A_125 {strides = array<i32>} : memref<6x5120xf32, #tpu.memory_space<vmem>>, vector<1x16xf32>,
      %get3A_126 = arith.constant 1 : i32
      %get3A_127 = arith.index_cast %get3A_126 : i32 to index
      %get3A_128 = arith.index_cast %mul3A_110 : i32 to index
      %get3A_129 = tpu.vector_load %arg7[%get3A_127, %get3A_128] {strides = array<i32>} : memref<6x5120xf32, #tpu.memory_space<vmem>>, vector<1x16xf32>,
      %get3A_130 = vector.shape_cast %get3A_129 : vector<1x16xf32> to vector<16xf32>
      %get3A_131 = arith.constant 4 : i32
      %get3A_132 = arith.index_cast %get3A_131 : i32 to index
      %get3A_133 = arith.index_cast %mul3A_110 : i32 to index
      %get3A_134 = tpu.vector_load %arg7[%get3A_132, %get3A_133] {strides = array<i32>} : memref<6x5120xf32, #tpu.memory_space<vmem>>, vector<1x16xf32>,
      %get3A_135 = vector.shape_cast %get3A_134 : vector<1x16xf32> to vector<16xf32>
      %sub3A_136 = arith.subf %get3A_130, %get3A_135 : vector<16xf32>
      %swap3A_137 = arith.constant 1 : i32
      %swap3A_138 = arith.index_cast %swap3A_137 : i32 to index
      %swap3A_139 = arith.index_cast %mul3A_110 : i32 to index
      %swap3A_140 = tpu.vector_load %arg7[%swap3A_138, %swap3A_139] {strides = array<i32>} : memref<6x5120xf32, #tpu.memory_space<vmem>>, vector<1x16xf32>,
      %swap3A_141 = vector.shape_cast %swap3A_140 : vector<1x16xf32> to vector<16xf32>
      %swap3A_142 = vector.shape_cast %sub3A_136 : vector<16xf32> to vector<1x16xf32>
      tpu.vector_store %arg7[%swap3A_138, %swap3A_139], %swap3A_142 {strides = array<i32>} : memref<6x5120xf32, #tpu.memory_space<vmem>>, vector<1x16xf32>,
      %get3A_143 = arith.constant 2 : i32
      %get3A_144 = arith.index_cast %get3A_143 : i32 to index
      %get3A_145 = arith.index_cast %mul3A_110 : i32 to index
      %get3A_146 = tpu.vector_load %arg7[%get3A_144, %get3A_145] {strides = array<i32>} : memref<6x5120xf32, #tpu.memory_space<vmem>>, vector<1x16xf32>,
      %get3A_147 = vector.shape_cast %get3A_146 : vector<1x16xf32> to vector<16xf32>
      %get3A_148 = arith.constant 5 : i32
      %get3A_149 = arith.index_cast %get3A_148 : i32 to index
      %get3A_150 = arith.index_cast %mul3A_110 : i32 to index
      %get3A_151 = tpu.vector_load %arg7[%get3A_149, %get3A_150] {strides = array<i32>} : memref<6x5120xf32, #tpu.memory_space<vmem>>, vector<1x16xf32>,
      %get3A_152 = vector.shape_cast %get3A_151 : vector<1x16xf32> to vector<16xf32>
      %sub3A_153 = arith.subf %get3A_147, %get3A_152 : vector<16xf32>
      %swap3A_154 = arith.constant 2 : i32
      %swap3A_155 = arith.index_cast %swap3A_154 : i32 to index
      %swap3A_156 = arith.index_cast %mul3A_110 : i32 to index
      %swap3A_157 = tpu.vector_load %arg7[%swap3A_155, %swap3A_156] {strides = array<i32>} : memref<6x5120xf32, #tpu.memory_space<vmem>>, vector<1x16xf32>,
      %swap3A_158 = vector.shape_cast %swap3A_157 : vector<1x16xf32> to vector<16xf32>
      %swap3A_159 = vector.shape_cast %sub3A_153 : vector<16xf32> to vector<1x16xf32>
      tpu.vector_store %arg7[%swap3A_155, %swap3A_156], %swap3A_159 {strides = array<i32>} : memref<6x5120xf32, #tpu.memory_space<vmem>>, vector<1x16xf32>,
    }
    %scan3A_80 = arith.constant 320 : i32
    %mul3A_81 = arith.constant 3 : i32
    %mul3A_82 = arith.muli %div3A_7, %mul3A_81 : i32
    %add3A_83 = arith.constant 0 : i32
    %add3A_84 = arith.addi %mul3A_82, %add3A_83 : i32
    %mul3A_85 = arith.constant 81920 : i32
    %mul3A_86 = arith.muli %add3A_84, %mul3A_85 : i32
    %add3A_87 = arith.addi %mul3A_86, %sub3A : i32
    %multiple_of3A_88 = tpu.assume_multiple %add3A_87, 8 : i32
    %run_scoped3A_89 = arith.constant 0 : i32
    "tpu.region"() ({
      %run_scoped3A_108 = tpu.sem_alloc : memref<!tpu.dma_semaphore, #tpu.memory_space<semaphore_mem>>
      %dma_start3A = arith.constant 0 : i32
      %dma_start3A_109 = tpu.memref_slice %arg7[%run_scoped3A_89, %dma_start3A] : memref<6x5120xf32, #tpu.memory_space<vmem>> -> memref<1x5120xf32, #tpu.memory_space<vmem>>
      %dma_start3A_110 = tpu.memref_squeeze %dma_start3A_109 : memref<1x5120xf32, #tpu.memory_space<vmem>> -> memref<5120xf32, #tpu.memory_space<vmem>>
      %dma_start3A_111 = tpu.memref_slice %arg5[%multiple_of3A_88] : memref<491520xf32, #tpu.memory_space<hbm>> -> memref<5120xf32, #tpu.memory_space<hbm>>
      %dma_start3A_112 = tpu.memref_slice %arg5[%multiple_of3A_88] : memref<491520xf32, #tpu.memory_space<hbm>> -> memref<5120xf32, #tpu.memory_space<hbm>>
      %dma_start3A_113 = arith.constant 0 : i32
      %dma_start3A_114 = tpu.memref_slice %arg7[%run_scoped3A_89, %dma_start3A_113] : memref<6x5120xf32, #tpu.memory_space<vmem>> -> memref<1x5120xf32, #tpu.memory_space<vmem>>
      %dma_start3A_115 = tpu.memref_squeeze %dma_start3A_114 : memref<1x5120xf32, #tpu.memory_space<vmem>> -> memref<5120xf32, #tpu.memory_space<vmem>>
      tpu.enqueue_dma source(%dma_start3A_115 : memref<5120xf32, #tpu.memory_space<vmem>>) target(%dma_start3A_112 : memref<5120xf32, #tpu.memory_space<hbm>>) target_semaphore(%run_scoped3A_108 : memref<!tpu.dma_semaphore, #tpu.memory_space<semaphore_mem>>)
      %dma_wait3A_116 = arith.constant 0 : i32
      %dma_wait3A_117 = tpu.memref_slice %arg7[%run_scoped3A_89, %dma_wait3A_116] : memref<6x5120xf32, #tpu.memory_space<vmem>> -> memref<1x5120xf32, #tpu.memory_space<vmem>>
      %dma_wait3A_118 = tpu.memref_squeeze %dma_wait3A_117 : memref<1x5120xf32, #tpu.memory_space<vmem>> -> memref<5120xf32, #tpu.memory_space<vmem>>
      %dma_wait3A_119 = tpu.memref_slice %arg5[%multiple_of3A_88] : memref<491520xf32, #tpu.memory_space<hbm>> -> memref<5120xf32, #tpu.memory_space<hbm>>
      %dma_wait3A_120 = tpu.memref_slice %arg5[%multiple_of3A_88] : memref<491520xf32, #tpu.memory_space<hbm>> -> memref<5120xf32, #tpu.memory_space<hbm>>
      %dma_wait3A_121 = arith.constant 0 : i32
      %dma_wait3A_122 = tpu.memref_slice %arg7[%run_scoped3A_89, %dma_wait3A_121] : memref<6x5120xf32, #tpu.memory_space<vmem>> -> memref<1x5120xf32, #tpu.memory_space<vmem>>
      %dma_wait3A_123 = tpu.memref_squeeze %dma_wait3A_122 : memref<1x5120xf32, #tpu.memory_space<vmem>> -> memref<5120xf32, #tpu.memory_space<vmem>>
      tpu.wait_dma2 semaphore(%run_scoped3A_108 : memref<!tpu.dma_semaphore, #tpu.memory_space<semaphore_mem>>) src(%dma_wait3A_123 : memref<5120xf32, #tpu.memory_space<vmem>>) dst(%dma_wait3A_120 : memref<5120xf32, #tpu.memory_space<hbm>>)
      tpu.yield
    }) : () -> ()
    %mul3A_90 = arith.constant 3 : i32
    %mul3A_91 = arith.muli %div3A_7, %mul3A_90 : i32
    %add3A_92 = arith.constant 1 : i32
    %add3A_93 = arith.addi %mul3A_91, %add3A_92 : i32
    %mul3A_94 = arith.constant 81920 : i32
    %mul3A_95 = arith.muli %add3A_93, %mul3A_94 : i32
    %add3A_96 = arith.addi %mul3A_95, %sub3A : i32
    %multiple_of3A_97 = tpu.assume_multiple %add3A_96, 8 : i32
    %run_scoped3A_98 = arith.constant 1 : i32
    "tpu.region"() ({
      %run_scoped3A_108 = tpu.sem_alloc : memref<!tpu.dma_semaphore, #tpu.memory_space<semaphore_mem>>
      %dma_start3A = arith.constant 0 : i32
      %dma_start3A_109 = tpu.memref_slice %arg7[%run_scoped3A_98, %dma_start3A] : memref<6x5120xf32, #tpu.memory_space<vmem>> -> memref<1x5120xf32, #tpu.memory_space<vmem>>
      %dma_start3A_110 = tpu.memref_squeeze %dma_start3A_109 : memref<1x5120xf32, #tpu.memory_space<vmem>> -> memref<5120xf32, #tpu.memory_space<vmem>>
      %dma_start3A_111 = tpu.memref_slice %arg5[%multiple_of3A_97] : memref<491520xf32, #tpu.memory_space<hbm>> -> memref<5120xf32, #tpu.memory_space<hbm>>
      %dma_start3A_112 = tpu.memref_slice %arg5[%multiple_of3A_97] : memref<491520xf32, #tpu.memory_space<hbm>> -> memref<5120xf32, #tpu.memory_space<hbm>>
      %dma_start3A_113 = arith.constant 0 : i32
      %dma_start3A_114 = tpu.memref_slice %arg7[%run_scoped3A_98, %dma_start3A_113] : memref<6x5120xf32, #tpu.memory_space<vmem>> -> memref<1x5120xf32, #tpu.memory_space<vmem>>
      %dma_start3A_115 = tpu.memref_squeeze %dma_start3A_114 : memref<1x5120xf32, #tpu.memory_space<vmem>> -> memref<5120xf32, #tpu.memory_space<vmem>>
      tpu.enqueue_dma source(%dma_start3A_115 : memref<5120xf32, #tpu.memory_space<vmem>>) target(%dma_start3A_112 : memref<5120xf32, #tpu.memory_space<hbm>>) target_semaphore(%run_scoped3A_108 : memref<!tpu.dma_semaphore, #tpu.memory_space<semaphore_mem>>)
      %dma_wait3A_116 = arith.constant 0 : i32
      %dma_wait3A_117 = tpu.memref_slice %arg7[%run_scoped3A_98, %dma_wait3A_116] : memref<6x5120xf32, #tpu.memory_space<vmem>> -> memref<1x5120xf32, #tpu.memory_space<vmem>>
      %dma_wait3A_118 = tpu.memref_squeeze %dma_wait3A_117 : memref<1x5120xf32, #tpu.memory_space<vmem>> -> memref<5120xf32, #tpu.memory_space<vmem>>
      %dma_wait3A_119 = tpu.memref_slice %arg5[%multiple_of3A_97] : memref<491520xf32, #tpu.memory_space<hbm>> -> memref<5120xf32, #tpu.memory_space<hbm>>
      %dma_wait3A_120 = tpu.memref_slice %arg5[%multiple_of3A_97] : memref<491520xf32, #tpu.memory_space<hbm>> -> memref<5120xf32, #tpu.memory_space<hbm>>
      %dma_wait3A_121 = arith.constant 0 : i32
      %dma_wait3A_122 = tpu.memref_slice %arg7[%run_scoped3A_98, %dma_wait3A_121] : memref<6x5120xf32, #tpu.memory_space<vmem>> -> memref<1x5120xf32, #tpu.memory_space<vmem>>
      %dma_wait3A_123 = tpu.memref_squeeze %dma_wait3A_122 : memref<1x5120xf32, #tpu.memory_space<vmem>> -> memref<5120xf32, #tpu.memory_space<vmem>>
      tpu.wait_dma2 semaphore(%run_scoped3A_108 : memref<!tpu.dma_semaphore, #tpu.memory_space<semaphore_mem>>) src(%dma_wait3A_123 : memref<5120xf32, #tpu.memory_space<vmem>>) dst(%dma_wait3A_120 : memref<5120xf32, #tpu.memory_space<hbm>>)
      tpu.yield
    }) : () -> ()
    %mul3A_99 = arith.constant 3 : i32
    %mul3A_100 = arith.muli %div3A_7, %mul3A_99 : i32
    %add3A_101 = arith.constant 2 : i32
    %add3A_102 = arith.addi %mul3A_100, %add3A_101 : i32
    %mul3A_103 = arith.constant 81920 : i32
    %mul3A_104 = arith.muli %add3A_102, %mul3A_103 : i32
    %add3A_105 = arith.addi %mul3A_104, %sub3A : i32
    %multiple_of3A_106 = tpu.assume_multiple %add3A_105, 8 : i32
    %run_scoped3A_107 = arith.constant 2 : i32
    "tpu.region"() ({
      %run_scoped3A_108 = tpu.sem_alloc : memref<!tpu.dma_semaphore, #tpu.memory_space<semaphore_mem>>
      %dma_start3A = arith.constant 0 : i32
      %dma_start3A_109 = tpu.memref_slice %arg7[%run_scoped3A_107, %dma_start3A] : memref<6x5120xf32, #tpu.memory_space<vmem>> -> memref<1x5120xf32, #tpu.memory_space<vmem>>
      %dma_start3A_110 = tpu.memref_squeeze %dma_start3A_109 : memref<1x5120xf32, #tpu.memory_space<vmem>> -> memref<5120xf32, #tpu.memory_space<vmem>>
      %dma_start3A_111 = tpu.memref_slice %arg5[%multiple_of3A_106] : memref<491520xf32, #tpu.memory_space<hbm>> -> memref<5120xf32, #tpu.memory_space<hbm>>
      %dma_start3A_112 = tpu.memref_slice %arg5[%multiple_of3A_106] : memref<491520xf32, #tpu.memory_space<hbm>> -> memref<5120xf32, #tpu.memory_space<hbm>>
      %dma_start3A_113 = arith.constant 0 : i32
      %dma_start3A_114 = tpu.memref_slice %arg7[%run_scoped3A_107, %dma_start3A_113] : memref<6x5120xf32, #tpu.memory_space<vmem>> -> memref<1x5120xf32, #tpu.memory_space<vmem>>
      %dma_start3A_115 = tpu.memref_squeeze %dma_start3A_114 : memref<1x5120xf32, #tpu.memory_space<vmem>> -> memref<5120xf32, #tpu.memory_space<vmem>>
      tpu.enqueue_dma source(%dma_start3A_115 : memref<5120xf32, #tpu.memory_space<vmem>>) target(%dma_start3A_112 : memref<5120xf32, #tpu.memory_space<hbm>>) target_semaphore(%run_scoped3A_108 : memref<!tpu.dma_semaphore, #tpu.memory_space<semaphore_mem>>)
      %dma_wait3A_116 = arith.constant 0 : i32
      %dma_wait3A_117 = tpu.memref_slice %arg7[%run_scoped3A_107, %dma_wait3A_116] : memref<6x5120xf32, #tpu.memory_space<vmem>> -> memref<1x5120xf32, #tpu.memory_space<vmem>>
      %dma_wait3A_118 = tpu.memref_squeeze %dma_wait3A_117 : memref<1x5120xf32, #tpu.memory_space<vmem>> -> memref<5120xf32, #tpu.memory_space<vmem>>
      %dma_wait3A_119 = tpu.memref_slice %arg5[%multiple_of3A_106] : memref<491520xf32, #tpu.memory_space<hbm>> -> memref<5120xf32, #tpu.memory_space<hbm>>
      %dma_wait3A_120 = tpu.memref_slice %arg5[%multiple_of3A_106] : memref<491520xf32, #tpu.memory_space<hbm>> -> memref<5120xf32, #tpu.memory_space<hbm>>
      %dma_wait3A_121 = arith.constant 0 : i32
      %dma_wait3A_122 = tpu.memref_slice %arg7[%run_scoped3A_107, %dma_wait3A_121] : memref<6x5120xf32, #tpu.memory_space<vmem>> -> memref<1x5120xf32, #tpu.memory_space<vmem>>
      %dma_wait3A_123 = tpu.memref_squeeze %dma_wait3A_122 : memref<1x5120xf32, #tpu.memory_space<vmem>> -> memref<5120xf32, #tpu.memory_space<vmem>>
      tpu.wait_dma2 semaphore(%run_scoped3A_108 : memref<!tpu.dma_semaphore, #tpu.memory_space<semaphore_mem>>) src(%dma_wait3A_123 : memref<5120xf32, #tpu.memory_space<vmem>>) dst(%dma_wait3A_120 : memref<5120xf32, #tpu.memory_space<hbm>>)
      tpu.yield
    }) : () -> ()
    return
  }
}

module attributes {stable_mosaic.version = 14 : i64} {
  func.func @_topk_body(%arg0: i32, %arg1: i32, %arg2: memref<1x3x4096xf32, #tpu.memory_space<vmem>>, %arg3: memref<1x256x3xf32, #tpu.memory_space<vmem>>, %arg4: memref<3x1x256x20xi32, #tpu.memory_space<vmem>>, %arg5: memref<1x3x256x20xf32, #tpu.memory_space<vmem>>) attributes {dimension_semantics = [#tpu.dimension_semantics<parallel>, #tpu.dimension_semantics<parallel>], iteration_bounds = array<i64: 2, 16>, scalar_prefetch = 0 : i64, scratch_operands = 0 : i64, tpu.core_type = #tpu.core_type<tc>, window_params = [{transform_indices = @transform_0, window_bounds = array<i64: 1, 3, 4096>}, {transform_indices = @transform_1, window_bounds = array<i64: 1, 256, 3>}, {transform_indices = @transform_2, window_bounds = array<i64: 3, 1, 256, 20>}, {transform_indices = @transform_3, window_bounds = array<i64: 1, 3, 256, 20>}]} {
    %add3A = arith.constant 0 : i32
    %add3A_0 = arith.addi %arg0, %add3A : i32
    %get3A = arith.constant 0 : index
    %get3A_1 = arith.constant 0 : index
    %get3A_2 = arith.constant 0 : index
    %get3A_3 = vector.load %arg2[%get3A, %get3A_1, %get3A_2] : memref<1x3x4096xf32, #tpu.memory_space<vmem>>, vector<1x1x4096xf32>
    %get3A_4 = vector.shape_cast %get3A_3 : vector<1x1x4096xf32> to vector<1x4096xf32>
    %get3A_5 = arith.constant 0 : index
    %get3A_6 = arith.constant 1 : index
    %get3A_7 = arith.constant 0 : index
    %get3A_8 = vector.load %arg2[%get3A_5, %get3A_6, %get3A_7] : memref<1x3x4096xf32, #tpu.memory_space<vmem>>, vector<1x1x4096xf32>
    %get3A_9 = vector.shape_cast %get3A_8 : vector<1x1x4096xf32> to vector<1x4096xf32>
    %get3A_10 = arith.constant 0 : index
    %get3A_11 = arith.constant 2 : index
    %get3A_12 = arith.constant 0 : index
    %get3A_13 = vector.load %arg2[%get3A_10, %get3A_11, %get3A_12] : memref<1x3x4096xf32, #tpu.memory_space<vmem>>, vector<1x1x4096xf32>
    %get3A_14 = vector.shape_cast %get3A_13 : vector<1x1x4096xf32> to vector<1x4096xf32>
    %get3A_15 = arith.constant 0 : index
    %get3A_16 = arith.constant 0 : index
    %get3A_17 = arith.constant 0 : index
    %get3A_18 = vector.load %arg3[%get3A_15, %get3A_16, %get3A_17] : memref<1x256x3xf32, #tpu.memory_space<vmem>>, vector<1x256x1xf32>
    %get3A_19 = vector.shape_cast %get3A_18 : vector<1x256x1xf32> to vector<256x1xf32>
    %get3A_20 = arith.constant 0 : index
    %get3A_21 = arith.constant 0 : index
    %get3A_22 = arith.constant 1 : index
    %get3A_23 = vector.load %arg3[%get3A_20, %get3A_21, %get3A_22] : memref<1x256x3xf32, #tpu.memory_space<vmem>>, vector<1x256x1xf32>
    %get3A_24 = vector.shape_cast %get3A_23 : vector<1x256x1xf32> to vector<256x1xf32>
    %get3A_25 = arith.constant 0 : index
    %get3A_26 = arith.constant 0 : index
    %get3A_27 = arith.constant 2 : index
    %get3A_28 = vector.load %arg3[%get3A_25, %get3A_26, %get3A_27] : memref<1x256x3xf32, #tpu.memory_space<vmem>>, vector<1x256x1xf32>
    %get3A_29 = vector.shape_cast %get3A_28 : vector<1x256x1xf32> to vector<256x1xf32>
    %mul3A = arith.mulf %get3A_4, %get3A_4 : vector<1x4096xf32>
    %mul3A_30 = arith.mulf %get3A_9, %get3A_9 : vector<1x4096xf32>
    %add3A_31 = arith.addf %mul3A, %mul3A_30 : vector<1x4096xf32>
    %mul3A_32 = arith.mulf %get3A_14, %get3A_14 : vector<1x4096xf32>
    %add3A_33 = arith.addf %add3A_31, %mul3A_32 : vector<1x4096xf32>
    %mul3A_34 = arith.mulf %get3A_19, %get3A_19 : vector<256x1xf32>
    %mul3A_35 = arith.mulf %get3A_24, %get3A_24 : vector<256x1xf32>
    %add3A_36 = arith.addf %mul3A_34, %mul3A_35 : vector<256x1xf32>
    %mul3A_37 = arith.mulf %get3A_29, %get3A_29 : vector<256x1xf32>
    %add3A_38 = arith.addf %add3A_36, %mul3A_37 : vector<256x1xf32>
    %convert_element_type3A = arith.truncf %get3A_4 : vector<1x4096xf32> to vector<1x4096xbf16>
    %convert_element_type3A_39 = arith.extf %convert_element_type3A : vector<1x4096xbf16> to vector<1x4096xf32>
    %convert_element_type3A_40 = arith.truncf %get3A_9 : vector<1x4096xf32> to vector<1x4096xbf16>
    %convert_element_type3A_41 = arith.extf %convert_element_type3A_40 : vector<1x4096xbf16> to vector<1x4096xf32>
    %convert_element_type3A_42 = arith.truncf %get3A_14 : vector<1x4096xf32> to vector<1x4096xbf16>
    %convert_element_type3A_43 = arith.extf %convert_element_type3A_42 : vector<1x4096xbf16> to vector<1x4096xf32>
    %convert_element_type3A_44 = arith.truncf %get3A_19 : vector<256x1xf32> to vector<256x1xbf16>
    %convert_element_type3A_45 = arith.extf %convert_element_type3A_44 : vector<256x1xbf16> to vector<256x1xf32>
    %mul3A_46 = arith.constant 2.000000e+00 : f32
    %mul3A_47 = vector.broadcast %mul3A_46 : f32 to vector<256x1xf32>
    %mul3A_48 = arith.mulf %mul3A_47, %convert_element_type3A_45 : vector<256x1xf32>
    %convert_element_type3A_49 = arith.truncf %get3A_24 : vector<256x1xf32> to vector<256x1xbf16>
    %convert_element_type3A_50 = arith.extf %convert_element_type3A_49 : vector<256x1xbf16> to vector<256x1xf32>
    %mul3A_51 = arith.constant 2.000000e+00 : f32
    %mul3A_52 = vector.broadcast %mul3A_51 : f32 to vector<256x1xf32>
    %mul3A_53 = arith.mulf %mul3A_52, %convert_element_type3A_50 : vector<256x1xf32>
    %convert_element_type3A_54 = arith.truncf %get3A_29 : vector<256x1xf32> to vector<256x1xbf16>
    %convert_element_type3A_55 = arith.extf %convert_element_type3A_54 : vector<256x1xbf16> to vector<256x1xf32>
    %mul3A_56 = arith.constant 2.000000e+00 : f32
    %mul3A_57 = vector.broadcast %mul3A_56 : f32 to vector<256x1xf32>
    %mul3A_58 = arith.mulf %mul3A_57, %convert_element_type3A_55 : vector<256x1xf32>
    %mul3A_59 = vector.broadcast %mul3A_48 : vector<256x1xf32> to vector<256x4096xf32>
    %mul3A_60 = vector.broadcast %convert_element_type3A_39 : vector<1x4096xf32> to vector<256x4096xf32>
    %mul3A_61 = arith.mulf %mul3A_59, %mul3A_60 : vector<256x4096xf32>
    %mul3A_62 = vector.broadcast %mul3A_53 : vector<256x1xf32> to vector<256x4096xf32>
    %mul3A_63 = vector.broadcast %convert_element_type3A_41 : vector<1x4096xf32> to vector<256x4096xf32>
    %mul3A_64 = arith.mulf %mul3A_62, %mul3A_63 : vector<256x4096xf32>
    %add3A_65 = arith.addf %mul3A_61, %mul3A_64 : vector<256x4096xf32>
    %mul3A_66 = vector.broadcast %mul3A_58 : vector<256x1xf32> to vector<256x4096xf32>
    %mul3A_67 = vector.broadcast %convert_element_type3A_43 : vector<1x4096xf32> to vector<256x4096xf32>
    %mul3A_68 = arith.mulf %mul3A_66, %mul3A_67 : vector<256x4096xf32>
    %add3A_69 = arith.addf %add3A_65, %mul3A_68 : vector<256x4096xf32>
    %sub3A = vector.broadcast %add3A_38 : vector<256x1xf32> to vector<256x4096xf32>
    %sub3A_70 = arith.subf %add3A_69, %sub3A : vector<256x4096xf32>
    %sub3A_71 = vector.broadcast %add3A_33 : vector<1x4096xf32> to vector<256x4096xf32>
    %sub3A_72 = arith.subf %sub3A_70, %sub3A_71 : vector<256x4096xf32>
    %iota3A = tpu.iota {dimensions = array<i32: 1>} : vector<256x4096xi32>
    %reduce_max3A = arith.constant dense<0xFF800000> : vector<256xf32>
    %reduce_max3A_73 = vector.multi_reduction <maximumf>, %sub3A_72, %reduce_max3A [1] : vector<256x4096xf32> to vector<256xf32>
    %broadcast_in_dim3A = vector.shape_cast %reduce_max3A_73 : vector<256xf32> to vector<256x1xf32>
    %eq3A = vector.broadcast %broadcast_in_dim3A : vector<256x1xf32> to vector<256x4096xf32>
    %eq3A_74 = arith.cmpf oeq, %sub3A_72, %eq3A : vector<256x4096xf32>
    %jit3A = arith.constant 4096 : i32
    %broadcast_in_dim3A_75 = vector.broadcast %jit3A : i32 to vector<256x4096xi32>
    %select_n3A = arith.select %eq3A_74, %iota3A, %broadcast_in_dim3A_75 : vector<256x4096xi1>, vector<256x4096xi32>
    %reduce_min3A = arith.constant dense<2147483647> : vector<256xi32>
    %reduce_min3A_76 = vector.multi_reduction <minsi>, %select_n3A, %reduce_min3A [1] : vector<256x4096xi32> to vector<256xi32>
    %broadcast_in_dim3A_77 = vector.shape_cast %reduce_min3A_76 : vector<256xi32> to vector<256x1xi32>
    %eq3A_78 = vector.broadcast %broadcast_in_dim3A_77 : vector<256x1xi32> to vector<256x4096xi32>
    %eq3A_79 = arith.cmpi eq, %iota3A, %eq3A_78 : vector<256x4096xi32>
    %jit3A_80 = arith.constant -3.000000e+38 : f32
    %broadcast_in_dim3A_81 = vector.broadcast %jit3A_80 : f32 to vector<256x4096xf32>
    %select_n3A_82 = arith.select %eq3A_79, %broadcast_in_dim3A_81, %sub3A_72 : vector<256x4096xi1>, vector<256x4096xf32>
    %reduce_max3A_83 = arith.constant dense<0xFF800000> : vector<256xf32>
    %reduce_max3A_84 = vector.multi_reduction <maximumf>, %select_n3A_82, %reduce_max3A_83 [1] : vector<256x4096xf32> to vector<256xf32>
    %broadcast_in_dim3A_85 = vector.shape_cast %reduce_max3A_84 : vector<256xf32> to vector<256x1xf32>
    %eq3A_86 = vector.broadcast %broadcast_in_dim3A_85 : vector<256x1xf32> to vector<256x4096xf32>
    %eq3A_87 = arith.cmpf oeq, %select_n3A_82, %eq3A_86 : vector<256x4096xf32>
    %jit3A_88 = arith.constant 4096 : i32
    %broadcast_in_dim3A_89 = vector.broadcast %jit3A_88 : i32 to vector<256x4096xi32>
    %select_n3A_90 = arith.select %eq3A_87, %iota3A, %broadcast_in_dim3A_89 : vector<256x4096xi1>, vector<256x4096xi32>
    %reduce_min3A_91 = arith.constant dense<2147483647> : vector<256xi32>
    %reduce_min3A_92 = vector.multi_reduction <minsi>, %select_n3A_90, %reduce_min3A_91 [1] : vector<256x4096xi32> to vector<256xi32>
    %broadcast_in_dim3A_93 = vector.shape_cast %reduce_min3A_92 : vector<256xi32> to vector<256x1xi32>
    %eq3A_94 = vector.broadcast %broadcast_in_dim3A_93 : vector<256x1xi32> to vector<256x4096xi32>
    %eq3A_95 = arith.cmpi eq, %iota3A, %eq3A_94 : vector<256x4096xi32>
    %jit3A_96 = arith.constant -3.000000e+38 : f32
    %broadcast_in_dim3A_97 = vector.broadcast %jit3A_96 : f32 to vector<256x4096xf32>
    %select_n3A_98 = arith.select %eq3A_95, %broadcast_in_dim3A_97, %select_n3A_82 : vector<256x4096xi1>, vector<256x4096xf32>
    %reduce_max3A_99 = arith.constant dense<0xFF800000> : vector<256xf32>
    %reduce_max3A_100 = vector.multi_reduction <maximumf>, %select_n3A_98, %reduce_max3A_99 [1] : vector<256x4096xf32> to vector<256xf32>
    %broadcast_in_dim3A_101 = vector.shape_cast %reduce_max3A_100 : vector<256xf32> to vector<256x1xf32>
    %eq3A_102 = vector.broadcast %broadcast_in_dim3A_101 : vector<256x1xf32> to vector<256x4096xf32>
    %eq3A_103 = arith.cmpf oeq, %select_n3A_98, %eq3A_102 : vector<256x4096xf32>
    %jit3A_104 = arith.constant 4096 : i32
    %broadcast_in_dim3A_105 = vector.broadcast %jit3A_104 : i32 to vector<256x4096xi32>
    %select_n3A_106 = arith.select %eq3A_103, %iota3A, %broadcast_in_dim3A_105 : vector<256x4096xi1>, vector<256x4096xi32>
    %reduce_min3A_107 = arith.constant dense<2147483647> : vector<256xi32>
    %reduce_min3A_108 = vector.multi_reduction <minsi>, %select_n3A_106, %reduce_min3A_107 [1] : vector<256x4096xi32> to vector<256xi32>
    %broadcast_in_dim3A_109 = vector.shape_cast %reduce_min3A_108 : vector<256xi32> to vector<256x1xi32>
    %eq3A_110 = vector.broadcast %broadcast_in_dim3A_109 : vector<256x1xi32> to vector<256x4096xi32>
    %eq3A_111 = arith.cmpi eq, %iota3A, %eq3A_110 : vector<256x4096xi32>
    %jit3A_112 = arith.constant -3.000000e+38 : f32
    %broadcast_in_dim3A_113 = vector.broadcast %jit3A_112 : f32 to vector<256x4096xf32>
    %select_n3A_114 = arith.select %eq3A_111, %broadcast_in_dim3A_113, %select_n3A_98 : vector<256x4096xi1>, vector<256x4096xf32>
    %reduce_max3A_115 = arith.constant dense<0xFF800000> : vector<256xf32>
    %reduce_max3A_116 = vector.multi_reduction <maximumf>, %select_n3A_114, %reduce_max3A_115 [1] : vector<256x4096xf32> to vector<256xf32>
    %broadcast_in_dim3A_117 = vector.shape_cast %reduce_max3A_116 : vector<256xf32> to vector<256x1xf32>
    %eq3A_118 = vector.broadcast %broadcast_in_dim3A_117 : vector<256x1xf32> to vector<256x4096xf32>
    %eq3A_119 = arith.cmpf oeq, %select_n3A_114, %eq3A_118 : vector<256x4096xf32>
    %jit3A_120 = arith.constant 4096 : i32
    %broadcast_in_dim3A_121 = vector.broadcast %jit3A_120 : i32 to vector<256x4096xi32>
    %select_n3A_122 = arith.select %eq3A_119, %iota3A, %broadcast_in_dim3A_121 : vector<256x4096xi1>, vector<256x4096xi32>
    %reduce_min3A_123 = arith.constant dense<2147483647> : vector<256xi32>
    %reduce_min3A_124 = vector.multi_reduction <minsi>, %select_n3A_122, %reduce_min3A_123 [1] : vector<256x4096xi32> to vector<256xi32>
    %broadcast_in_dim3A_125 = vector.shape_cast %reduce_min3A_124 : vector<256xi32> to vector<256x1xi32>
    %eq3A_126 = vector.broadcast %broadcast_in_dim3A_125 : vector<256x1xi32> to vector<256x4096xi32>
    %eq3A_127 = arith.cmpi eq, %iota3A, %eq3A_126 : vector<256x4096xi32>
    %jit3A_128 = arith.constant -3.000000e+38 : f32
    %broadcast_in_dim3A_129 = vector.broadcast %jit3A_128 : f32 to vector<256x4096xf32>
    %select_n3A_130 = arith.select %eq3A_127, %broadcast_in_dim3A_129, %select_n3A_114 : vector<256x4096xi1>, vector<256x4096xf32>
    %reduce_max3A_131 = arith.constant dense<0xFF800000> : vector<256xf32>
    %reduce_max3A_132 = vector.multi_reduction <maximumf>, %select_n3A_130, %reduce_max3A_131 [1] : vector<256x4096xf32> to vector<256xf32>
    %broadcast_in_dim3A_133 = vector.shape_cast %reduce_max3A_132 : vector<256xf32> to vector<256x1xf32>
    %eq3A_134 = vector.broadcast %broadcast_in_dim3A_133 : vector<256x1xf32> to vector<256x4096xf32>
    %eq3A_135 = arith.cmpf oeq, %select_n3A_130, %eq3A_134 : vector<256x4096xf32>
    %jit3A_136 = arith.constant 4096 : i32
    %broadcast_in_dim3A_137 = vector.broadcast %jit3A_136 : i32 to vector<256x4096xi32>
    %select_n3A_138 = arith.select %eq3A_135, %iota3A, %broadcast_in_dim3A_137 : vector<256x4096xi1>, vector<256x4096xi32>
    %reduce_min3A_139 = arith.constant dense<2147483647> : vector<256xi32>
    %reduce_min3A_140 = vector.multi_reduction <minsi>, %select_n3A_138, %reduce_min3A_139 [1] : vector<256x4096xi32> to vector<256xi32>
    %broadcast_in_dim3A_141 = vector.shape_cast %reduce_min3A_140 : vector<256xi32> to vector<256x1xi32>
    %eq3A_142 = vector.broadcast %broadcast_in_dim3A_141 : vector<256x1xi32> to vector<256x4096xi32>
    %eq3A_143 = arith.cmpi eq, %iota3A, %eq3A_142 : vector<256x4096xi32>
    %jit3A_144 = arith.constant -3.000000e+38 : f32
    %broadcast_in_dim3A_145 = vector.broadcast %jit3A_144 : f32 to vector<256x4096xf32>
    %select_n3A_146 = arith.select %eq3A_143, %broadcast_in_dim3A_145, %select_n3A_130 : vector<256x4096xi1>, vector<256x4096xf32>
    %reduce_max3A_147 = arith.constant dense<0xFF800000> : vector<256xf32>
    %reduce_max3A_148 = vector.multi_reduction <maximumf>, %select_n3A_146, %reduce_max3A_147 [1] : vector<256x4096xf32> to vector<256xf32>
    %broadcast_in_dim3A_149 = vector.shape_cast %reduce_max3A_148 : vector<256xf32> to vector<256x1xf32>
    %eq3A_150 = vector.broadcast %broadcast_in_dim3A_149 : vector<256x1xf32> to vector<256x4096xf32>
    %eq3A_151 = arith.cmpf oeq, %select_n3A_146, %eq3A_150 : vector<256x4096xf32>
    %jit3A_152 = arith.constant 4096 : i32
    %broadcast_in_dim3A_153 = vector.broadcast %jit3A_152 : i32 to vector<256x4096xi32>
    %select_n3A_154 = arith.select %eq3A_151, %iota3A, %broadcast_in_dim3A_153 : vector<256x4096xi1>, vector<256x4096xi32>
    %reduce_min3A_155 = arith.constant dense<2147483647> : vector<256xi32>
    %reduce_min3A_156 = vector.multi_reduction <minsi>, %select_n3A_154, %reduce_min3A_155 [1] : vector<256x4096xi32> to vector<256xi32>
    %broadcast_in_dim3A_157 = vector.shape_cast %reduce_min3A_156 : vector<256xi32> to vector<256x1xi32>
    %eq3A_158 = vector.broadcast %broadcast_in_dim3A_157 : vector<256x1xi32> to vector<256x4096xi32>
    %eq3A_159 = arith.cmpi eq, %iota3A, %eq3A_158 : vector<256x4096xi32>
    %jit3A_160 = arith.constant -3.000000e+38 : f32
    %broadcast_in_dim3A_161 = vector.broadcast %jit3A_160 : f32 to vector<256x4096xf32>
    %select_n3A_162 = arith.select %eq3A_159, %broadcast_in_dim3A_161, %select_n3A_146 : vector<256x4096xi1>, vector<256x4096xf32>
    %reduce_max3A_163 = arith.constant dense<0xFF800000> : vector<256xf32>
    %reduce_max3A_164 = vector.multi_reduction <maximumf>, %select_n3A_162, %reduce_max3A_163 [1] : vector<256x4096xf32> to vector<256xf32>
    %broadcast_in_dim3A_165 = vector.shape_cast %reduce_max3A_164 : vector<256xf32> to vector<256x1xf32>
    %eq3A_166 = vector.broadcast %broadcast_in_dim3A_165 : vector<256x1xf32> to vector<256x4096xf32>
    %eq3A_167 = arith.cmpf oeq, %select_n3A_162, %eq3A_166 : vector<256x4096xf32>
    %jit3A_168 = arith.constant 4096 : i32
    %broadcast_in_dim3A_169 = vector.broadcast %jit3A_168 : i32 to vector<256x4096xi32>
    %select_n3A_170 = arith.select %eq3A_167, %iota3A, %broadcast_in_dim3A_169 : vector<256x4096xi1>, vector<256x4096xi32>
    %reduce_min3A_171 = arith.constant dense<2147483647> : vector<256xi32>
    %reduce_min3A_172 = vector.multi_reduction <minsi>, %select_n3A_170, %reduce_min3A_171 [1] : vector<256x4096xi32> to vector<256xi32>
    %broadcast_in_dim3A_173 = vector.shape_cast %reduce_min3A_172 : vector<256xi32> to vector<256x1xi32>
    %eq3A_174 = vector.broadcast %broadcast_in_dim3A_173 : vector<256x1xi32> to vector<256x4096xi32>
    %eq3A_175 = arith.cmpi eq, %iota3A, %eq3A_174 : vector<256x4096xi32>
    %jit3A_176 = arith.constant -3.000000e+38 : f32
    %broadcast_in_dim3A_177 = vector.broadcast %jit3A_176 : f32 to vector<256x4096xf32>
    %select_n3A_178 = arith.select %eq3A_175, %broadcast_in_dim3A_177, %select_n3A_162 : vector<256x4096xi1>, vector<256x4096xf32>
    %reduce_max3A_179 = arith.constant dense<0xFF800000> : vector<256xf32>
    %reduce_max3A_180 = vector.multi_reduction <maximumf>, %select_n3A_178, %reduce_max3A_179 [1] : vector<256x4096xf32> to vector<256xf32>
    %broadcast_in_dim3A_181 = vector.shape_cast %reduce_max3A_180 : vector<256xf32> to vector<256x1xf32>
    %eq3A_182 = vector.broadcast %broadcast_in_dim3A_181 : vector<256x1xf32> to vector<256x4096xf32>
    %eq3A_183 = arith.cmpf oeq, %select_n3A_178, %eq3A_182 : vector<256x4096xf32>
    %jit3A_184 = arith.constant 4096 : i32
    %broadcast_in_dim3A_185 = vector.broadcast %jit3A_184 : i32 to vector<256x4096xi32>
    %select_n3A_186 = arith.select %eq3A_183, %iota3A, %broadcast_in_dim3A_185 : vector<256x4096xi1>, vector<256x4096xi32>
    %reduce_min3A_187 = arith.constant dense<2147483647> : vector<256xi32>
    %reduce_min3A_188 = vector.multi_reduction <minsi>, %select_n3A_186, %reduce_min3A_187 [1] : vector<256x4096xi32> to vector<256xi32>
    %broadcast_in_dim3A_189 = vector.shape_cast %reduce_min3A_188 : vector<256xi32> to vector<256x1xi32>
    %eq3A_190 = vector.broadcast %broadcast_in_dim3A_189 : vector<256x1xi32> to vector<256x4096xi32>
    %eq3A_191 = arith.cmpi eq, %iota3A, %eq3A_190 : vector<256x4096xi32>
    %jit3A_192 = arith.constant -3.000000e+38 : f32
    %broadcast_in_dim3A_193 = vector.broadcast %jit3A_192 : f32 to vector<256x4096xf32>
    %select_n3A_194 = arith.select %eq3A_191, %broadcast_in_dim3A_193, %select_n3A_178 : vector<256x4096xi1>, vector<256x4096xf32>
    %reduce_max3A_195 = arith.constant dense<0xFF800000> : vector<256xf32>
    %reduce_max3A_196 = vector.multi_reduction <maximumf>, %select_n3A_194, %reduce_max3A_195 [1] : vector<256x4096xf32> to vector<256xf32>
    %broadcast_in_dim3A_197 = vector.shape_cast %reduce_max3A_196 : vector<256xf32> to vector<256x1xf32>
    %eq3A_198 = vector.broadcast %broadcast_in_dim3A_197 : vector<256x1xf32> to vector<256x4096xf32>
    %eq3A_199 = arith.cmpf oeq, %select_n3A_194, %eq3A_198 : vector<256x4096xf32>
    %jit3A_200 = arith.constant 4096 : i32
    %broadcast_in_dim3A_201 = vector.broadcast %jit3A_200 : i32 to vector<256x4096xi32>
    %select_n3A_202 = arith.select %eq3A_199, %iota3A, %broadcast_in_dim3A_201 : vector<256x4096xi1>, vector<256x4096xi32>
    %reduce_min3A_203 = arith.constant dense<2147483647> : vector<256xi32>
    %reduce_min3A_204 = vector.multi_reduction <minsi>, %select_n3A_202, %reduce_min3A_203 [1] : vector<256x4096xi32> to vector<256xi32>
    %broadcast_in_dim3A_205 = vector.shape_cast %reduce_min3A_204 : vector<256xi32> to vector<256x1xi32>
    %eq3A_206 = vector.broadcast %broadcast_in_dim3A_205 : vector<256x1xi32> to vector<256x4096xi32>
    %eq3A_207 = arith.cmpi eq, %iota3A, %eq3A_206 : vector<256x4096xi32>
    %jit3A_208 = arith.constant -3.000000e+38 : f32
    %broadcast_in_dim3A_209 = vector.broadcast %jit3A_208 : f32 to vector<256x4096xf32>
    %select_n3A_210 = arith.select %eq3A_207, %broadcast_in_dim3A_209, %select_n3A_194 : vector<256x4096xi1>, vector<256x4096xf32>
    %reduce_max3A_211 = arith.constant dense<0xFF800000> : vector<256xf32>
    %reduce_max3A_212 = vector.multi_reduction <maximumf>, %select_n3A_210, %reduce_max3A_211 [1] : vector<256x4096xf32> to vector<256xf32>
    %broadcast_in_dim3A_213 = vector.shape_cast %reduce_max3A_212 : vector<256xf32> to vector<256x1xf32>
    %eq3A_214 = vector.broadcast %broadcast_in_dim3A_213 : vector<256x1xf32> to vector<256x4096xf32>
    %eq3A_215 = arith.cmpf oeq, %select_n3A_210, %eq3A_214 : vector<256x4096xf32>
    %jit3A_216 = arith.constant 4096 : i32
    %broadcast_in_dim3A_217 = vector.broadcast %jit3A_216 : i32 to vector<256x4096xi32>
    %select_n3A_218 = arith.select %eq3A_215, %iota3A, %broadcast_in_dim3A_217 : vector<256x4096xi1>, vector<256x4096xi32>
    %reduce_min3A_219 = arith.constant dense<2147483647> : vector<256xi32>
    %reduce_min3A_220 = vector.multi_reduction <minsi>, %select_n3A_218, %reduce_min3A_219 [1] : vector<256x4096xi32> to vector<256xi32>
    %broadcast_in_dim3A_221 = vector.shape_cast %reduce_min3A_220 : vector<256xi32> to vector<256x1xi32>
    %eq3A_222 = vector.broadcast %broadcast_in_dim3A_221 : vector<256x1xi32> to vector<256x4096xi32>
    %eq3A_223 = arith.cmpi eq, %iota3A, %eq3A_222 : vector<256x4096xi32>
    %jit3A_224 = arith.constant -3.000000e+38 : f32
    %broadcast_in_dim3A_225 = vector.broadcast %jit3A_224 : f32 to vector<256x4096xf32>
    %select_n3A_226 = arith.select %eq3A_223, %broadcast_in_dim3A_225, %select_n3A_210 : vector<256x4096xi1>, vector<256x4096xf32>
    %reduce_max3A_227 = arith.constant dense<0xFF800000> : vector<256xf32>
    %reduce_max3A_228 = vector.multi_reduction <maximumf>, %select_n3A_226, %reduce_max3A_227 [1] : vector<256x4096xf32> to vector<256xf32>
    %broadcast_in_dim3A_229 = vector.shape_cast %reduce_max3A_228 : vector<256xf32> to vector<256x1xf32>
    %eq3A_230 = vector.broadcast %broadcast_in_dim3A_229 : vector<256x1xf32> to vector<256x4096xf32>
    %eq3A_231 = arith.cmpf oeq, %select_n3A_226, %eq3A_230 : vector<256x4096xf32>
    %jit3A_232 = arith.constant 4096 : i32
    %broadcast_in_dim3A_233 = vector.broadcast %jit3A_232 : i32 to vector<256x4096xi32>
    %select_n3A_234 = arith.select %eq3A_231, %iota3A, %broadcast_in_dim3A_233 : vector<256x4096xi1>, vector<256x4096xi32>
    %reduce_min3A_235 = arith.constant dense<2147483647> : vector<256xi32>
    %reduce_min3A_236 = vector.multi_reduction <minsi>, %select_n3A_234, %reduce_min3A_235 [1] : vector<256x4096xi32> to vector<256xi32>
    %broadcast_in_dim3A_237 = vector.shape_cast %reduce_min3A_236 : vector<256xi32> to vector<256x1xi32>
    %eq3A_238 = vector.broadcast %broadcast_in_dim3A_237 : vector<256x1xi32> to vector<256x4096xi32>
    %eq3A_239 = arith.cmpi eq, %iota3A, %eq3A_238 : vector<256x4096xi32>
    %jit3A_240 = arith.constant -3.000000e+38 : f32
    %broadcast_in_dim3A_241 = vector.broadcast %jit3A_240 : f32 to vector<256x4096xf32>
    %select_n3A_242 = arith.select %eq3A_239, %broadcast_in_dim3A_241, %select_n3A_226 : vector<256x4096xi1>, vector<256x4096xf32>
    %reduce_max3A_243 = arith.constant dense<0xFF800000> : vector<256xf32>
    %reduce_max3A_244 = vector.multi_reduction <maximumf>, %select_n3A_242, %reduce_max3A_243 [1] : vector<256x4096xf32> to vector<256xf32>
    %broadcast_in_dim3A_245 = vector.shape_cast %reduce_max3A_244 : vector<256xf32> to vector<256x1xf32>
    %eq3A_246 = vector.broadcast %broadcast_in_dim3A_245 : vector<256x1xf32> to vector<256x4096xf32>
    %eq3A_247 = arith.cmpf oeq, %select_n3A_242, %eq3A_246 : vector<256x4096xf32>
    %jit3A_248 = arith.constant 4096 : i32
    %broadcast_in_dim3A_249 = vector.broadcast %jit3A_248 : i32 to vector<256x4096xi32>
    %select_n3A_250 = arith.select %eq3A_247, %iota3A, %broadcast_in_dim3A_249 : vector<256x4096xi1>, vector<256x4096xi32>
    %reduce_min3A_251 = arith.constant dense<2147483647> : vector<256xi32>
    %reduce_min3A_252 = vector.multi_reduction <minsi>, %select_n3A_250, %reduce_min3A_251 [1] : vector<256x4096xi32> to vector<256xi32>
    %broadcast_in_dim3A_253 = vector.shape_cast %reduce_min3A_252 : vector<256xi32> to vector<256x1xi32>
    %eq3A_254 = vector.broadcast %broadcast_in_dim3A_253 : vector<256x1xi32> to vector<256x4096xi32>
    %eq3A_255 = arith.cmpi eq, %iota3A, %eq3A_254 : vector<256x4096xi32>
    %jit3A_256 = arith.constant -3.000000e+38 : f32
    %broadcast_in_dim3A_257 = vector.broadcast %jit3A_256 : f32 to vector<256x4096xf32>
    %select_n3A_258 = arith.select %eq3A_255, %broadcast_in_dim3A_257, %select_n3A_242 : vector<256x4096xi1>, vector<256x4096xf32>
    %reduce_max3A_259 = arith.constant dense<0xFF800000> : vector<256xf32>
    %reduce_max3A_260 = vector.multi_reduction <maximumf>, %select_n3A_258, %reduce_max3A_259 [1] : vector<256x4096xf32> to vector<256xf32>
    %broadcast_in_dim3A_261 = vector.shape_cast %reduce_max3A_260 : vector<256xf32> to vector<256x1xf32>
    %eq3A_262 = vector.broadcast %broadcast_in_dim3A_261 : vector<256x1xf32> to vector<256x4096xf32>
    %eq3A_263 = arith.cmpf oeq, %select_n3A_258, %eq3A_262 : vector<256x4096xf32>
    %jit3A_264 = arith.constant 4096 : i32
    %broadcast_in_dim3A_265 = vector.broadcast %jit3A_264 : i32 to vector<256x4096xi32>
    %select_n3A_266 = arith.select %eq3A_263, %iota3A, %broadcast_in_dim3A_265 : vector<256x4096xi1>, vector<256x4096xi32>
    %reduce_min3A_267 = arith.constant dense<2147483647> : vector<256xi32>
    %reduce_min3A_268 = vector.multi_reduction <minsi>, %select_n3A_266, %reduce_min3A_267 [1] : vector<256x4096xi32> to vector<256xi32>
    %broadcast_in_dim3A_269 = vector.shape_cast %reduce_min3A_268 : vector<256xi32> to vector<256x1xi32>
    %eq3A_270 = vector.broadcast %broadcast_in_dim3A_269 : vector<256x1xi32> to vector<256x4096xi32>
    %eq3A_271 = arith.cmpi eq, %iota3A, %eq3A_270 : vector<256x4096xi32>
    %jit3A_272 = arith.constant -3.000000e+38 : f32
    %broadcast_in_dim3A_273 = vector.broadcast %jit3A_272 : f32 to vector<256x4096xf32>
    %select_n3A_274 = arith.select %eq3A_271, %broadcast_in_dim3A_273, %select_n3A_258 : vector<256x4096xi1>, vector<256x4096xf32>
    %reduce_max3A_275 = arith.constant dense<0xFF800000> : vector<256xf32>
    %reduce_max3A_276 = vector.multi_reduction <maximumf>, %select_n3A_274, %reduce_max3A_275 [1] : vector<256x4096xf32> to vector<256xf32>
    %broadcast_in_dim3A_277 = vector.shape_cast %reduce_max3A_276 : vector<256xf32> to vector<256x1xf32>
    %eq3A_278 = vector.broadcast %broadcast_in_dim3A_277 : vector<256x1xf32> to vector<256x4096xf32>
    %eq3A_279 = arith.cmpf oeq, %select_n3A_274, %eq3A_278 : vector<256x4096xf32>
    %jit3A_280 = arith.constant 4096 : i32
    %broadcast_in_dim3A_281 = vector.broadcast %jit3A_280 : i32 to vector<256x4096xi32>
    %select_n3A_282 = arith.select %eq3A_279, %iota3A, %broadcast_in_dim3A_281 : vector<256x4096xi1>, vector<256x4096xi32>
    %reduce_min3A_283 = arith.constant dense<2147483647> : vector<256xi32>
    %reduce_min3A_284 = vector.multi_reduction <minsi>, %select_n3A_282, %reduce_min3A_283 [1] : vector<256x4096xi32> to vector<256xi32>
    %broadcast_in_dim3A_285 = vector.shape_cast %reduce_min3A_284 : vector<256xi32> to vector<256x1xi32>
    %eq3A_286 = vector.broadcast %broadcast_in_dim3A_285 : vector<256x1xi32> to vector<256x4096xi32>
    %eq3A_287 = arith.cmpi eq, %iota3A, %eq3A_286 : vector<256x4096xi32>
    %jit3A_288 = arith.constant -3.000000e+38 : f32
    %broadcast_in_dim3A_289 = vector.broadcast %jit3A_288 : f32 to vector<256x4096xf32>
    %select_n3A_290 = arith.select %eq3A_287, %broadcast_in_dim3A_289, %select_n3A_274 : vector<256x4096xi1>, vector<256x4096xf32>
    %reduce_max3A_291 = arith.constant dense<0xFF800000> : vector<256xf32>
    %reduce_max3A_292 = vector.multi_reduction <maximumf>, %select_n3A_290, %reduce_max3A_291 [1] : vector<256x4096xf32> to vector<256xf32>
    %broadcast_in_dim3A_293 = vector.shape_cast %reduce_max3A_292 : vector<256xf32> to vector<256x1xf32>
    %eq3A_294 = vector.broadcast %broadcast_in_dim3A_293 : vector<256x1xf32> to vector<256x4096xf32>
    %eq3A_295 = arith.cmpf oeq, %select_n3A_290, %eq3A_294 : vector<256x4096xf32>
    %jit3A_296 = arith.constant 4096 : i32
    %broadcast_in_dim3A_297 = vector.broadcast %jit3A_296 : i32 to vector<256x4096xi32>
    %select_n3A_298 = arith.select %eq3A_295, %iota3A, %broadcast_in_dim3A_297 : vector<256x4096xi1>, vector<256x4096xi32>
    %reduce_min3A_299 = arith.constant dense<2147483647> : vector<256xi32>
    %reduce_min3A_300 = vector.multi_reduction <minsi>, %select_n3A_298, %reduce_min3A_299 [1] : vector<256x4096xi32> to vector<256xi32>
    %broadcast_in_dim3A_301 = vector.shape_cast %reduce_min3A_300 : vector<256xi32> to vector<256x1xi32>
    %eq3A_302 = vector.broadcast %broadcast_in_dim3A_301 : vector<256x1xi32> to vector<256x4096xi32>
    %eq3A_303 = arith.cmpi eq, %iota3A, %eq3A_302 : vector<256x4096xi32>
    %jit3A_304 = arith.constant -3.000000e+38 : f32
    %broadcast_in_dim3A_305 = vector.broadcast %jit3A_304 : f32 to vector<256x4096xf32>
    %select_n3A_306 = arith.select %eq3A_303, %broadcast_in_dim3A_305, %select_n3A_290 : vector<256x4096xi1>, vector<256x4096xf32>
    %reduce_max3A_307 = arith.constant dense<0xFF800000> : vector<256xf32>
    %reduce_max3A_308 = vector.multi_reduction <maximumf>, %select_n3A_306, %reduce_max3A_307 [1] : vector<256x4096xf32> to vector<256xf32>
    %broadcast_in_dim3A_309 = vector.shape_cast %reduce_max3A_308 : vector<256xf32> to vector<256x1xf32>
    %eq3A_310 = vector.broadcast %broadcast_in_dim3A_309 : vector<256x1xf32> to vector<256x4096xf32>
    %eq3A_311 = arith.cmpf oeq, %select_n3A_306, %eq3A_310 : vector<256x4096xf32>
    %jit3A_312 = arith.constant 4096 : i32
    %broadcast_in_dim3A_313 = vector.broadcast %jit3A_312 : i32 to vector<256x4096xi32>
    %select_n3A_314 = arith.select %eq3A_311, %iota3A, %broadcast_in_dim3A_313 : vector<256x4096xi1>, vector<256x4096xi32>
    %reduce_min3A_315 = arith.constant dense<2147483647> : vector<256xi32>
    %reduce_min3A_316 = vector.multi_reduction <minsi>, %select_n3A_314, %reduce_min3A_315 [1] : vector<256x4096xi32> to vector<256xi32>
    %broadcast_in_dim3A_317 = vector.shape_cast %reduce_min3A_316 : vector<256xi32> to vector<256x1xi32>
    %eq3A_318 = vector.broadcast %broadcast_in_dim3A_317 : vector<256x1xi32> to vector<256x4096xi32>
    %eq3A_319 = arith.cmpi eq, %iota3A, %eq3A_318 : vector<256x4096xi32>
    %jit3A_320 = arith.constant -3.000000e+38 : f32
    %broadcast_in_dim3A_321 = vector.broadcast %jit3A_320 : f32 to vector<256x4096xf32>
    %select_n3A_322 = arith.select %eq3A_319, %broadcast_in_dim3A_321, %select_n3A_306 : vector<256x4096xi1>, vector<256x4096xf32>
    %reduce_max3A_323 = arith.constant dense<0xFF800000> : vector<256xf32>
    %reduce_max3A_324 = vector.multi_reduction <maximumf>, %select_n3A_322, %reduce_max3A_323 [1] : vector<256x4096xf32> to vector<256xf32>
    %broadcast_in_dim3A_325 = vector.shape_cast %reduce_max3A_324 : vector<256xf32> to vector<256x1xf32>
    %eq3A_326 = vector.broadcast %broadcast_in_dim3A_325 : vector<256x1xf32> to vector<256x4096xf32>
    %eq3A_327 = arith.cmpf oeq, %select_n3A_322, %eq3A_326 : vector<256x4096xf32>
    %jit3A_328 = arith.constant 4096 : i32
    %broadcast_in_dim3A_329 = vector.broadcast %jit3A_328 : i32 to vector<256x4096xi32>
    %select_n3A_330 = arith.select %eq3A_327, %iota3A, %broadcast_in_dim3A_329 : vector<256x4096xi1>, vector<256x4096xi32>
    %reduce_min3A_331 = arith.constant dense<2147483647> : vector<256xi32>
    %reduce_min3A_332 = vector.multi_reduction <minsi>, %select_n3A_330, %reduce_min3A_331 [1] : vector<256x4096xi32> to vector<256xi32>
    %broadcast_in_dim3A_333 = vector.shape_cast %reduce_min3A_332 : vector<256xi32> to vector<256x1xi32>
    %eq3A_334 = vector.broadcast %broadcast_in_dim3A_333 : vector<256x1xi32> to vector<256x4096xi32>
    %eq3A_335 = arith.cmpi eq, %iota3A, %eq3A_334 : vector<256x4096xi32>
    %jit3A_336 = arith.constant -3.000000e+38 : f32
    %broadcast_in_dim3A_337 = vector.broadcast %jit3A_336 : f32 to vector<256x4096xf32>
    %select_n3A_338 = arith.select %eq3A_335, %broadcast_in_dim3A_337, %select_n3A_322 : vector<256x4096xi1>, vector<256x4096xf32>
    %reduce_max3A_339 = arith.constant dense<0xFF800000> : vector<256xf32>
    %reduce_max3A_340 = vector.multi_reduction <maximumf>, %select_n3A_338, %reduce_max3A_339 [1] : vector<256x4096xf32> to vector<256xf32>
    %broadcast_in_dim3A_341 = vector.shape_cast %reduce_max3A_340 : vector<256xf32> to vector<256x1xf32>
    %eq3A_342 = vector.broadcast %broadcast_in_dim3A_341 : vector<256x1xf32> to vector<256x4096xf32>
    %eq3A_343 = arith.cmpf oeq, %select_n3A_338, %eq3A_342 : vector<256x4096xf32>
    %jit3A_344 = arith.constant 4096 : i32
    %broadcast_in_dim3A_345 = vector.broadcast %jit3A_344 : i32 to vector<256x4096xi32>
    %select_n3A_346 = arith.select %eq3A_343, %iota3A, %broadcast_in_dim3A_345 : vector<256x4096xi1>, vector<256x4096xi32>
    %reduce_min3A_347 = arith.constant dense<2147483647> : vector<256xi32>
    %reduce_min3A_348 = vector.multi_reduction <minsi>, %select_n3A_346, %reduce_min3A_347 [1] : vector<256x4096xi32> to vector<256xi32>
    %broadcast_in_dim3A_349 = vector.shape_cast %reduce_min3A_348 : vector<256xi32> to vector<256x1xi32>
    %eq3A_350 = vector.broadcast %broadcast_in_dim3A_349 : vector<256x1xi32> to vector<256x4096xi32>
    %eq3A_351 = arith.cmpi eq, %iota3A, %eq3A_350 : vector<256x4096xi32>
    %jit3A_352 = arith.constant -3.000000e+38 : f32
    %broadcast_in_dim3A_353 = vector.broadcast %jit3A_352 : f32 to vector<256x4096xf32>
    %select_n3A_354 = arith.select %eq3A_351, %broadcast_in_dim3A_353, %select_n3A_338 : vector<256x4096xi1>, vector<256x4096xf32>
    %reduce_max3A_355 = arith.constant dense<0xFF800000> : vector<256xf32>
    %reduce_max3A_356 = vector.multi_reduction <maximumf>, %select_n3A_354, %reduce_max3A_355 [1] : vector<256x4096xf32> to vector<256xf32>
    %broadcast_in_dim3A_357 = vector.shape_cast %reduce_max3A_356 : vector<256xf32> to vector<256x1xf32>
    %eq3A_358 = vector.broadcast %broadcast_in_dim3A_357 : vector<256x1xf32> to vector<256x4096xf32>
    %eq3A_359 = arith.cmpf oeq, %select_n3A_354, %eq3A_358 : vector<256x4096xf32>
    %jit3A_360 = arith.constant 4096 : i32
    %broadcast_in_dim3A_361 = vector.broadcast %jit3A_360 : i32 to vector<256x4096xi32>
    %select_n3A_362 = arith.select %eq3A_359, %iota3A, %broadcast_in_dim3A_361 : vector<256x4096xi1>, vector<256x4096xi32>
    %reduce_min3A_363 = arith.constant dense<2147483647> : vector<256xi32>
    %reduce_min3A_364 = vector.multi_reduction <minsi>, %select_n3A_362, %reduce_min3A_363 [1] : vector<256x4096xi32> to vector<256xi32>
    %broadcast_in_dim3A_365 = vector.shape_cast %reduce_min3A_364 : vector<256xi32> to vector<256x1xi32>
    %eq3A_366 = vector.broadcast %broadcast_in_dim3A_365 : vector<256x1xi32> to vector<256x4096xi32>
    %eq3A_367 = arith.cmpi eq, %iota3A, %eq3A_366 : vector<256x4096xi32>
    %jit3A_368 = arith.constant -3.000000e+38 : f32
    %broadcast_in_dim3A_369 = vector.broadcast %jit3A_368 : f32 to vector<256x4096xf32>
    %select_n3A_370 = arith.select %eq3A_367, %broadcast_in_dim3A_369, %select_n3A_354 : vector<256x4096xi1>, vector<256x4096xf32>
    %reduce_max3A_371 = arith.constant dense<0xFF800000> : vector<256xf32>
    %reduce_max3A_372 = vector.multi_reduction <maximumf>, %select_n3A_370, %reduce_max3A_371 [1] : vector<256x4096xf32> to vector<256xf32>
    %broadcast_in_dim3A_373 = vector.shape_cast %reduce_max3A_372 : vector<256xf32> to vector<256x1xf32>
    %eq3A_374 = vector.broadcast %broadcast_in_dim3A_373 : vector<256x1xf32> to vector<256x4096xf32>
    %eq3A_375 = arith.cmpf oeq, %select_n3A_370, %eq3A_374 : vector<256x4096xf32>
    %jit3A_376 = arith.constant 4096 : i32
    %broadcast_in_dim3A_377 = vector.broadcast %jit3A_376 : i32 to vector<256x4096xi32>
    %select_n3A_378 = arith.select %eq3A_375, %iota3A, %broadcast_in_dim3A_377 : vector<256x4096xi1>, vector<256x4096xi32>
    %reduce_min3A_379 = arith.constant dense<2147483647> : vector<256xi32>
    %reduce_min3A_380 = vector.multi_reduction <minsi>, %select_n3A_378, %reduce_min3A_379 [1] : vector<256x4096xi32> to vector<256xi32>
    %broadcast_in_dim3A_381 = vector.shape_cast %reduce_min3A_380 : vector<256xi32> to vector<256x1xi32>
    %concatenate3A = tpu.concatenate %broadcast_in_dim3A_77, %broadcast_in_dim3A_93, %broadcast_in_dim3A_109, %broadcast_in_dim3A_125, %broadcast_in_dim3A_141, %broadcast_in_dim3A_157, %broadcast_in_dim3A_173, %broadcast_in_dim3A_189, %broadcast_in_dim3A_205, %broadcast_in_dim3A_221, %broadcast_in_dim3A_237, %broadcast_in_dim3A_253, %broadcast_in_dim3A_269, %broadcast_in_dim3A_285, %broadcast_in_dim3A_301, %broadcast_in_dim3A_317, %broadcast_in_dim3A_333, %broadcast_in_dim3A_349, %broadcast_in_dim3A_365, %broadcast_in_dim3A_381 in 1 : vector<256x1xi32>, vector<256x1xi32>, vector<256x1xi32>, vector<256x1xi32>, vector<256x1xi32>, vector<256x1xi32>, vector<256x1xi32>, vector<256x1xi32>, vector<256x1xi32>, vector<256x1xi32>, vector<256x1xi32>, vector<256x1xi32>, vector<256x1xi32>, vector<256x1xi32>, vector<256x1xi32>, vector<256x1xi32>, vector<256x1xi32>, vector<256x1xi32>, vector<256x1xi32>, vector<256x1xi32> -> vector<256x20xi32>
    %mul3A_382 = arith.constant 4096 : i32
    %mul3A_383 = arith.muli %add3A_0, %mul3A_382 : i32
    %add3A_384 = vector.broadcast %mul3A_383 : i32 to vector<256x20xi32>
    %add3A_385 = arith.addi %concatenate3A, %add3A_384 : vector<256x20xi32>
    %mul3A_386 = arith.constant 3 : i32
    %mul3A_387 = vector.broadcast %mul3A_386 : i32 to vector<256x20xi32>
    %mul3A_388 = arith.muli %mul3A_387, %add3A_385 : vector<256x20xi32>
    %add3A_389 = arith.constant 0 : i32
    %add3A_390 = vector.broadcast %add3A_389 : i32 to vector<256x20xi32>
    %add3A_391 = arith.addi %mul3A_388, %add3A_390 : vector<256x20xi32>
    %swap3A = arith.constant 0 : index
    %swap3A_392 = arith.constant 0 : index
    %swap3A_393 = arith.constant 0 : index
    %swap3A_394 = arith.constant 0 : index
    %swap3A_395 = vector.load %arg4[%swap3A, %swap3A_392, %swap3A_393, %swap3A_394] : memref<3x1x256x20xi32, #tpu.memory_space<vmem>>, vector<1x1x256x20xi32>
    %swap3A_396 = vector.shape_cast %swap3A_395 : vector<1x1x256x20xi32> to vector<256x20xi32>
    %swap3A_397 = vector.shape_cast %add3A_391 : vector<256x20xi32> to vector<1x1x256x20xi32>
    tpu.vector_store %arg4[%swap3A, %swap3A_392, %swap3A_393, %swap3A_394], %swap3A_397 {strides = array<i32>} : memref<3x1x256x20xi32, #tpu.memory_space<vmem>>, vector<1x1x256x20xi32>,
    %broadcast_in_dim3A_398 = vector.shape_cast %get3A_19 : vector<256x1xf32> to vector<256x1xf32>
    %broadcast_in_dim3A_399 = vector.broadcast %broadcast_in_dim3A_398 : vector<256x1xf32> to vector<256x20xf32>
    %swap3A_400 = arith.constant 0 : index
    %swap3A_401 = arith.constant 0 : index
    %swap3A_402 = arith.constant 0 : index
    %swap3A_403 = arith.constant 0 : index
    %swap3A_404 = vector.load %arg5[%swap3A_400, %swap3A_401, %swap3A_402, %swap3A_403] : memref<1x3x256x20xf32, #tpu.memory_space<vmem>>, vector<1x1x256x20xf32>
    %swap3A_405 = vector.shape_cast %swap3A_404 : vector<1x1x256x20xf32> to vector<256x20xf32>
    %swap3A_406 = vector.shape_cast %broadcast_in_dim3A_399 : vector<256x20xf32> to vector<1x1x256x20xf32>
    tpu.vector_store %arg5[%swap3A_400, %swap3A_401, %swap3A_402, %swap3A_403], %swap3A_406 {strides = array<i32>} : memref<1x3x256x20xf32, #tpu.memory_space<vmem>>, vector<1x1x256x20xf32>,
    %add3A_407 = arith.constant 1 : i32
    %add3A_408 = vector.broadcast %add3A_407 : i32 to vector<256x20xi32>
    %add3A_409 = arith.addi %mul3A_388, %add3A_408 : vector<256x20xi32>
    %swap3A_410 = arith.constant 1 : index
    %swap3A_411 = arith.constant 0 : index
    %swap3A_412 = arith.constant 0 : index
    %swap3A_413 = arith.constant 0 : index
    %swap3A_414 = vector.load %arg4[%swap3A_410, %swap3A_411, %swap3A_412, %swap3A_413] : memref<3x1x256x20xi32, #tpu.memory_space<vmem>>, vector<1x1x256x20xi32>
    %swap3A_415 = vector.shape_cast %swap3A_414 : vector<1x1x256x20xi32> to vector<256x20xi32>
    %swap3A_416 = vector.shape_cast %add3A_409 : vector<256x20xi32> to vector<1x1x256x20xi32>
    tpu.vector_store %arg4[%swap3A_410, %swap3A_411, %swap3A_412, %swap3A_413], %swap3A_416 {strides = array<i32>} : memref<3x1x256x20xi32, #tpu.memory_space<vmem>>, vector<1x1x256x20xi32>,
    %broadcast_in_dim3A_417 = vector.shape_cast %get3A_24 : vector<256x1xf32> to vector<256x1xf32>
    %broadcast_in_dim3A_418 = vector.broadcast %broadcast_in_dim3A_417 : vector<256x1xf32> to vector<256x20xf32>
    %swap3A_419 = arith.constant 0 : index
    %swap3A_420 = arith.constant 1 : index
    %swap3A_421 = arith.constant 0 : index
    %swap3A_422 = arith.constant 0 : index
    %swap3A_423 = vector.load %arg5[%swap3A_419, %swap3A_420, %swap3A_421, %swap3A_422] : memref<1x3x256x20xf32, #tpu.memory_space<vmem>>, vector<1x1x256x20xf32>
    %swap3A_424 = vector.shape_cast %swap3A_423 : vector<1x1x256x20xf32> to vector<256x20xf32>
    %swap3A_425 = vector.shape_cast %broadcast_in_dim3A_418 : vector<256x20xf32> to vector<1x1x256x20xf32>
    tpu.vector_store %arg5[%swap3A_419, %swap3A_420, %swap3A_421, %swap3A_422], %swap3A_425 {strides = array<i32>} : memref<1x3x256x20xf32, #tpu.memory_space<vmem>>, vector<1x1x256x20xf32>,
    %add3A_426 = arith.constant 2 : i32
    %add3A_427 = vector.broadcast %add3A_426 : i32 to vector<256x20xi32>
    %add3A_428 = arith.addi %mul3A_388, %add3A_427 : vector<256x20xi32>
    %swap3A_429 = arith.constant 2 : index
    %swap3A_430 = arith.constant 0 : index
    %swap3A_431 = arith.constant 0 : index
    %swap3A_432 = arith.constant 0 : index
    %swap3A_433 = vector.load %arg4[%swap3A_429, %swap3A_430, %swap3A_431, %swap3A_432] : memref<3x1x256x20xi32, #tpu.memory_space<vmem>>, vector<1x1x256x20xi32>
    %swap3A_434 = vector.shape_cast %swap3A_433 : vector<1x1x256x20xi32> to vector<256x20xi32>
    %swap3A_435 = vector.shape_cast %add3A_428 : vector<256x20xi32> to vector<1x1x256x20xi32>
    tpu.vector_store %arg4[%swap3A_429, %swap3A_430, %swap3A_431, %swap3A_432], %swap3A_435 {strides = array<i32>} : memref<3x1x256x20xi32, #tpu.memory_space<vmem>>, vector<1x1x256x20xi32>,
    %broadcast_in_dim3A_436 = vector.shape_cast %get3A_29 : vector<256x1xf32> to vector<256x1xf32>
    %broadcast_in_dim3A_437 = vector.broadcast %broadcast_in_dim3A_436 : vector<256x1xf32> to vector<256x20xf32>
    %swap3A_438 = arith.constant 0 : index
    %swap3A_439 = arith.constant 2 : index
    %swap3A_440 = arith.constant 0 : index
    %swap3A_441 = arith.constant 0 : index
    %swap3A_442 = vector.load %arg5[%swap3A_438, %swap3A_439, %swap3A_440, %swap3A_441] : memref<1x3x256x20xf32, #tpu.memory_space<vmem>>, vector<1x1x256x20xf32>
    %swap3A_443 = vector.shape_cast %swap3A_442 : vector<1x1x256x20xf32> to vector<256x20xf32>
    %swap3A_444 = vector.shape_cast %broadcast_in_dim3A_437 : vector<256x20xf32> to vector<1x1x256x20xf32>
    tpu.vector_store %arg5[%swap3A_438, %swap3A_439, %swap3A_440, %swap3A_441], %swap3A_444 {strides = array<i32>} : memref<1x3x256x20xf32, #tpu.memory_space<vmem>>, vector<1x1x256x20xf32>,
    return
  }
  func.func @transform_0(%arg0: i32, %arg1: i32) -> (i32, i32, i32) {
    %c0_i32 = arith.constant 0 : i32
    %c0_i32_0 = arith.constant 0 : i32
    %c0_i32_1 = arith.constant 0 : i32
    return %arg0, %c0_i32, %c0_i32_0 : i32, i32, i32
  }
  func.func @transform_1(%arg0: i32, %arg1: i32) -> (i32, i32, i32) {
    %c0_i32 = arith.constant 0 : i32
    %c0_i32_0 = arith.constant 0 : i32
    return %arg0, %arg1, %c0_i32 : i32, i32, i32
  }
  func.func @transform_2(%arg0: i32, %arg1: i32) -> (i32, i32, i32, i32) {
    %c0_i32 = arith.constant 0 : i32
    %c0_i32_0 = arith.constant 0 : i32
    %c0_i32_1 = arith.constant 0 : i32
    return %c0_i32, %arg0, %arg1, %c0_i32_0 : i32, i32, i32, i32
  }
  func.func @transform_3(%arg0: i32, %arg1: i32) -> (i32, i32, i32, i32) {
    %c0_i32 = arith.constant 0 : i32
    %c0_i32_0 = arith.constant 0 : i32
    %c0_i32_1 = arith.constant 0 : i32
    return %arg0, %c0_i32, %arg1, %c0_i32_0 : i32, i32, i32, i32
  }
}

module attributes {stable_mosaic.version = 14 : i64} {
  func.func @_topk_body(%arg0: i32, %arg1: i32, %arg2: memref<1x3x4096xf32, #tpu.memory_space<vmem>>, %arg3: memref<1x256x3xf32, #tpu.memory_space<vmem>>, %arg4: memref<3x1x256x20xi32, #tpu.memory_space<vmem>>, %arg5: memref<1x3x256x20xf32, #tpu.memory_space<vmem>>) attributes {dimension_semantics = [#tpu.dimension_semantics<parallel>, #tpu.dimension_semantics<parallel>], iteration_bounds = array<i64: 2, 16>, scalar_prefetch = 0 : i64, scratch_operands = 0 : i64, tpu.core_type = #tpu.core_type<tc>, window_params = [{transform_indices = @transform_0, window_bounds = array<i64: 1, 3, 4096>}, {transform_indices = @transform_1, window_bounds = array<i64: 1, 256, 3>}, {transform_indices = @transform_2, window_bounds = array<i64: 3, 1, 256, 20>}, {transform_indices = @transform_3, window_bounds = array<i64: 1, 3, 256, 20>}]} {
    %add3A = arith.constant 2 : i32
    %add3A_0 = arith.addi %arg0, %add3A : i32
    %get3A = arith.constant 0 : index
    %get3A_1 = arith.constant 0 : index
    %get3A_2 = arith.constant 0 : index
    %get3A_3 = vector.load %arg2[%get3A, %get3A_1, %get3A_2] : memref<1x3x4096xf32, #tpu.memory_space<vmem>>, vector<1x1x4096xf32>
    %get3A_4 = vector.shape_cast %get3A_3 : vector<1x1x4096xf32> to vector<1x4096xf32>
    %get3A_5 = arith.constant 0 : index
    %get3A_6 = arith.constant 1 : index
    %get3A_7 = arith.constant 0 : index
    %get3A_8 = vector.load %arg2[%get3A_5, %get3A_6, %get3A_7] : memref<1x3x4096xf32, #tpu.memory_space<vmem>>, vector<1x1x4096xf32>
    %get3A_9 = vector.shape_cast %get3A_8 : vector<1x1x4096xf32> to vector<1x4096xf32>
    %get3A_10 = arith.constant 0 : index
    %get3A_11 = arith.constant 2 : index
    %get3A_12 = arith.constant 0 : index
    %get3A_13 = vector.load %arg2[%get3A_10, %get3A_11, %get3A_12] : memref<1x3x4096xf32, #tpu.memory_space<vmem>>, vector<1x1x4096xf32>
    %get3A_14 = vector.shape_cast %get3A_13 : vector<1x1x4096xf32> to vector<1x4096xf32>
    %get3A_15 = arith.constant 0 : index
    %get3A_16 = arith.constant 0 : index
    %get3A_17 = arith.constant 0 : index
    %get3A_18 = vector.load %arg3[%get3A_15, %get3A_16, %get3A_17] : memref<1x256x3xf32, #tpu.memory_space<vmem>>, vector<1x256x1xf32>
    %get3A_19 = vector.shape_cast %get3A_18 : vector<1x256x1xf32> to vector<256x1xf32>
    %get3A_20 = arith.constant 0 : index
    %get3A_21 = arith.constant 0 : index
    %get3A_22 = arith.constant 1 : index
    %get3A_23 = vector.load %arg3[%get3A_20, %get3A_21, %get3A_22] : memref<1x256x3xf32, #tpu.memory_space<vmem>>, vector<1x256x1xf32>
    %get3A_24 = vector.shape_cast %get3A_23 : vector<1x256x1xf32> to vector<256x1xf32>
    %get3A_25 = arith.constant 0 : index
    %get3A_26 = arith.constant 0 : index
    %get3A_27 = arith.constant 2 : index
    %get3A_28 = vector.load %arg3[%get3A_25, %get3A_26, %get3A_27] : memref<1x256x3xf32, #tpu.memory_space<vmem>>, vector<1x256x1xf32>
    %get3A_29 = vector.shape_cast %get3A_28 : vector<1x256x1xf32> to vector<256x1xf32>
    %mul3A = arith.mulf %get3A_4, %get3A_4 : vector<1x4096xf32>
    %mul3A_30 = arith.mulf %get3A_9, %get3A_9 : vector<1x4096xf32>
    %add3A_31 = arith.addf %mul3A, %mul3A_30 : vector<1x4096xf32>
    %mul3A_32 = arith.mulf %get3A_14, %get3A_14 : vector<1x4096xf32>
    %add3A_33 = arith.addf %add3A_31, %mul3A_32 : vector<1x4096xf32>
    %mul3A_34 = arith.mulf %get3A_19, %get3A_19 : vector<256x1xf32>
    %mul3A_35 = arith.mulf %get3A_24, %get3A_24 : vector<256x1xf32>
    %add3A_36 = arith.addf %mul3A_34, %mul3A_35 : vector<256x1xf32>
    %mul3A_37 = arith.mulf %get3A_29, %get3A_29 : vector<256x1xf32>
    %add3A_38 = arith.addf %add3A_36, %mul3A_37 : vector<256x1xf32>
    %convert_element_type3A = arith.truncf %get3A_4 : vector<1x4096xf32> to vector<1x4096xbf16>
    %convert_element_type3A_39 = arith.extf %convert_element_type3A : vector<1x4096xbf16> to vector<1x4096xf32>
    %convert_element_type3A_40 = arith.truncf %get3A_9 : vector<1x4096xf32> to vector<1x4096xbf16>
    %convert_element_type3A_41 = arith.extf %convert_element_type3A_40 : vector<1x4096xbf16> to vector<1x4096xf32>
    %convert_element_type3A_42 = arith.truncf %get3A_14 : vector<1x4096xf32> to vector<1x4096xbf16>
    %convert_element_type3A_43 = arith.extf %convert_element_type3A_42 : vector<1x4096xbf16> to vector<1x4096xf32>
    %convert_element_type3A_44 = arith.truncf %get3A_19 : vector<256x1xf32> to vector<256x1xbf16>
    %convert_element_type3A_45 = arith.extf %convert_element_type3A_44 : vector<256x1xbf16> to vector<256x1xf32>
    %mul3A_46 = arith.constant 2.000000e+00 : f32
    %mul3A_47 = vector.broadcast %mul3A_46 : f32 to vector<256x1xf32>
    %mul3A_48 = arith.mulf %mul3A_47, %convert_element_type3A_45 : vector<256x1xf32>
    %convert_element_type3A_49 = arith.truncf %get3A_24 : vector<256x1xf32> to vector<256x1xbf16>
    %convert_element_type3A_50 = arith.extf %convert_element_type3A_49 : vector<256x1xbf16> to vector<256x1xf32>
    %mul3A_51 = arith.constant 2.000000e+00 : f32
    %mul3A_52 = vector.broadcast %mul3A_51 : f32 to vector<256x1xf32>
    %mul3A_53 = arith.mulf %mul3A_52, %convert_element_type3A_50 : vector<256x1xf32>
    %convert_element_type3A_54 = arith.truncf %get3A_29 : vector<256x1xf32> to vector<256x1xbf16>
    %convert_element_type3A_55 = arith.extf %convert_element_type3A_54 : vector<256x1xbf16> to vector<256x1xf32>
    %mul3A_56 = arith.constant 2.000000e+00 : f32
    %mul3A_57 = vector.broadcast %mul3A_56 : f32 to vector<256x1xf32>
    %mul3A_58 = arith.mulf %mul3A_57, %convert_element_type3A_55 : vector<256x1xf32>
    %mul3A_59 = vector.broadcast %mul3A_48 : vector<256x1xf32> to vector<256x4096xf32>
    %mul3A_60 = vector.broadcast %convert_element_type3A_39 : vector<1x4096xf32> to vector<256x4096xf32>
    %mul3A_61 = arith.mulf %mul3A_59, %mul3A_60 : vector<256x4096xf32>
    %mul3A_62 = vector.broadcast %mul3A_53 : vector<256x1xf32> to vector<256x4096xf32>
    %mul3A_63 = vector.broadcast %convert_element_type3A_41 : vector<1x4096xf32> to vector<256x4096xf32>
    %mul3A_64 = arith.mulf %mul3A_62, %mul3A_63 : vector<256x4096xf32>
    %add3A_65 = arith.addf %mul3A_61, %mul3A_64 : vector<256x4096xf32>
    %mul3A_66 = vector.broadcast %mul3A_58 : vector<256x1xf32> to vector<256x4096xf32>
    %mul3A_67 = vector.broadcast %convert_element_type3A_43 : vector<1x4096xf32> to vector<256x4096xf32>
    %mul3A_68 = arith.mulf %mul3A_66, %mul3A_67 : vector<256x4096xf32>
    %add3A_69 = arith.addf %add3A_65, %mul3A_68 : vector<256x4096xf32>
    %sub3A = vector.broadcast %add3A_38 : vector<256x1xf32> to vector<256x4096xf32>
    %sub3A_70 = arith.subf %add3A_69, %sub3A : vector<256x4096xf32>
    %sub3A_71 = vector.broadcast %add3A_33 : vector<1x4096xf32> to vector<256x4096xf32>
    %sub3A_72 = arith.subf %sub3A_70, %sub3A_71 : vector<256x4096xf32>
    %iota3A = tpu.iota {dimensions = array<i32: 1>} : vector<256x4096xi32>
    %reduce_max3A = arith.constant dense<0xFF800000> : vector<256xf32>
    %reduce_max3A_73 = vector.multi_reduction <maximumf>, %sub3A_72, %reduce_max3A [1] : vector<256x4096xf32> to vector<256xf32>
    %broadcast_in_dim3A = vector.shape_cast %reduce_max3A_73 : vector<256xf32> to vector<256x1xf32>
    %eq3A = vector.broadcast %broadcast_in_dim3A : vector<256x1xf32> to vector<256x4096xf32>
    %eq3A_74 = arith.cmpf oeq, %sub3A_72, %eq3A : vector<256x4096xf32>
    %jit3A = arith.constant 4096 : i32
    %broadcast_in_dim3A_75 = vector.broadcast %jit3A : i32 to vector<256x4096xi32>
    %select_n3A = arith.select %eq3A_74, %iota3A, %broadcast_in_dim3A_75 : vector<256x4096xi1>, vector<256x4096xi32>
    %reduce_min3A = arith.constant dense<2147483647> : vector<256xi32>
    %reduce_min3A_76 = vector.multi_reduction <minsi>, %select_n3A, %reduce_min3A [1] : vector<256x4096xi32> to vector<256xi32>
    %broadcast_in_dim3A_77 = vector.shape_cast %reduce_min3A_76 : vector<256xi32> to vector<256x1xi32>
    %eq3A_78 = vector.broadcast %broadcast_in_dim3A_77 : vector<256x1xi32> to vector<256x4096xi32>
    %eq3A_79 = arith.cmpi eq, %iota3A, %eq3A_78 : vector<256x4096xi32>
    %jit3A_80 = arith.constant -3.000000e+38 : f32
    %broadcast_in_dim3A_81 = vector.broadcast %jit3A_80 : f32 to vector<256x4096xf32>
    %select_n3A_82 = arith.select %eq3A_79, %broadcast_in_dim3A_81, %sub3A_72 : vector<256x4096xi1>, vector<256x4096xf32>
    %reduce_max3A_83 = arith.constant dense<0xFF800000> : vector<256xf32>
    %reduce_max3A_84 = vector.multi_reduction <maximumf>, %select_n3A_82, %reduce_max3A_83 [1] : vector<256x4096xf32> to vector<256xf32>
    %broadcast_in_dim3A_85 = vector.shape_cast %reduce_max3A_84 : vector<256xf32> to vector<256x1xf32>
    %eq3A_86 = vector.broadcast %broadcast_in_dim3A_85 : vector<256x1xf32> to vector<256x4096xf32>
    %eq3A_87 = arith.cmpf oeq, %select_n3A_82, %eq3A_86 : vector<256x4096xf32>
    %jit3A_88 = arith.constant 4096 : i32
    %broadcast_in_dim3A_89 = vector.broadcast %jit3A_88 : i32 to vector<256x4096xi32>
    %select_n3A_90 = arith.select %eq3A_87, %iota3A, %broadcast_in_dim3A_89 : vector<256x4096xi1>, vector<256x4096xi32>
    %reduce_min3A_91 = arith.constant dense<2147483647> : vector<256xi32>
    %reduce_min3A_92 = vector.multi_reduction <minsi>, %select_n3A_90, %reduce_min3A_91 [1] : vector<256x4096xi32> to vector<256xi32>
    %broadcast_in_dim3A_93 = vector.shape_cast %reduce_min3A_92 : vector<256xi32> to vector<256x1xi32>
    %eq3A_94 = vector.broadcast %broadcast_in_dim3A_93 : vector<256x1xi32> to vector<256x4096xi32>
    %eq3A_95 = arith.cmpi eq, %iota3A, %eq3A_94 : vector<256x4096xi32>
    %jit3A_96 = arith.constant -3.000000e+38 : f32
    %broadcast_in_dim3A_97 = vector.broadcast %jit3A_96 : f32 to vector<256x4096xf32>
    %select_n3A_98 = arith.select %eq3A_95, %broadcast_in_dim3A_97, %select_n3A_82 : vector<256x4096xi1>, vector<256x4096xf32>
    %reduce_max3A_99 = arith.constant dense<0xFF800000> : vector<256xf32>
    %reduce_max3A_100 = vector.multi_reduction <maximumf>, %select_n3A_98, %reduce_max3A_99 [1] : vector<256x4096xf32> to vector<256xf32>
    %broadcast_in_dim3A_101 = vector.shape_cast %reduce_max3A_100 : vector<256xf32> to vector<256x1xf32>
    %eq3A_102 = vector.broadcast %broadcast_in_dim3A_101 : vector<256x1xf32> to vector<256x4096xf32>
    %eq3A_103 = arith.cmpf oeq, %select_n3A_98, %eq3A_102 : vector<256x4096xf32>
    %jit3A_104 = arith.constant 4096 : i32
    %broadcast_in_dim3A_105 = vector.broadcast %jit3A_104 : i32 to vector<256x4096xi32>
    %select_n3A_106 = arith.select %eq3A_103, %iota3A, %broadcast_in_dim3A_105 : vector<256x4096xi1>, vector<256x4096xi32>
    %reduce_min3A_107 = arith.constant dense<2147483647> : vector<256xi32>
    %reduce_min3A_108 = vector.multi_reduction <minsi>, %select_n3A_106, %reduce_min3A_107 [1] : vector<256x4096xi32> to vector<256xi32>
    %broadcast_in_dim3A_109 = vector.shape_cast %reduce_min3A_108 : vector<256xi32> to vector<256x1xi32>
    %eq3A_110 = vector.broadcast %broadcast_in_dim3A_109 : vector<256x1xi32> to vector<256x4096xi32>
    %eq3A_111 = arith.cmpi eq, %iota3A, %eq3A_110 : vector<256x4096xi32>
    %jit3A_112 = arith.constant -3.000000e+38 : f32
    %broadcast_in_dim3A_113 = vector.broadcast %jit3A_112 : f32 to vector<256x4096xf32>
    %select_n3A_114 = arith.select %eq3A_111, %broadcast_in_dim3A_113, %select_n3A_98 : vector<256x4096xi1>, vector<256x4096xf32>
    %reduce_max3A_115 = arith.constant dense<0xFF800000> : vector<256xf32>
    %reduce_max3A_116 = vector.multi_reduction <maximumf>, %select_n3A_114, %reduce_max3A_115 [1] : vector<256x4096xf32> to vector<256xf32>
    %broadcast_in_dim3A_117 = vector.shape_cast %reduce_max3A_116 : vector<256xf32> to vector<256x1xf32>
    %eq3A_118 = vector.broadcast %broadcast_in_dim3A_117 : vector<256x1xf32> to vector<256x4096xf32>
    %eq3A_119 = arith.cmpf oeq, %select_n3A_114, %eq3A_118 : vector<256x4096xf32>
    %jit3A_120 = arith.constant 4096 : i32
    %broadcast_in_dim3A_121 = vector.broadcast %jit3A_120 : i32 to vector<256x4096xi32>
    %select_n3A_122 = arith.select %eq3A_119, %iota3A, %broadcast_in_dim3A_121 : vector<256x4096xi1>, vector<256x4096xi32>
    %reduce_min3A_123 = arith.constant dense<2147483647> : vector<256xi32>
    %reduce_min3A_124 = vector.multi_reduction <minsi>, %select_n3A_122, %reduce_min3A_123 [1] : vector<256x4096xi32> to vector<256xi32>
    %broadcast_in_dim3A_125 = vector.shape_cast %reduce_min3A_124 : vector<256xi32> to vector<256x1xi32>
    %eq3A_126 = vector.broadcast %broadcast_in_dim3A_125 : vector<256x1xi32> to vector<256x4096xi32>
    %eq3A_127 = arith.cmpi eq, %iota3A, %eq3A_126 : vector<256x4096xi32>
    %jit3A_128 = arith.constant -3.000000e+38 : f32
    %broadcast_in_dim3A_129 = vector.broadcast %jit3A_128 : f32 to vector<256x4096xf32>
    %select_n3A_130 = arith.select %eq3A_127, %broadcast_in_dim3A_129, %select_n3A_114 : vector<256x4096xi1>, vector<256x4096xf32>
    %reduce_max3A_131 = arith.constant dense<0xFF800000> : vector<256xf32>
    %reduce_max3A_132 = vector.multi_reduction <maximumf>, %select_n3A_130, %reduce_max3A_131 [1] : vector<256x4096xf32> to vector<256xf32>
    %broadcast_in_dim3A_133 = vector.shape_cast %reduce_max3A_132 : vector<256xf32> to vector<256x1xf32>
    %eq3A_134 = vector.broadcast %broadcast_in_dim3A_133 : vector<256x1xf32> to vector<256x4096xf32>
    %eq3A_135 = arith.cmpf oeq, %select_n3A_130, %eq3A_134 : vector<256x4096xf32>
    %jit3A_136 = arith.constant 4096 : i32
    %broadcast_in_dim3A_137 = vector.broadcast %jit3A_136 : i32 to vector<256x4096xi32>
    %select_n3A_138 = arith.select %eq3A_135, %iota3A, %broadcast_in_dim3A_137 : vector<256x4096xi1>, vector<256x4096xi32>
    %reduce_min3A_139 = arith.constant dense<2147483647> : vector<256xi32>
    %reduce_min3A_140 = vector.multi_reduction <minsi>, %select_n3A_138, %reduce_min3A_139 [1] : vector<256x4096xi32> to vector<256xi32>
    %broadcast_in_dim3A_141 = vector.shape_cast %reduce_min3A_140 : vector<256xi32> to vector<256x1xi32>
    %eq3A_142 = vector.broadcast %broadcast_in_dim3A_141 : vector<256x1xi32> to vector<256x4096xi32>
    %eq3A_143 = arith.cmpi eq, %iota3A, %eq3A_142 : vector<256x4096xi32>
    %jit3A_144 = arith.constant -3.000000e+38 : f32
    %broadcast_in_dim3A_145 = vector.broadcast %jit3A_144 : f32 to vector<256x4096xf32>
    %select_n3A_146 = arith.select %eq3A_143, %broadcast_in_dim3A_145, %select_n3A_130 : vector<256x4096xi1>, vector<256x4096xf32>
    %reduce_max3A_147 = arith.constant dense<0xFF800000> : vector<256xf32>
    %reduce_max3A_148 = vector.multi_reduction <maximumf>, %select_n3A_146, %reduce_max3A_147 [1] : vector<256x4096xf32> to vector<256xf32>
    %broadcast_in_dim3A_149 = vector.shape_cast %reduce_max3A_148 : vector<256xf32> to vector<256x1xf32>
    %eq3A_150 = vector.broadcast %broadcast_in_dim3A_149 : vector<256x1xf32> to vector<256x4096xf32>
    %eq3A_151 = arith.cmpf oeq, %select_n3A_146, %eq3A_150 : vector<256x4096xf32>
    %jit3A_152 = arith.constant 4096 : i32
    %broadcast_in_dim3A_153 = vector.broadcast %jit3A_152 : i32 to vector<256x4096xi32>
    %select_n3A_154 = arith.select %eq3A_151, %iota3A, %broadcast_in_dim3A_153 : vector<256x4096xi1>, vector<256x4096xi32>
    %reduce_min3A_155 = arith.constant dense<2147483647> : vector<256xi32>
    %reduce_min3A_156 = vector.multi_reduction <minsi>, %select_n3A_154, %reduce_min3A_155 [1] : vector<256x4096xi32> to vector<256xi32>
    %broadcast_in_dim3A_157 = vector.shape_cast %reduce_min3A_156 : vector<256xi32> to vector<256x1xi32>
    %eq3A_158 = vector.broadcast %broadcast_in_dim3A_157 : vector<256x1xi32> to vector<256x4096xi32>
    %eq3A_159 = arith.cmpi eq, %iota3A, %eq3A_158 : vector<256x4096xi32>
    %jit3A_160 = arith.constant -3.000000e+38 : f32
    %broadcast_in_dim3A_161 = vector.broadcast %jit3A_160 : f32 to vector<256x4096xf32>
    %select_n3A_162 = arith.select %eq3A_159, %broadcast_in_dim3A_161, %select_n3A_146 : vector<256x4096xi1>, vector<256x4096xf32>
    %reduce_max3A_163 = arith.constant dense<0xFF800000> : vector<256xf32>
    %reduce_max3A_164 = vector.multi_reduction <maximumf>, %select_n3A_162, %reduce_max3A_163 [1] : vector<256x4096xf32> to vector<256xf32>
    %broadcast_in_dim3A_165 = vector.shape_cast %reduce_max3A_164 : vector<256xf32> to vector<256x1xf32>
    %eq3A_166 = vector.broadcast %broadcast_in_dim3A_165 : vector<256x1xf32> to vector<256x4096xf32>
    %eq3A_167 = arith.cmpf oeq, %select_n3A_162, %eq3A_166 : vector<256x4096xf32>
    %jit3A_168 = arith.constant 4096 : i32
    %broadcast_in_dim3A_169 = vector.broadcast %jit3A_168 : i32 to vector<256x4096xi32>
    %select_n3A_170 = arith.select %eq3A_167, %iota3A, %broadcast_in_dim3A_169 : vector<256x4096xi1>, vector<256x4096xi32>
    %reduce_min3A_171 = arith.constant dense<2147483647> : vector<256xi32>
    %reduce_min3A_172 = vector.multi_reduction <minsi>, %select_n3A_170, %reduce_min3A_171 [1] : vector<256x4096xi32> to vector<256xi32>
    %broadcast_in_dim3A_173 = vector.shape_cast %reduce_min3A_172 : vector<256xi32> to vector<256x1xi32>
    %eq3A_174 = vector.broadcast %broadcast_in_dim3A_173 : vector<256x1xi32> to vector<256x4096xi32>
    %eq3A_175 = arith.cmpi eq, %iota3A, %eq3A_174 : vector<256x4096xi32>
    %jit3A_176 = arith.constant -3.000000e+38 : f32
    %broadcast_in_dim3A_177 = vector.broadcast %jit3A_176 : f32 to vector<256x4096xf32>
    %select_n3A_178 = arith.select %eq3A_175, %broadcast_in_dim3A_177, %select_n3A_162 : vector<256x4096xi1>, vector<256x4096xf32>
    %reduce_max3A_179 = arith.constant dense<0xFF800000> : vector<256xf32>
    %reduce_max3A_180 = vector.multi_reduction <maximumf>, %select_n3A_178, %reduce_max3A_179 [1] : vector<256x4096xf32> to vector<256xf32>
    %broadcast_in_dim3A_181 = vector.shape_cast %reduce_max3A_180 : vector<256xf32> to vector<256x1xf32>
    %eq3A_182 = vector.broadcast %broadcast_in_dim3A_181 : vector<256x1xf32> to vector<256x4096xf32>
    %eq3A_183 = arith.cmpf oeq, %select_n3A_178, %eq3A_182 : vector<256x4096xf32>
    %jit3A_184 = arith.constant 4096 : i32
    %broadcast_in_dim3A_185 = vector.broadcast %jit3A_184 : i32 to vector<256x4096xi32>
    %select_n3A_186 = arith.select %eq3A_183, %iota3A, %broadcast_in_dim3A_185 : vector<256x4096xi1>, vector<256x4096xi32>
    %reduce_min3A_187 = arith.constant dense<2147483647> : vector<256xi32>
    %reduce_min3A_188 = vector.multi_reduction <minsi>, %select_n3A_186, %reduce_min3A_187 [1] : vector<256x4096xi32> to vector<256xi32>
    %broadcast_in_dim3A_189 = vector.shape_cast %reduce_min3A_188 : vector<256xi32> to vector<256x1xi32>
    %eq3A_190 = vector.broadcast %broadcast_in_dim3A_189 : vector<256x1xi32> to vector<256x4096xi32>
    %eq3A_191 = arith.cmpi eq, %iota3A, %eq3A_190 : vector<256x4096xi32>
    %jit3A_192 = arith.constant -3.000000e+38 : f32
    %broadcast_in_dim3A_193 = vector.broadcast %jit3A_192 : f32 to vector<256x4096xf32>
    %select_n3A_194 = arith.select %eq3A_191, %broadcast_in_dim3A_193, %select_n3A_178 : vector<256x4096xi1>, vector<256x4096xf32>
    %reduce_max3A_195 = arith.constant dense<0xFF800000> : vector<256xf32>
    %reduce_max3A_196 = vector.multi_reduction <maximumf>, %select_n3A_194, %reduce_max3A_195 [1] : vector<256x4096xf32> to vector<256xf32>
    %broadcast_in_dim3A_197 = vector.shape_cast %reduce_max3A_196 : vector<256xf32> to vector<256x1xf32>
    %eq3A_198 = vector.broadcast %broadcast_in_dim3A_197 : vector<256x1xf32> to vector<256x4096xf32>
    %eq3A_199 = arith.cmpf oeq, %select_n3A_194, %eq3A_198 : vector<256x4096xf32>
    %jit3A_200 = arith.constant 4096 : i32
    %broadcast_in_dim3A_201 = vector.broadcast %jit3A_200 : i32 to vector<256x4096xi32>
    %select_n3A_202 = arith.select %eq3A_199, %iota3A, %broadcast_in_dim3A_201 : vector<256x4096xi1>, vector<256x4096xi32>
    %reduce_min3A_203 = arith.constant dense<2147483647> : vector<256xi32>
    %reduce_min3A_204 = vector.multi_reduction <minsi>, %select_n3A_202, %reduce_min3A_203 [1] : vector<256x4096xi32> to vector<256xi32>
    %broadcast_in_dim3A_205 = vector.shape_cast %reduce_min3A_204 : vector<256xi32> to vector<256x1xi32>
    %eq3A_206 = vector.broadcast %broadcast_in_dim3A_205 : vector<256x1xi32> to vector<256x4096xi32>
    %eq3A_207 = arith.cmpi eq, %iota3A, %eq3A_206 : vector<256x4096xi32>
    %jit3A_208 = arith.constant -3.000000e+38 : f32
    %broadcast_in_dim3A_209 = vector.broadcast %jit3A_208 : f32 to vector<256x4096xf32>
    %select_n3A_210 = arith.select %eq3A_207, %broadcast_in_dim3A_209, %select_n3A_194 : vector<256x4096xi1>, vector<256x4096xf32>
    %reduce_max3A_211 = arith.constant dense<0xFF800000> : vector<256xf32>
    %reduce_max3A_212 = vector.multi_reduction <maximumf>, %select_n3A_210, %reduce_max3A_211 [1] : vector<256x4096xf32> to vector<256xf32>
    %broadcast_in_dim3A_213 = vector.shape_cast %reduce_max3A_212 : vector<256xf32> to vector<256x1xf32>
    %eq3A_214 = vector.broadcast %broadcast_in_dim3A_213 : vector<256x1xf32> to vector<256x4096xf32>
    %eq3A_215 = arith.cmpf oeq, %select_n3A_210, %eq3A_214 : vector<256x4096xf32>
    %jit3A_216 = arith.constant 4096 : i32
    %broadcast_in_dim3A_217 = vector.broadcast %jit3A_216 : i32 to vector<256x4096xi32>
    %select_n3A_218 = arith.select %eq3A_215, %iota3A, %broadcast_in_dim3A_217 : vector<256x4096xi1>, vector<256x4096xi32>
    %reduce_min3A_219 = arith.constant dense<2147483647> : vector<256xi32>
    %reduce_min3A_220 = vector.multi_reduction <minsi>, %select_n3A_218, %reduce_min3A_219 [1] : vector<256x4096xi32> to vector<256xi32>
    %broadcast_in_dim3A_221 = vector.shape_cast %reduce_min3A_220 : vector<256xi32> to vector<256x1xi32>
    %eq3A_222 = vector.broadcast %broadcast_in_dim3A_221 : vector<256x1xi32> to vector<256x4096xi32>
    %eq3A_223 = arith.cmpi eq, %iota3A, %eq3A_222 : vector<256x4096xi32>
    %jit3A_224 = arith.constant -3.000000e+38 : f32
    %broadcast_in_dim3A_225 = vector.broadcast %jit3A_224 : f32 to vector<256x4096xf32>
    %select_n3A_226 = arith.select %eq3A_223, %broadcast_in_dim3A_225, %select_n3A_210 : vector<256x4096xi1>, vector<256x4096xf32>
    %reduce_max3A_227 = arith.constant dense<0xFF800000> : vector<256xf32>
    %reduce_max3A_228 = vector.multi_reduction <maximumf>, %select_n3A_226, %reduce_max3A_227 [1] : vector<256x4096xf32> to vector<256xf32>
    %broadcast_in_dim3A_229 = vector.shape_cast %reduce_max3A_228 : vector<256xf32> to vector<256x1xf32>
    %eq3A_230 = vector.broadcast %broadcast_in_dim3A_229 : vector<256x1xf32> to vector<256x4096xf32>
    %eq3A_231 = arith.cmpf oeq, %select_n3A_226, %eq3A_230 : vector<256x4096xf32>
    %jit3A_232 = arith.constant 4096 : i32
    %broadcast_in_dim3A_233 = vector.broadcast %jit3A_232 : i32 to vector<256x4096xi32>
    %select_n3A_234 = arith.select %eq3A_231, %iota3A, %broadcast_in_dim3A_233 : vector<256x4096xi1>, vector<256x4096xi32>
    %reduce_min3A_235 = arith.constant dense<2147483647> : vector<256xi32>
    %reduce_min3A_236 = vector.multi_reduction <minsi>, %select_n3A_234, %reduce_min3A_235 [1] : vector<256x4096xi32> to vector<256xi32>
    %broadcast_in_dim3A_237 = vector.shape_cast %reduce_min3A_236 : vector<256xi32> to vector<256x1xi32>
    %eq3A_238 = vector.broadcast %broadcast_in_dim3A_237 : vector<256x1xi32> to vector<256x4096xi32>
    %eq3A_239 = arith.cmpi eq, %iota3A, %eq3A_238 : vector<256x4096xi32>
    %jit3A_240 = arith.constant -3.000000e+38 : f32
    %broadcast_in_dim3A_241 = vector.broadcast %jit3A_240 : f32 to vector<256x4096xf32>
    %select_n3A_242 = arith.select %eq3A_239, %broadcast_in_dim3A_241, %select_n3A_226 : vector<256x4096xi1>, vector<256x4096xf32>
    %reduce_max3A_243 = arith.constant dense<0xFF800000> : vector<256xf32>
    %reduce_max3A_244 = vector.multi_reduction <maximumf>, %select_n3A_242, %reduce_max3A_243 [1] : vector<256x4096xf32> to vector<256xf32>
    %broadcast_in_dim3A_245 = vector.shape_cast %reduce_max3A_244 : vector<256xf32> to vector<256x1xf32>
    %eq3A_246 = vector.broadcast %broadcast_in_dim3A_245 : vector<256x1xf32> to vector<256x4096xf32>
    %eq3A_247 = arith.cmpf oeq, %select_n3A_242, %eq3A_246 : vector<256x4096xf32>
    %jit3A_248 = arith.constant 4096 : i32
    %broadcast_in_dim3A_249 = vector.broadcast %jit3A_248 : i32 to vector<256x4096xi32>
    %select_n3A_250 = arith.select %eq3A_247, %iota3A, %broadcast_in_dim3A_249 : vector<256x4096xi1>, vector<256x4096xi32>
    %reduce_min3A_251 = arith.constant dense<2147483647> : vector<256xi32>
    %reduce_min3A_252 = vector.multi_reduction <minsi>, %select_n3A_250, %reduce_min3A_251 [1] : vector<256x4096xi32> to vector<256xi32>
    %broadcast_in_dim3A_253 = vector.shape_cast %reduce_min3A_252 : vector<256xi32> to vector<256x1xi32>
    %eq3A_254 = vector.broadcast %broadcast_in_dim3A_253 : vector<256x1xi32> to vector<256x4096xi32>
    %eq3A_255 = arith.cmpi eq, %iota3A, %eq3A_254 : vector<256x4096xi32>
    %jit3A_256 = arith.constant -3.000000e+38 : f32
    %broadcast_in_dim3A_257 = vector.broadcast %jit3A_256 : f32 to vector<256x4096xf32>
    %select_n3A_258 = arith.select %eq3A_255, %broadcast_in_dim3A_257, %select_n3A_242 : vector<256x4096xi1>, vector<256x4096xf32>
    %reduce_max3A_259 = arith.constant dense<0xFF800000> : vector<256xf32>
    %reduce_max3A_260 = vector.multi_reduction <maximumf>, %select_n3A_258, %reduce_max3A_259 [1] : vector<256x4096xf32> to vector<256xf32>
    %broadcast_in_dim3A_261 = vector.shape_cast %reduce_max3A_260 : vector<256xf32> to vector<256x1xf32>
    %eq3A_262 = vector.broadcast %broadcast_in_dim3A_261 : vector<256x1xf32> to vector<256x4096xf32>
    %eq3A_263 = arith.cmpf oeq, %select_n3A_258, %eq3A_262 : vector<256x4096xf32>
    %jit3A_264 = arith.constant 4096 : i32
    %broadcast_in_dim3A_265 = vector.broadcast %jit3A_264 : i32 to vector<256x4096xi32>
    %select_n3A_266 = arith.select %eq3A_263, %iota3A, %broadcast_in_dim3A_265 : vector<256x4096xi1>, vector<256x4096xi32>
    %reduce_min3A_267 = arith.constant dense<2147483647> : vector<256xi32>
    %reduce_min3A_268 = vector.multi_reduction <minsi>, %select_n3A_266, %reduce_min3A_267 [1] : vector<256x4096xi32> to vector<256xi32>
    %broadcast_in_dim3A_269 = vector.shape_cast %reduce_min3A_268 : vector<256xi32> to vector<256x1xi32>
    %eq3A_270 = vector.broadcast %broadcast_in_dim3A_269 : vector<256x1xi32> to vector<256x4096xi32>
    %eq3A_271 = arith.cmpi eq, %iota3A, %eq3A_270 : vector<256x4096xi32>
    %jit3A_272 = arith.constant -3.000000e+38 : f32
    %broadcast_in_dim3A_273 = vector.broadcast %jit3A_272 : f32 to vector<256x4096xf32>
    %select_n3A_274 = arith.select %eq3A_271, %broadcast_in_dim3A_273, %select_n3A_258 : vector<256x4096xi1>, vector<256x4096xf32>
    %reduce_max3A_275 = arith.constant dense<0xFF800000> : vector<256xf32>
    %reduce_max3A_276 = vector.multi_reduction <maximumf>, %select_n3A_274, %reduce_max3A_275 [1] : vector<256x4096xf32> to vector<256xf32>
    %broadcast_in_dim3A_277 = vector.shape_cast %reduce_max3A_276 : vector<256xf32> to vector<256x1xf32>
    %eq3A_278 = vector.broadcast %broadcast_in_dim3A_277 : vector<256x1xf32> to vector<256x4096xf32>
    %eq3A_279 = arith.cmpf oeq, %select_n3A_274, %eq3A_278 : vector<256x4096xf32>
    %jit3A_280 = arith.constant 4096 : i32
    %broadcast_in_dim3A_281 = vector.broadcast %jit3A_280 : i32 to vector<256x4096xi32>
    %select_n3A_282 = arith.select %eq3A_279, %iota3A, %broadcast_in_dim3A_281 : vector<256x4096xi1>, vector<256x4096xi32>
    %reduce_min3A_283 = arith.constant dense<2147483647> : vector<256xi32>
    %reduce_min3A_284 = vector.multi_reduction <minsi>, %select_n3A_282, %reduce_min3A_283 [1] : vector<256x4096xi32> to vector<256xi32>
    %broadcast_in_dim3A_285 = vector.shape_cast %reduce_min3A_284 : vector<256xi32> to vector<256x1xi32>
    %eq3A_286 = vector.broadcast %broadcast_in_dim3A_285 : vector<256x1xi32> to vector<256x4096xi32>
    %eq3A_287 = arith.cmpi eq, %iota3A, %eq3A_286 : vector<256x4096xi32>
    %jit3A_288 = arith.constant -3.000000e+38 : f32
    %broadcast_in_dim3A_289 = vector.broadcast %jit3A_288 : f32 to vector<256x4096xf32>
    %select_n3A_290 = arith.select %eq3A_287, %broadcast_in_dim3A_289, %select_n3A_274 : vector<256x4096xi1>, vector<256x4096xf32>
    %reduce_max3A_291 = arith.constant dense<0xFF800000> : vector<256xf32>
    %reduce_max3A_292 = vector.multi_reduction <maximumf>, %select_n3A_290, %reduce_max3A_291 [1] : vector<256x4096xf32> to vector<256xf32>
    %broadcast_in_dim3A_293 = vector.shape_cast %reduce_max3A_292 : vector<256xf32> to vector<256x1xf32>
    %eq3A_294 = vector.broadcast %broadcast_in_dim3A_293 : vector<256x1xf32> to vector<256x4096xf32>
    %eq3A_295 = arith.cmpf oeq, %select_n3A_290, %eq3A_294 : vector<256x4096xf32>
    %jit3A_296 = arith.constant 4096 : i32
    %broadcast_in_dim3A_297 = vector.broadcast %jit3A_296 : i32 to vector<256x4096xi32>
    %select_n3A_298 = arith.select %eq3A_295, %iota3A, %broadcast_in_dim3A_297 : vector<256x4096xi1>, vector<256x4096xi32>
    %reduce_min3A_299 = arith.constant dense<2147483647> : vector<256xi32>
    %reduce_min3A_300 = vector.multi_reduction <minsi>, %select_n3A_298, %reduce_min3A_299 [1] : vector<256x4096xi32> to vector<256xi32>
    %broadcast_in_dim3A_301 = vector.shape_cast %reduce_min3A_300 : vector<256xi32> to vector<256x1xi32>
    %eq3A_302 = vector.broadcast %broadcast_in_dim3A_301 : vector<256x1xi32> to vector<256x4096xi32>
    %eq3A_303 = arith.cmpi eq, %iota3A, %eq3A_302 : vector<256x4096xi32>
    %jit3A_304 = arith.constant -3.000000e+38 : f32
    %broadcast_in_dim3A_305 = vector.broadcast %jit3A_304 : f32 to vector<256x4096xf32>
    %select_n3A_306 = arith.select %eq3A_303, %broadcast_in_dim3A_305, %select_n3A_290 : vector<256x4096xi1>, vector<256x4096xf32>
    %reduce_max3A_307 = arith.constant dense<0xFF800000> : vector<256xf32>
    %reduce_max3A_308 = vector.multi_reduction <maximumf>, %select_n3A_306, %reduce_max3A_307 [1] : vector<256x4096xf32> to vector<256xf32>
    %broadcast_in_dim3A_309 = vector.shape_cast %reduce_max3A_308 : vector<256xf32> to vector<256x1xf32>
    %eq3A_310 = vector.broadcast %broadcast_in_dim3A_309 : vector<256x1xf32> to vector<256x4096xf32>
    %eq3A_311 = arith.cmpf oeq, %select_n3A_306, %eq3A_310 : vector<256x4096xf32>
    %jit3A_312 = arith.constant 4096 : i32
    %broadcast_in_dim3A_313 = vector.broadcast %jit3A_312 : i32 to vector<256x4096xi32>
    %select_n3A_314 = arith.select %eq3A_311, %iota3A, %broadcast_in_dim3A_313 : vector<256x4096xi1>, vector<256x4096xi32>
    %reduce_min3A_315 = arith.constant dense<2147483647> : vector<256xi32>
    %reduce_min3A_316 = vector.multi_reduction <minsi>, %select_n3A_314, %reduce_min3A_315 [1] : vector<256x4096xi32> to vector<256xi32>
    %broadcast_in_dim3A_317 = vector.shape_cast %reduce_min3A_316 : vector<256xi32> to vector<256x1xi32>
    %eq3A_318 = vector.broadcast %broadcast_in_dim3A_317 : vector<256x1xi32> to vector<256x4096xi32>
    %eq3A_319 = arith.cmpi eq, %iota3A, %eq3A_318 : vector<256x4096xi32>
    %jit3A_320 = arith.constant -3.000000e+38 : f32
    %broadcast_in_dim3A_321 = vector.broadcast %jit3A_320 : f32 to vector<256x4096xf32>
    %select_n3A_322 = arith.select %eq3A_319, %broadcast_in_dim3A_321, %select_n3A_306 : vector<256x4096xi1>, vector<256x4096xf32>
    %reduce_max3A_323 = arith.constant dense<0xFF800000> : vector<256xf32>
    %reduce_max3A_324 = vector.multi_reduction <maximumf>, %select_n3A_322, %reduce_max3A_323 [1] : vector<256x4096xf32> to vector<256xf32>
    %broadcast_in_dim3A_325 = vector.shape_cast %reduce_max3A_324 : vector<256xf32> to vector<256x1xf32>
    %eq3A_326 = vector.broadcast %broadcast_in_dim3A_325 : vector<256x1xf32> to vector<256x4096xf32>
    %eq3A_327 = arith.cmpf oeq, %select_n3A_322, %eq3A_326 : vector<256x4096xf32>
    %jit3A_328 = arith.constant 4096 : i32
    %broadcast_in_dim3A_329 = vector.broadcast %jit3A_328 : i32 to vector<256x4096xi32>
    %select_n3A_330 = arith.select %eq3A_327, %iota3A, %broadcast_in_dim3A_329 : vector<256x4096xi1>, vector<256x4096xi32>
    %reduce_min3A_331 = arith.constant dense<2147483647> : vector<256xi32>
    %reduce_min3A_332 = vector.multi_reduction <minsi>, %select_n3A_330, %reduce_min3A_331 [1] : vector<256x4096xi32> to vector<256xi32>
    %broadcast_in_dim3A_333 = vector.shape_cast %reduce_min3A_332 : vector<256xi32> to vector<256x1xi32>
    %eq3A_334 = vector.broadcast %broadcast_in_dim3A_333 : vector<256x1xi32> to vector<256x4096xi32>
    %eq3A_335 = arith.cmpi eq, %iota3A, %eq3A_334 : vector<256x4096xi32>
    %jit3A_336 = arith.constant -3.000000e+38 : f32
    %broadcast_in_dim3A_337 = vector.broadcast %jit3A_336 : f32 to vector<256x4096xf32>
    %select_n3A_338 = arith.select %eq3A_335, %broadcast_in_dim3A_337, %select_n3A_322 : vector<256x4096xi1>, vector<256x4096xf32>
    %reduce_max3A_339 = arith.constant dense<0xFF800000> : vector<256xf32>
    %reduce_max3A_340 = vector.multi_reduction <maximumf>, %select_n3A_338, %reduce_max3A_339 [1] : vector<256x4096xf32> to vector<256xf32>
    %broadcast_in_dim3A_341 = vector.shape_cast %reduce_max3A_340 : vector<256xf32> to vector<256x1xf32>
    %eq3A_342 = vector.broadcast %broadcast_in_dim3A_341 : vector<256x1xf32> to vector<256x4096xf32>
    %eq3A_343 = arith.cmpf oeq, %select_n3A_338, %eq3A_342 : vector<256x4096xf32>
    %jit3A_344 = arith.constant 4096 : i32
    %broadcast_in_dim3A_345 = vector.broadcast %jit3A_344 : i32 to vector<256x4096xi32>
    %select_n3A_346 = arith.select %eq3A_343, %iota3A, %broadcast_in_dim3A_345 : vector<256x4096xi1>, vector<256x4096xi32>
    %reduce_min3A_347 = arith.constant dense<2147483647> : vector<256xi32>
    %reduce_min3A_348 = vector.multi_reduction <minsi>, %select_n3A_346, %reduce_min3A_347 [1] : vector<256x4096xi32> to vector<256xi32>
    %broadcast_in_dim3A_349 = vector.shape_cast %reduce_min3A_348 : vector<256xi32> to vector<256x1xi32>
    %eq3A_350 = vector.broadcast %broadcast_in_dim3A_349 : vector<256x1xi32> to vector<256x4096xi32>
    %eq3A_351 = arith.cmpi eq, %iota3A, %eq3A_350 : vector<256x4096xi32>
    %jit3A_352 = arith.constant -3.000000e+38 : f32
    %broadcast_in_dim3A_353 = vector.broadcast %jit3A_352 : f32 to vector<256x4096xf32>
    %select_n3A_354 = arith.select %eq3A_351, %broadcast_in_dim3A_353, %select_n3A_338 : vector<256x4096xi1>, vector<256x4096xf32>
    %reduce_max3A_355 = arith.constant dense<0xFF800000> : vector<256xf32>
    %reduce_max3A_356 = vector.multi_reduction <maximumf>, %select_n3A_354, %reduce_max3A_355 [1] : vector<256x4096xf32> to vector<256xf32>
    %broadcast_in_dim3A_357 = vector.shape_cast %reduce_max3A_356 : vector<256xf32> to vector<256x1xf32>
    %eq3A_358 = vector.broadcast %broadcast_in_dim3A_357 : vector<256x1xf32> to vector<256x4096xf32>
    %eq3A_359 = arith.cmpf oeq, %select_n3A_354, %eq3A_358 : vector<256x4096xf32>
    %jit3A_360 = arith.constant 4096 : i32
    %broadcast_in_dim3A_361 = vector.broadcast %jit3A_360 : i32 to vector<256x4096xi32>
    %select_n3A_362 = arith.select %eq3A_359, %iota3A, %broadcast_in_dim3A_361 : vector<256x4096xi1>, vector<256x4096xi32>
    %reduce_min3A_363 = arith.constant dense<2147483647> : vector<256xi32>
    %reduce_min3A_364 = vector.multi_reduction <minsi>, %select_n3A_362, %reduce_min3A_363 [1] : vector<256x4096xi32> to vector<256xi32>
    %broadcast_in_dim3A_365 = vector.shape_cast %reduce_min3A_364 : vector<256xi32> to vector<256x1xi32>
    %eq3A_366 = vector.broadcast %broadcast_in_dim3A_365 : vector<256x1xi32> to vector<256x4096xi32>
    %eq3A_367 = arith.cmpi eq, %iota3A, %eq3A_366 : vector<256x4096xi32>
    %jit3A_368 = arith.constant -3.000000e+38 : f32
    %broadcast_in_dim3A_369 = vector.broadcast %jit3A_368 : f32 to vector<256x4096xf32>
    %select_n3A_370 = arith.select %eq3A_367, %broadcast_in_dim3A_369, %select_n3A_354 : vector<256x4096xi1>, vector<256x4096xf32>
    %reduce_max3A_371 = arith.constant dense<0xFF800000> : vector<256xf32>
    %reduce_max3A_372 = vector.multi_reduction <maximumf>, %select_n3A_370, %reduce_max3A_371 [1] : vector<256x4096xf32> to vector<256xf32>
    %broadcast_in_dim3A_373 = vector.shape_cast %reduce_max3A_372 : vector<256xf32> to vector<256x1xf32>
    %eq3A_374 = vector.broadcast %broadcast_in_dim3A_373 : vector<256x1xf32> to vector<256x4096xf32>
    %eq3A_375 = arith.cmpf oeq, %select_n3A_370, %eq3A_374 : vector<256x4096xf32>
    %jit3A_376 = arith.constant 4096 : i32
    %broadcast_in_dim3A_377 = vector.broadcast %jit3A_376 : i32 to vector<256x4096xi32>
    %select_n3A_378 = arith.select %eq3A_375, %iota3A, %broadcast_in_dim3A_377 : vector<256x4096xi1>, vector<256x4096xi32>
    %reduce_min3A_379 = arith.constant dense<2147483647> : vector<256xi32>
    %reduce_min3A_380 = vector.multi_reduction <minsi>, %select_n3A_378, %reduce_min3A_379 [1] : vector<256x4096xi32> to vector<256xi32>
    %broadcast_in_dim3A_381 = vector.shape_cast %reduce_min3A_380 : vector<256xi32> to vector<256x1xi32>
    %concatenate3A = tpu.concatenate %broadcast_in_dim3A_77, %broadcast_in_dim3A_93, %broadcast_in_dim3A_109, %broadcast_in_dim3A_125, %broadcast_in_dim3A_141, %broadcast_in_dim3A_157, %broadcast_in_dim3A_173, %broadcast_in_dim3A_189, %broadcast_in_dim3A_205, %broadcast_in_dim3A_221, %broadcast_in_dim3A_237, %broadcast_in_dim3A_253, %broadcast_in_dim3A_269, %broadcast_in_dim3A_285, %broadcast_in_dim3A_301, %broadcast_in_dim3A_317, %broadcast_in_dim3A_333, %broadcast_in_dim3A_349, %broadcast_in_dim3A_365, %broadcast_in_dim3A_381 in 1 : vector<256x1xi32>, vector<256x1xi32>, vector<256x1xi32>, vector<256x1xi32>, vector<256x1xi32>, vector<256x1xi32>, vector<256x1xi32>, vector<256x1xi32>, vector<256x1xi32>, vector<256x1xi32>, vector<256x1xi32>, vector<256x1xi32>, vector<256x1xi32>, vector<256x1xi32>, vector<256x1xi32>, vector<256x1xi32>, vector<256x1xi32>, vector<256x1xi32>, vector<256x1xi32>, vector<256x1xi32> -> vector<256x20xi32>
    %mul3A_382 = arith.constant 4096 : i32
    %mul3A_383 = arith.muli %add3A_0, %mul3A_382 : i32
    %add3A_384 = vector.broadcast %mul3A_383 : i32 to vector<256x20xi32>
    %add3A_385 = arith.addi %concatenate3A, %add3A_384 : vector<256x20xi32>
    %mul3A_386 = arith.constant 3 : i32
    %mul3A_387 = vector.broadcast %mul3A_386 : i32 to vector<256x20xi32>
    %mul3A_388 = arith.muli %mul3A_387, %add3A_385 : vector<256x20xi32>
    %add3A_389 = arith.constant 0 : i32
    %add3A_390 = vector.broadcast %add3A_389 : i32 to vector<256x20xi32>
    %add3A_391 = arith.addi %mul3A_388, %add3A_390 : vector<256x20xi32>
    %swap3A = arith.constant 0 : index
    %swap3A_392 = arith.constant 0 : index
    %swap3A_393 = arith.constant 0 : index
    %swap3A_394 = arith.constant 0 : index
    %swap3A_395 = vector.load %arg4[%swap3A, %swap3A_392, %swap3A_393, %swap3A_394] : memref<3x1x256x20xi32, #tpu.memory_space<vmem>>, vector<1x1x256x20xi32>
    %swap3A_396 = vector.shape_cast %swap3A_395 : vector<1x1x256x20xi32> to vector<256x20xi32>
    %swap3A_397 = vector.shape_cast %add3A_391 : vector<256x20xi32> to vector<1x1x256x20xi32>
    tpu.vector_store %arg4[%swap3A, %swap3A_392, %swap3A_393, %swap3A_394], %swap3A_397 {strides = array<i32>} : memref<3x1x256x20xi32, #tpu.memory_space<vmem>>, vector<1x1x256x20xi32>,
    %broadcast_in_dim3A_398 = vector.shape_cast %get3A_19 : vector<256x1xf32> to vector<256x1xf32>
    %broadcast_in_dim3A_399 = vector.broadcast %broadcast_in_dim3A_398 : vector<256x1xf32> to vector<256x20xf32>
    %swap3A_400 = arith.constant 0 : index
    %swap3A_401 = arith.constant 0 : index
    %swap3A_402 = arith.constant 0 : index
    %swap3A_403 = arith.constant 0 : index
    %swap3A_404 = vector.load %arg5[%swap3A_400, %swap3A_401, %swap3A_402, %swap3A_403] : memref<1x3x256x20xf32, #tpu.memory_space<vmem>>, vector<1x1x256x20xf32>
    %swap3A_405 = vector.shape_cast %swap3A_404 : vector<1x1x256x20xf32> to vector<256x20xf32>
    %swap3A_406 = vector.shape_cast %broadcast_in_dim3A_399 : vector<256x20xf32> to vector<1x1x256x20xf32>
    tpu.vector_store %arg5[%swap3A_400, %swap3A_401, %swap3A_402, %swap3A_403], %swap3A_406 {strides = array<i32>} : memref<1x3x256x20xf32, #tpu.memory_space<vmem>>, vector<1x1x256x20xf32>,
    %add3A_407 = arith.constant 1 : i32
    %add3A_408 = vector.broadcast %add3A_407 : i32 to vector<256x20xi32>
    %add3A_409 = arith.addi %mul3A_388, %add3A_408 : vector<256x20xi32>
    %swap3A_410 = arith.constant 1 : index
    %swap3A_411 = arith.constant 0 : index
    %swap3A_412 = arith.constant 0 : index
    %swap3A_413 = arith.constant 0 : index
    %swap3A_414 = vector.load %arg4[%swap3A_410, %swap3A_411, %swap3A_412, %swap3A_413] : memref<3x1x256x20xi32, #tpu.memory_space<vmem>>, vector<1x1x256x20xi32>
    %swap3A_415 = vector.shape_cast %swap3A_414 : vector<1x1x256x20xi32> to vector<256x20xi32>
    %swap3A_416 = vector.shape_cast %add3A_409 : vector<256x20xi32> to vector<1x1x256x20xi32>
    tpu.vector_store %arg4[%swap3A_410, %swap3A_411, %swap3A_412, %swap3A_413], %swap3A_416 {strides = array<i32>} : memref<3x1x256x20xi32, #tpu.memory_space<vmem>>, vector<1x1x256x20xi32>,
    %broadcast_in_dim3A_417 = vector.shape_cast %get3A_24 : vector<256x1xf32> to vector<256x1xf32>
    %broadcast_in_dim3A_418 = vector.broadcast %broadcast_in_dim3A_417 : vector<256x1xf32> to vector<256x20xf32>
    %swap3A_419 = arith.constant 0 : index
    %swap3A_420 = arith.constant 1 : index
    %swap3A_421 = arith.constant 0 : index
    %swap3A_422 = arith.constant 0 : index
    %swap3A_423 = vector.load %arg5[%swap3A_419, %swap3A_420, %swap3A_421, %swap3A_422] : memref<1x3x256x20xf32, #tpu.memory_space<vmem>>, vector<1x1x256x20xf32>
    %swap3A_424 = vector.shape_cast %swap3A_423 : vector<1x1x256x20xf32> to vector<256x20xf32>
    %swap3A_425 = vector.shape_cast %broadcast_in_dim3A_418 : vector<256x20xf32> to vector<1x1x256x20xf32>
    tpu.vector_store %arg5[%swap3A_419, %swap3A_420, %swap3A_421, %swap3A_422], %swap3A_425 {strides = array<i32>} : memref<1x3x256x20xf32, #tpu.memory_space<vmem>>, vector<1x1x256x20xf32>,
    %add3A_426 = arith.constant 2 : i32
    %add3A_427 = vector.broadcast %add3A_426 : i32 to vector<256x20xi32>
    %add3A_428 = arith.addi %mul3A_388, %add3A_427 : vector<256x20xi32>
    %swap3A_429 = arith.constant 2 : index
    %swap3A_430 = arith.constant 0 : index
    %swap3A_431 = arith.constant 0 : index
    %swap3A_432 = arith.constant 0 : index
    %swap3A_433 = vector.load %arg4[%swap3A_429, %swap3A_430, %swap3A_431, %swap3A_432] : memref<3x1x256x20xi32, #tpu.memory_space<vmem>>, vector<1x1x256x20xi32>
    %swap3A_434 = vector.shape_cast %swap3A_433 : vector<1x1x256x20xi32> to vector<256x20xi32>
    %swap3A_435 = vector.shape_cast %add3A_428 : vector<256x20xi32> to vector<1x1x256x20xi32>
    tpu.vector_store %arg4[%swap3A_429, %swap3A_430, %swap3A_431, %swap3A_432], %swap3A_435 {strides = array<i32>} : memref<3x1x256x20xi32, #tpu.memory_space<vmem>>, vector<1x1x256x20xi32>,
    %broadcast_in_dim3A_436 = vector.shape_cast %get3A_29 : vector<256x1xf32> to vector<256x1xf32>
    %broadcast_in_dim3A_437 = vector.broadcast %broadcast_in_dim3A_436 : vector<256x1xf32> to vector<256x20xf32>
    %swap3A_438 = arith.constant 0 : index
    %swap3A_439 = arith.constant 2 : index
    %swap3A_440 = arith.constant 0 : index
    %swap3A_441 = arith.constant 0 : index
    %swap3A_442 = vector.load %arg5[%swap3A_438, %swap3A_439, %swap3A_440, %swap3A_441] : memref<1x3x256x20xf32, #tpu.memory_space<vmem>>, vector<1x1x256x20xf32>
    %swap3A_443 = vector.shape_cast %swap3A_442 : vector<1x1x256x20xf32> to vector<256x20xf32>
    %swap3A_444 = vector.shape_cast %broadcast_in_dim3A_437 : vector<256x20xf32> to vector<1x1x256x20xf32>
    tpu.vector_store %arg5[%swap3A_438, %swap3A_439, %swap3A_440, %swap3A_441], %swap3A_444 {strides = array<i32>} : memref<1x3x256x20xf32, #tpu.memory_space<vmem>>, vector<1x1x256x20xf32>,
    return
  }
  func.func @transform_0(%arg0: i32, %arg1: i32) -> (i32, i32, i32) {
    %c0_i32 = arith.constant 0 : i32
    %c0_i32_0 = arith.constant 0 : i32
    %c0_i32_1 = arith.constant 0 : i32
    return %arg0, %c0_i32, %c0_i32_0 : i32, i32, i32
  }
  func.func @transform_1(%arg0: i32, %arg1: i32) -> (i32, i32, i32) {
    %c0_i32 = arith.constant 0 : i32
    %c0_i32_0 = arith.constant 0 : i32
    return %arg0, %arg1, %c0_i32 : i32, i32, i32
  }
  func.func @transform_2(%arg0: i32, %arg1: i32) -> (i32, i32, i32, i32) {
    %c0_i32 = arith.constant 0 : i32
    %c0_i32_0 = arith.constant 0 : i32
    %c0_i32_1 = arith.constant 0 : i32
    return %c0_i32, %arg0, %arg1, %c0_i32_0 : i32, i32, i32, i32
  }
  func.func @transform_3(%arg0: i32, %arg1: i32) -> (i32, i32, i32, i32) {
    %c0_i32 = arith.constant 0 : i32
    %c0_i32_0 = arith.constant 0 : i32
    %c0_i32_1 = arith.constant 0 : i32
    return %arg0, %c0_i32, %arg1, %c0_i32_0 : i32, i32, i32, i32
  }
}

</mosaic_0001>

<sc_bundles>
// kernel: kernel.6.cloned.1.call-start
scs
__scs_entry_jumppad:
0x0: {  	(pc) =	sbr.rel $0x88, $3  }
0x1: {  	(tag) =	ssettag $0x0;
	lr =	simm.s32 $0x1  }
0x2: {  	[smem:$0x3FA0] =	sst lr;
	_ =	strace $0xD0000000  }
0x3: {  	_ = 	snop  }
0x4: {  	_ = 	snop  }
0x5: {  	_ = 	snop  }
0x6: {  	_ = 	snop  }
0x7: {  	_ = 	snop  }
__scs_overlays_trampoline_lowered:
0x8: {  	[smem:$0x3FAF] =	sst s0  }
0x9: {  	[smem:$0x3FB0] =	sst s1  }
0xa: {  	[smem:$0x3FB1] =	sst s2  }
0xb: {  	[smem:$0x3FB2] =	sst s3  }
0xc: {  	[smem:$0x3FB3] =	sst s4  }
0xd: {  	[smem:$0x3FB4] =	sst s5  }
0xe: {  	[smem:$0x3FB5] =	sst s6  }
0xf: {  	[smem:$0x3FB6] =	sst s7  }
0x10: {  	[smem:$0x3FB7] =	sst s8  }
0x11: {  	[smem:$0x3FB8] =	sst s9;
	s0 =	simm.s32 @!p0 $0x0  }
0x12: {  	s1 =	sld [smem:$0x3F9E];
	s0 =	simm.s32 @p0 $0x1  }
0x13: {  	[smem:$0x3FB9] =	sst s0;
	s0 =	simm.s32 @!p1 $0x0  }
0x14: {  	s2 =	sld [smem:$0x3F9D];
	s0 =	simm.s32 @p1 $0x1  }
0x15: {  	[smem:$0x3FBA] =	sst s0;
	s0 =	simm.s32 @!p2 $0x0  }
0x16: {  	s3 =	sld [smem:$0x3FDB];
	s0 =	simm.s32 @p2 $0x1  }
0x17: {  	s4 =	simm.s32 $0x1BF5;
	[smem:$0x3FBC] =	sst s0  }
0x18: {  	s0 =	sld [smem:$0x3F9F];
	_ =	swait.ge [sflag:s4], $0x0  }
0x19: {  	s7 =	sld [smem:$0x3FA0]  }
0x1a: {  	s8 =	sadd.s32 $0xFFFFE003, lr  }
0x1b: {  	s9 =	sadd.s32 $0xFFFFFEF7, lr;
	s5 =	simm.s32 $0xFFFFFFFF;
	p2 =	slt.u32 s8, $0xFFFFF086  }
0x1c: {  	p1 =	slt.u32 s9, $0xF7A;
	s5 =	simm.s32 @!p2 $0x0  }
0x1d: {  	s5 =	simm.s32 @p1 $0x1;
	p0 =	seq.s32 s7, s2  }
0x1e: {  	s7 =	smul.u32 @!p0 $0xF7A, s2;
	p2 =	seq.s32 @!p0 s5, $0x0  }
0x1f: {  	s9 =	smul.u32 $0xF7A, s1;
	s8 =	simm.s32 @!p0 $0x1BF5;
	p2 =	por !p2, p0  }
0x20: {  	[sflag:s8] =	ssyncset.s32 @!p0 $0xFFFFF086;
	s6 =	sadd.s32 @!p0 s3, s7;
	s7 =	simm.s32 @!p0 $0x108  }
0x21: {  	s3 =	sadd.s32 s3, s9;
	s6 =	sadd.s32 @!p0 $0x88, s6;
	s7 =	simm.s32 @p2 $0x1082  }
0x22: {  	[simem:s7], [sflag:s8] =	dma.local @!p0 [hbm:s6], $0xF7A  }
0x23: {  	s9 =	sor.u32 $0xD0000000, s2;
	s6 =	simm.s32 $0x108;
	_ =	swait.ge @!p0 [sflag:s8], $0x0  }
0x24: {  	s3 =	sadd.s32 $0x88, s3;
	s6 =	simm.s32 @!p1 $0x1082;
	[sflag:s4] =	ssyncset.s32 $0xFFFFF086  }
0x25: {  	[simem:s6], [sflag:s4] =	dma.local [hbm:s3], $0xF7A  }
0x26: {  	[smem:$0x3FA0] =	sst s1;
	(tag) =	ssettag s2;
	_ =	strace s9  }
0x27: {  	s1 =	sld [smem:$0x3FB0]  }
0x28: {  	s2 =	sld [smem:$0x3FB1]  }
0x29: {  	s4 =	sld [smem:$0x3FB3]  }
0x2a: {  	p0 =	seq.s32 s5, $0x0;
	s5 =	sld [smem:$0x3FB4]  }
0x2b: {  	s6 =	sld [smem:$0x3FB5]  }
0x2c: {  	s7 =	sld [smem:$0x3FB6]  }
0x2d: {  	s3 =	simm.s32 $0x108;
	s8 =	sld [smem:$0x3FB7]  }
0x2e: {  	s3 =	simm.s32 @!p0 $0x1082;
	s9 =	sld [smem:$0x3FB8]  }
0x2f: {  	lr =	sadd.s32 s0, s3;
	s0 =	sld [smem:$0x3FAF]  }
0x30: {  	s3 =	sld [smem:$0x3FB2]  }
0x31: {  	[smem:$0x3FBB] =	sst s10  }
0x32: {  	s10 =	sld [smem:$0x3FB9];
	_ =	sdelay $0x3  }
0x33: {  	p0 =	seq.s32 s10, $0x1;
	s10 =	sld [smem:$0x3FBB];
	_ =	sdelay $0x3  }
0x34: {  	[smem:$0x3FBB] =	sst s10  }
0x35: {  	s10 =	sld [smem:$0x3FBA];
	_ =	sdelay $0x3  }
0x36: {  	p1 =	seq.s32 s10, $0x1;
	s10 =	sld [smem:$0x3FBB];
	_ =	sdelay $0x3  }
0x37: {  	[smem:$0x3FBB] =	sst s10  }
0x38: {  	s10 =	sld [smem:$0x3FBC]  }
0x39: {  	_ = 	snop;
	(pc) =	sbr.ind lr, $3  }
0x3a: {  	_ = 	snop  }
0x3b: {  	_ = 	snop  }
0x3c: {  	p2 =	seq.s32 s10, $0x1;
	s10 =	sld [smem:$0x3FBB]  }
0x3d: {  	_ =	shalt  }
0x3e: {  	_ =	shalt  }
0x3f: {  	_ =	shalt  }
0x40: {  	_ =	shalt  }
0x41: {  	_ =	shalt  }
0x42: {  	_ =	shalt  }
0x43: {  	_ =	shalt  }
0x44: {  	_ =	shalt  }
0x45: {  	_ =	shalt  }
0x46: {  	_ =	shalt  }
0x47: {  	_ =	shalt  }
0x48: {  	_ =	shalt  }
0x49: {  	_ =	shalt  }
0x4a: {  	_ =	shalt  }
0x4b: {  	_ =	shalt  }
0x4c: {  	_ =	shalt  }
0x4d: {  	_ =	shalt  }
0x4e: {  	_ =	shalt  }
0x4f: {  	_ =	shalt  }
0x50: {  	_ =	shalt  }
0x51: {  	_ =	shalt  }
0x52: {  	_ =	shalt  }
0x53: {  	_ =	shalt  }
0x54: {  	_ =	shalt  }
0x55: {  	_ =	shalt  }
0x56: {  	_ =	shalt  }
0x57: {  	_ =	shalt  }
0x58: {  	_ =	shalt  }
0x59: {  	_ =	shalt  }
0x5a: {  	_ =	shalt  }
0x5b: {  	_ =	shalt  }
0x5c: {  	_ =	shalt  }
0x5d: {  	_ =	shalt  }
0x5e: {  	_ =	shalt  }
0x5f: {  	_ =	shalt  }
0x60: {  	_ =	shalt  }
0x61: {  	_ =	shalt  }
0x62: {  	_ =	shalt  }
0x63: {  	_ =	shalt  }
0x64: {  	_ =	shalt  }
0x65: {  	_ =	shalt  }
0x66: {  	_ =	shalt  }
0x67: {  	_ =	shalt  }
0x68: {  	_ =	shalt  }
0x69: {  	_ =	shalt  }
0x6a: {  	_ =	shalt  }
0x6b: {  	_ =	shalt  }
0x6c: {  	_ =	shalt  }
0x6d: {  	_ =	shalt  }
0x6e: {  	_ =	shalt  }
0x6f: {  	_ =	shalt  }
0x70: {  	_ =	shalt  }
0x71: {  	_ =	shalt  }
0x72: {  	_ =	shalt  }
0x73: {  	_ =	shalt  }
0x74: {  	_ =	shalt  }
0x75: {  	_ =	shalt  }
0x76: {  	_ =	shalt  }
0x77: {  	_ =	shalt  }
0x78: {  	_ =	shalt  }
0x79: {  	_ =	shalt  }
0x7a: {  	_ =	shalt  }
0x7b: {  	_ =	shalt  }
0x7c: {  	_ =	shalt  }
0x7d: {  	_ =	shalt  }
0x7e: {  	_ =	shalt  }
0x7f: {  	_ =	shalt  }
0x80: {  	_ =	shalt  }
0x81: {  	_ =	shalt  }
0x82: {  	_ =	shalt  }
0x83: {  	_ =	shalt  }
0x84: {  	_ =	shalt  }
0x85: {  	_ =	shalt  }
0x86: {  	_ =	shalt  }
0x87: {  	_ =	shalt  }
.Lfunc_end0:
.L_simem_size_0:
called_computation_lowered:
.L_overlay_start_0:
0x88: {  	s2 =	sld [smem:$0x3FD9]  }
0x89: {  	s3 =	sld [smem:$0x3FFE];
	_ =	sdelay $0x1  }
0x8a: {  	s1 =	srdreg.scid  }
0x8b: {  	s0 =	sand.u32 $0x1, s1  }
0x8c: {  	s16 =	sshll.u32 s0, $0xA;
	s2 =	sadd.s32 s3, s2  }
0x8d: {  	s2 =	sadd.s32 s2, s16  }
0x8e: {  	[smem:$0x3FC7] =	sst s2  }
0x8f: {  	_ = 	snop  }
0x90: {  	(tm) =	ssettm $0x1  }
0x91: {  	s17 =	sld [smem:$0x3FFB];
	_ =	sdelay $0x3  }
0x92: {  	_ =	strace s17  }
0x93: {  	s2 =	sld [smem:$0x3FFC];
	_ =	sdelay $0x3  }
0x94: {  	_ =	strace s2  }
0x95: {  	s2 =	sld [smem:$0x3FFD];
	_ =	sdelay $0x3  }
0x96: {  	_ =	strace s2  }
0x97: {  	_ =	strace $0x8FFFFFFF  }
0x98: {  	s18 =	sld [smem:$0x3FDB];
	_ =	sdelay $0x1  }
0x99: {  	s19 =	simm.s32 $_scs_section_size  }
0x9a: {  	s4 =	simm.s32 $_size__tile_overlayer_lowered;
	s5 =	simm.s32 $_tile_overlayer_lowered  }
0x9b: {  	s22 =	simm.s32 $0x1BFF;
	s21 =	sshll.u32 s5, $0x1;
	s2 =	sadd.s32 s19, s18  }
0x9c: {  	s6 =	simm.s32 $0x0;
	s20 =	sshll.u32 s4, $0x1;
	s4 =	sadd.s32 s21, s2  }
0x9d: {  	[timem:s6], [sflag:s22] =	dma.local [hbm:s4], s20  }
0x9e: {  	_ =	swait.ge [sflag:s22], s20  }
0x9f: {  	s3 =	ssub.s32 $0x0, s20;
	[sflag:s22] =	ssyncset.done $0x0  }
0xa0: {  	[sflag:s22] =	ssyncadd.s32 s3;
	_ =	sdelay $0x1  }
0xa1: {  	s23 =	simm.s32 $0x1B8B  }
0xa2: {  	_ =	swait.ge [sflag:s23], $0x1  }
0xa3: {  	[sflag:s23] =	ssyncset.done $0x0  }
0xa4: {  	s25 =	simm.s32 $0x1B8E;
	s24 =	sld [smem:$0x3FFE];
	[sflag:s23] =	ssyncadd.s32 $0xFFFFFFFF  }
0xa5: {  	s26 =	simm.s32 $execute0_lowered;
	[smem:$0x3FD2] =	sst s25  }
0xa6: {  	s4 =	sshll.u32 s26, $0x1;
	_ =	strace $0x80000046;
	[dreg:$0x1] =	wrdreg $0xFFFFFFFF  }
0xa7: {  	s28 =	simm.s32 $_size_execute0_lowered;
	s2 =	sadd.s32 s2, s4;
	[dreg:$0x0] =	wrdreg $0x0  }
0xa8: {  	s4 =	sshll.u32 s28, $0x1;
	[dreg:$0x2] =	wrdreg s2  }
0xa9: {  	[dreg:$0x3] =	wrdreg s4  }
0xaa: {  	[dreg:$0x4] =	wrdreg $0xC0  }
0xab: {  	_ =	task [dreg:s6], $0x5FFFF  }
0xac: {  	[dreg:$0x1] =	wrdreg $0xFFFFFFFF  }
0xad: {  	[dreg:$0x0] =	wrdreg $0x60  }
0xae: {  	[dreg:$0x2] =	wrdreg s24  }
0xaf: {  	[dreg:$0x3] =	wrdreg $0x9  }
0xb0: {  	_ =	task.clear_ibuf [dreg:s6], $0x4FFFF;
	_ =	strace $0x90000046  }
0xb1: {  	s29 =	simm.s32 $0x9;
	_ =	strace $0x80000048  }
0xb2: {  	_ =	swait.ge [sflag:s29], $0x1  }
0xb3: {  	[sflag:s29] =	ssyncadd.s32 $0xFFFFFFFF  }
0xb4: {  	_ =	strace $0x90000048  }
0xb5: {  	_ =	sfence  }
0xb6: {  	s30 =	sld [smem:$0x0];
	_ =	sdelay $0x2  }
0xb7: {  	s31 =	sshll.u32 s1, $0xD;
	s1 =	sshrl.u32 s1, $0x2  }
0xb8: {  	s3 =	sand.u32 $0x4000, s31;
	s1 =	sadd.s32 s1, s30  }
0xb9: {  	s0 =	sor.u32 s3, s0;
	s1 =	sshll.u32 s1, $0x11  }
0xba: {  	s0 =	sor.u32 s1, s0  }
0xbb: {  	s0 =	sadd.s32 $0x8F2B, s0  }
0xbc: {  	[sflag:s0] =	ssyncadd.remote.s32 $0x1  }
0xbd: {  	_ =	sfence.sel $0xFFFF  }
0xbe: {  	[dreg:$0x0] =	wrdreg $0xFFFFFFFF;
	(pc) =	sbr.abs _section_cstart, $3  }
0xbf: {  	[dreg:$0x1] =	wrdreg $0xFFFFFFFF  }
0xc0: {  	_ =	task.clear_ibuf [dreg:s6], $0x2FFFF;
	_ =	strace $0x9FFFFFFF  }
0xc1: {  	(tm) =	ssettm $0x7FFFFFFF  }
tec
execute0_lowered:
.L_overlay_start_1:
0x0: {  	(tag) =	ssettag $0x1  }
0x1: {  	s1 =	srdreg.scid  }
0x2: {  	s0 =	stileid.u32;
	s5 =	rddreg [dreg:$0x0]  }
0x3: {  	s2 =	simm.s32 $0x0;
	s16 =	simm.s32 $0x2800;
	s17 =	simm.s32 $0x80  }
0x4: {  	s18 =	simm.s32 $0x1;
	s4 =	sand.u32 $0x1, s1;
	s1 =	rddreg [dreg:$0x1]  }
0x5: {  	s19 =	simm.s32 $0x0;
	s29 =	sshll.u32 s0, $0x1;
	[smem:$0x7FF] =	sst s2  }
0x6: {  	s9 =	sadd.s32 $0x72600, s5;
	s8 =	sshrl.u32 s0, $0x3;
	s3 =	sor.u32 s4, s29  }
0x7: {  	s12 =	sadd.s32 $0x81600, s5;
	s4 =	ssub.s32 $0x2, s4;
	s6 =	smul.u32 $0x1400, s3  }
0x8: {  	_ =	strace $0x80000047;
	s10 =	smul.u32 $0xFFFEC000, s8;
	s30 =	sshrl.u32 s4, $0x1  }
0x9: {  	s8 =	smul.u32 $0x3C000, s8;
	s13 =	ssub.s32 s4, s30;
	s3 =	sshrl.u32 s6, $0x3  }
0xa: {  	s10 =	sadd.s32 s10, s6;
	s13 =	smax.u32 s13, $0x1;
	s7 =	sadd.s32 s3, s5  }
0xb: {  	s3 =	sadd.s32 $0x1E00, s5;
	s31 =	sadd.s32 s8, s10;
	s4 =	sadd.s32 $0x63600, s7  }
0xc: {  	s5 =	sadd.s32 $0x68600, s7;
	s6 =	sadd.s32 $0x6D600, s7;
	s10 =	sshrl.u32 s31, $0x3  }
0xd: {  	s8 =	sadd.s32 $0x14000, s31;
	s11 =	sadd.s32 $0x28000, s31;
	s7 =	sadd.s32 s9, s10  }
0xe: {  	s14 =	sshrl.u32 s8, $0x3;
	s15 =	sshrl.u32 s11, $0x3;
	s10 =	sadd.s32 s12, s10  }
0xf: {  	s8 =	sadd.s32 s9, s14;
	s9 =	sadd.s32 s9, s15;
	s11 =	sadd.s32 s12, s14  }
0x10: {  	s12 =	sadd.s32 s12, s15;
	s14 =	simm.s32 $0x2;
	s15 =	simm.s32 $0x1400  }
.LBB2_1:
0x11: {  	[tilespmem:s2], [sflag:$0x2] =	stream.linear.gather [hbm4b:s4+s2], $0x1400, $0x38;
	[tilespmem:$0xDC00] =	vst v63  }
0x12: {  	_ =	swait.ge [sflag:s14], $0x1400  }
0x13: {  	[sflag:s14] =	ssyncset.done $0x0  }
0x14: {  	[sflag:s14] =	ssyncadd.s32 $0xFFFFEC00  }
0x15: {  	[tilespmem:s15], [sflag:$0x2] =	stream.linear.gather [hbm4b:s5+s2], $0x1400, $0x38;
	[tilespmem:$0xDC00] =	vst v63  }
0x16: {  	_ =	swait.ge [sflag:s14], $0x1400  }
0x17: {  	[sflag:s14] =	ssyncset.done $0x0  }
0x18: {  	[sflag:s14] =	ssyncadd.s32 $0xFFFFEC00  }
0x19: {  	[tilespmem:s16], [sflag:$0x2] =	stream.linear.gather [hbm4b:s6+s2], $0x1400, $0x38;
	[tilespmem:$0xDC00] =	vst v63  }
0x1a: {  	s20 =	simm.s32 $0x3C00;
	_ =	swait.ge [sflag:s14], $0x1400  }
0x1b: {  	s21 =	simm.s32 $0x0;
	s30 =	simm.s32 $0x3C80;
	[sflag:s14] =	ssyncset.done $0x0  }
0x1c: {  	s31 =	simm.s32 $0x1400;
	s22 =	simm.s32 $0x3D00;
	[sflag:s14] =	ssyncadd.s32 $0xFFFFEC00  }
0x1d: {  	[tilespmem:s20], [sflag:$0x1] =	stream.indirect.gather [hbm4b:s3+s17], $0x1, s21, s17, $0xb8;
	[tilespmem:$0xDC00] =	vst v63  }
0x1e: {  	s23 =	simm.s32 $0x2800;
	s20 =	simm.s32 $0x200;
	s21 =	simm.s32 $0x4000  }
0x1f: {  	[tilespmem:s30], [sflag:$0x1] =	stream.indirect.gather [hbm4b:s3+s17], $0x1, s31, s17, $0xb8;
	[tilespmem:$0xDC00] =	vst v63  }
.LBB2_2:
0x20: {  	[tilespmem:s22], [sflag:$0x1] =	stream.indirect.gather [hbm4b:s3+s17], $0x1, s23, s17, $0xb8;
	[tilespmem:$0xDC00] =	vst v63  }
0x21: {  	p0 =	sne.s32 s20, $0x4E00  }
.Ltmp0:
0x22: {  	s23 =	sshra.s32 s20, $0x2;
	(pc) =	sbr.rel @p0 .LBB2_2-.Ltmp0, $4  }
0x23: {  	[tilespmem:s21], [sflag:$0x1] =	stream.indirect.gather [hbm4b:s3+s17], $0x1, s23, s17, $0xb8;
	[tilespmem:$0xDC00] =	vst v63  }
0x24: {  	s22 =	sadd.s32 $0x80, s21;
	s20 =	sadd.s32 $0x200, s20;
	s24 =	sadd.s32 $0x1400, s23  }
0x25: {  	[tilespmem:s22], [sflag:$0x1] =	stream.indirect.gather [hbm4b:s3+s17], $0x1, s24, s17, $0xb8;
	[tilespmem:$0xDC00] =	vst v63  }
0x26: {  	s23 =	sadd.s32 $0x2800, s23;
	s22 =	sadd.s32 $0x100, s21;
	s21 =	sadd.s32 $0x400, s21  }
0x27: {  	[tilespmem:s22], [sflag:$0x1] =	stream.indirect.gather [hbm4b:s3+s17], $0x1, s23, s17, $0xb8;
	[tilespmem:$0xDC00] =	vst v63  }
0x28: {  	s20 =	simm.s32 $0x3D80  }
0x29: {  	s21 =	simm.s32 $0x10;
	s23 =	sadd.s32 $0x0, s7;
	s22 =	simm.s32 $0x4180  }
.LBB2_4:
0x2a: {  	[tilespmem:s20], [sflag:$0x2] =	stream.linear.gather [hbm4b:s23+s2], $0x80, $0x38;
	[tilespmem:$0xDC00] =	vst v63  }
0x2b: {  	s23 =	smov.u32 s21;
	s20 =	smov.u32 s22;
	p0 =	sne.s32 s21, $0x270  }
.Ltmp1:
0x2c: {  	s21 =	sadd.s32 $0x10, s21;
	(pc) =	sbr.rel @p0 .LBB2_4-.Ltmp1, $2  }
0x2d: {  	_ =	sdelay $0x2  }
0x2e: {  	s22 =	sadd.s32 $0x400, s22;
	s23 =	sadd.s32 s23, s7  }
0x2f: {  	[tilespmem:s20], [sflag:$0x2] =	stream.linear.gather [hbm4b:s23+s2], $0x80, $0x38;
	[tilespmem:$0xDC00] =	vst v63  }
0x30: {  	_ =	swait.ge [sflag:s14], $0x1400  }
0x31: {  	s20 =	simm.s32 $0x3E00;
	s21 =	simm.s32 $0x10;
	[sflag:s14] =	ssyncset.done $0x0  }
0x32: {  	s23 =	sadd.s32 $0x0, s8;
	s22 =	simm.s32 $0x4200;
	[sflag:s14] =	ssyncadd.s32 $0xFFFFEC00  }
.LBB2_6:
0x33: {  	[tilespmem:s20], [sflag:$0x2] =	stream.linear.gather [hbm4b:s23+s2], $0x80, $0x38;
	[tilespmem:$0xDC00] =	vst v63  }
0x34: {  	s23 =	smov.u32 s21;
	s20 =	smov.u32 s22;
	p0 =	sne.s32 s21, $0x270  }
.Ltmp2:
0x35: {  	s21 =	sadd.s32 $0x10, s21;
	(pc) =	sbr.rel @p0 .LBB2_6-.Ltmp2, $2  }
0x36: {  	_ =	sdelay $0x2  }
0x37: {  	s22 =	sadd.s32 $0x400, s22;
	s23 =	sadd.s32 s23, s8  }
0x38: {  	[tilespmem:s20], [sflag:$0x2] =	stream.linear.gather [hbm4b:s23+s2], $0x80, $0x38;
	[tilespmem:$0xDC00] =	vst v63  }
0x39: {  	_ =	swait.ge [sflag:s14], $0x1400  }
0x3a: {  	s20 =	simm.s32 $0x3E80;
	s21 =	simm.s32 $0x10;
	[sflag:s14] =	ssyncset.done $0x0  }
0x3b: {  	s23 =	sadd.s32 $0x0, s9;
	s22 =	simm.s32 $0x4280;
	[sflag:s14] =	ssyncadd.s32 $0xFFFFEC00  }
.LBB2_8:
0x3c: {  	[tilespmem:s20], [sflag:$0x2] =	stream.linear.gather [hbm4b:s23+s2], $0x80, $0x38;
	[tilespmem:$0xDC00] =	vst v63  }
0x3d: {  	s23 =	smov.u32 s21;
	s20 =	smov.u32 s22;
	p0 =	sne.s32 s21, $0x270  }
.Ltmp3:
0x3e: {  	s21 =	sadd.s32 $0x10, s21;
	(pc) =	sbr.rel @p0 .LBB2_8-.Ltmp3, $2  }
0x3f: {  	_ =	sdelay $0x2  }
0x40: {  	s22 =	sadd.s32 $0x400, s22;
	s23 =	sadd.s32 s23, s9  }
0x41: {  	[tilespmem:s20], [sflag:$0x2] =	stream.linear.gather [hbm4b:s23+s2], $0x80, $0x38;
	[tilespmem:$0xDC00] =	vst v63  }
0x42: {  	_ =	swait.ge [sflag:s14], $0x1400  }
0x43: {  	[sflag:s14] =	ssyncset.done $0x0  }
0x44: {  	[sflag:s14] =	ssyncadd.s32 $0xFFFFEC00  }
0x45: {  	_ =	swait.ge [sflag:s18], $0x1400  }
0x46: {  	[sflag:s18] =	ssyncset.done $0x0  }
0x47: {  	[sflag:s18] =	ssyncadd.s32 $0xFFFFEC00  }
0x48: {  	_ =	swait.ge [sflag:s18], $0x1400  }
0x49: {  	[sflag:s18] =	ssyncset.done $0x0  }
0x4a: {  	[sflag:s18] =	ssyncadd.s32 $0xFFFFEC00  }
0x4b: {  	s30 =	simm.s32 $0x0;
	_ =	swait.ge [sflag:s18], $0x1400  }
0x4c: {  	s21 =	sand.u32 $0x70, s30;
	s20 =	sand.u32 $0xFC00, s30;
	[sflag:s18] =	ssyncset.done $0x0  }
0x4d: {  	s20 =	sor.u32 s21, s20;
	[sflag:s18] =	ssyncadd.s32 $0xFFFFEC00  }
0x4e: {  	v1 =	vld [tilespmem:s20+$0x3D80]  }
0x4f: {  	v2 =	vld [tilespmem:s20+$0x3E00]  }
0x50: {  	v3 =	vld [tilespmem:s20+$0x3C00]  }
0x51: {  	v4 =	vld [tilespmem:s20+$0x3C80]  }
0x52: {  	v5 =	vld [tilespmem:s20+$0x3E80]  }
0x53: {  	s22 =	simm.s32 $0x10;
	s21 =	simm.s32 $0x80;
	v6 =	vld [tilespmem:s20+$0x3D00]  }
0x54: {  	s22 =	sand.u32 $0x70, s22;
	s31 =	sand.u32 $0xFC00, s21  }
0x55: {  	s22 =	sor.u32 s22, s31  }
0x56: {  	v0 =	vld [tilespmem:s22+$0x3D80];
	v3 =	vsub.f32 v3, v1  }
0x57: {  	v1 =	vld [tilespmem:s22+$0x3E00];
	v7 =	vsub.f32 v4, v2  }
0x58: {  	v2 =	vld [tilespmem:s22+$0x3E80];
	v4 =	vsub.f32 v6, v5;
	[tilespmem:s20+$0x3C00] =	vst v3  }
0x59: {  	s23 =	simm.s32 $0x20;
	[tilespmem:s20+$0x3C80] =	vst v7;
	v3 =	vld [tilespmem:s22+$0x3C00]  }
.LBB2_10:
0x5a: {  	p0 =	sne.s32 s23, $0x13F0;
	v5 =	vld [tilespmem:s22+$0x3C80];
	[tilespmem:s20+$0x3D00] =	vst v4;
	s20 =	smov.u32 s22  }
0x5b: {  	s21 =	sadd.s32 $0x80, s21;
	v4 =	vld [tilespmem:s20+$0x3D00]  }
0x5c: {  	s22 =	sand.u32 $0x70, s23;
	s24 =	sand.u32 $0xFC00, s21  }
.Ltmp4:
0x5d: {  	s22 =	sor.u32 s22, s24;
	(pc) =	sbr.rel @p0 .LBB2_10-.Ltmp4, $4  }
0x5e: {  	v3 =	vsub.f32 v3, v0;
	v0 =	vld [tilespmem:s22+$0x3D80]  }
0x5f: {  	v5 =	vsub.f32 v5, v1;
	v1 =	vld [tilespmem:s22+$0x3E00]  }
0x60: {  	[tilespmem:s20+$0x3C00] =	vst v3;
	v4 =	vsub.f32 v4, v2;
	v2 =	vld [tilespmem:s22+$0x3E80]  }
0x61: {  	s23 =	sadd.s32 $0x10, s23;
	v3 =	vld [tilespmem:s22+$0x3C00];
	[tilespmem:s20+$0x3C80] =	vst v5  }
0x62: {  	v5 =	vld [tilespmem:s22+$0x3C80];
	[tilespmem:s20+$0x3D00] =	vst v4  }
0x63: {  	v4 =	vld [tilespmem:s22+$0x3D00];
	_ =	sdelay $0x2  }
0x64: {  	v0 =	vsub.f32 v3, v0  }
0x65: {  	v1 =	vsub.f32 v5, v1  }
0x66: {  	[tilespmem:s22+$0x3C00] =	vst v0;
	v63 =	vsub.f32 v4, v2  }
0x67: {  	s20 =	simm.s32 $0x3C00;
	[tilespmem:s22+$0x3C80] =	vst v1  }
0x68: {  	s21 =	simm.s32 $0x10;
	s23 =	sadd.s32 $0x0, s10;
	[tilespmem:s22+$0x3D00] =	vst v63;
	s22 =	simm.s32 $0x4000  }
.LBB2_12:
0x69: {  	[hbm4b:s23+s2] =	stream.linear.scatter [tilespmem:s20], [sflag:$0x2], $0x80, $0x38;
	[tilespmem:$0xDC00] =	vst v63  }
0x6a: {  	s23 =	smov.u32 s21;
	s20 =	smov.u32 s22;
	p0 =	sne.s32 s21, $0x270  }
.Ltmp5:
0x6b: {  	s21 =	sadd.s32 $0x10, s21;
	(pc) =	sbr.rel @p0 .LBB2_12-.Ltmp5, $2  }
0x6c: {  	_ =	sdelay $0x2  }
0x6d: {  	s22 =	sadd.s32 $0x400, s22;
	s23 =	sadd.s32 s23, s10  }
0x6e: {  	[hbm4b:s23+s2] =	stream.linear.scatter [tilespmem:s20], [sflag:$0x2], $0x80, $0x38;
	[tilespmem:$0xDC00] =	vst v63  }
0x6f: {  	_ =	swait.ge [sflag:s14], $0x1400  }
0x70: {  	s20 =	simm.s32 $0x3C80;
	s21 =	simm.s32 $0x10;
	[sflag:s14] =	ssyncset.done $0x0  }
0x71: {  	s23 =	sadd.s32 $0x0, s11;
	s22 =	simm.s32 $0x4080;
	[sflag:s14] =	ssyncadd.s32 $0xFFFFEC00  }
.LBB2_14:
0x72: {  	[hbm4b:s23+s2] =	stream.linear.scatter [tilespmem:s20], [sflag:$0x2], $0x80, $0x38;
	[tilespmem:$0xDC00] =	vst v63  }
0x73: {  	s23 =	smov.u32 s21;
	s20 =	smov.u32 s22;
	p0 =	sne.s32 s21, $0x270  }
.Ltmp6:
0x74: {  	s21 =	sadd.s32 $0x10, s21;
	(pc) =	sbr.rel @p0 .LBB2_14-.Ltmp6, $2  }
0x75: {  	_ =	sdelay $0x2  }
0x76: {  	s22 =	sadd.s32 $0x400, s22;
	s23 =	sadd.s32 s23, s11  }
0x77: {  	[hbm4b:s23+s2] =	stream.linear.scatter [tilespmem:s20], [sflag:$0x2], $0x80, $0x38;
	[tilespmem:$0xDC00] =	vst v63  }
0x78: {  	_ =	swait.ge [sflag:s14], $0x1400  }
0x79: {  	s20 =	simm.s32 $0x3D00;
	s21 =	simm.s32 $0x10;
	[sflag:s14] =	ssyncset.done $0x0  }
0x7a: {  	s23 =	sadd.s32 $0x0, s12;
	s22 =	simm.s32 $0x4100;
	[sflag:s14] =	ssyncadd.s32 $0xFFFFEC00  }
.LBB2_16:
0x7b: {  	[hbm4b:s23+s2] =	stream.linear.scatter [tilespmem:s20], [sflag:$0x2], $0x80, $0x38;
	[tilespmem:$0xDC00] =	vst v63  }
0x7c: {  	s23 =	smov.u32 s21;
	s20 =	smov.u32 s22;
	p0 =	sne.s32 s21, $0x270  }
.Ltmp7:
0x7d: {  	s21 =	sadd.s32 $0x10, s21;
	(pc) =	sbr.rel @p0 .LBB2_16-.Ltmp7, $2  }
0x7e: {  	_ =	sdelay $0x2  }
0x7f: {  	s22 =	sadd.s32 $0x400, s22;
	s23 =	sadd.s32 s23, s12  }
0x80: {  	s19 =	sadd.s32 $0x1, s19  }
0x81: {  	p0 =	sne.s32 s19, s13  }
.Ltmp8:
0x82: {  	_ = 	snop;
	(pc) =	sbr.rel @p0 .LBB2_1-.Ltmp8, $4  }
0x83: {  	[hbm4b:s23+s2] =	stream.linear.scatter [tilespmem:s20], [sflag:$0x2], $0x80, $0x38;
	[tilespmem:$0xDC00] =	vst v63  }
0x84: {  	_ =	swait.ge [sflag:s14], $0x1400  }
0x85: {  	[sflag:s14] =	ssyncset.done $0x0  }
0x86: {  	[sflag:s14] =	ssyncadd.s32 $0xFFFFEC00  }
0x87: {  	_ =	sfence.sel $0x180000  }
0x88: {  	[bflag:$0x0] =	sbarrier.arrive $0xFFFF  }
0x89: {  	p0 =	sne.s32 s0, $0x0;
	_ =	strace $0x90000047  }
0x8a: {  	s0 =	sadd.s32 @!p0 $0x100000, s1;
	[bflag:$0x2] =	sbarrier.arrive $0xFFFF  }
0x8b: {  	[sflag:s0] =	ssyncadd.tile.s32 @!p0 $0x1;
	_ =	shalt  }
.Lfunc_end2:
_tile_overlayer_lowered:
.L_overlay_start_2:
0x8c: {  	(tag) =	ssettag $0x2  }
0x8d: {  	s0 =	rddreg [dreg:$0x0];
	s2 =	stileid.u32  }
0x8e: {  	s1 =	rddreg [dreg:$0x1];
	p0 =	sne.s32 s2, $0x0  }
0x8f: {  	s3 =	rddreg [dreg:$0x2];
	[bflag:$0x3] =	sbarrier.arrive $0xFFFF;
	s2 =	simm.s32 @!p0 $0x1C02  }
0x90: {  	[timem:s3], [sflag:s2] =	dma.local @!p0 [hbm:s0], s1  }
0x91: {  	s0 =	simm.s32 @!p0 $0x2  }
0x92: {  	_ =	swait.ge @!p0 [sflag:s0], s1  }
0x93: {  	s1 =	ssub.s32 @!p0 $0x0, s1;
	[sflag:s0] =	ssyncset.done @!p0 $0x0  }
0x94: {  	[sflag:s0] =	ssyncadd.s32 @!p0 s1  }
0x95: {  	[bflag:$0x3] =	sbarrier.arrive $0xFFFF  }
0x96: {  	_ =	shalt  }

// kernel: kernel.9.cloned.1.call-start
scs
__scs_entry_jumppad:
0x0: {  	(pc) =	sbr.rel $0x88, $3  }
0x1: {  	(tag) =	ssettag $0x0;
	lr =	simm.s32 $0x1  }
0x2: {  	[smem:$0x3FA0] =	sst lr;
	_ =	strace $0xD0000000  }
0x3: {  	_ = 	snop  }
0x4: {  	_ = 	snop  }
0x5: {  	_ = 	snop  }
0x6: {  	_ = 	snop  }
0x7: {  	_ = 	snop  }
__scs_overlays_trampoline_lowered:
0x8: {  	[smem:$0x3FAF] =	sst s0  }
0x9: {  	[smem:$0x3FB0] =	sst s1  }
0xa: {  	[smem:$0x3FB1] =	sst s2  }
0xb: {  	[smem:$0x3FB2] =	sst s3  }
0xc: {  	[smem:$0x3FB3] =	sst s4  }
0xd: {  	[smem:$0x3FB4] =	sst s5  }
0xe: {  	[smem:$0x3FB5] =	sst s6  }
0xf: {  	[smem:$0x3FB6] =	sst s7  }
0x10: {  	[smem:$0x3FB7] =	sst s8  }
0x11: {  	[smem:$0x3FB8] =	sst s9;
	s0 =	simm.s32 @!p0 $0x0  }
0x12: {  	s1 =	sld [smem:$0x3F9E];
	s0 =	simm.s32 @p0 $0x1  }
0x13: {  	[smem:$0x3FB9] =	sst s0;
	s0 =	simm.s32 @!p1 $0x0  }
0x14: {  	s2 =	sld [smem:$0x3F9D];
	s0 =	simm.s32 @p1 $0x1  }
0x15: {  	[smem:$0x3FBA] =	sst s0;
	s0 =	simm.s32 @!p2 $0x0  }
0x16: {  	s3 =	sld [smem:$0x3FDB];
	s0 =	simm.s32 @p2 $0x1  }
0x17: {  	s4 =	simm.s32 $0x1BF5;
	[smem:$0x3FBC] =	sst s0  }
0x18: {  	s0 =	sld [smem:$0x3F9F];
	_ =	swait.ge [sflag:s4], $0x0  }
0x19: {  	s7 =	sld [smem:$0x3FA0]  }
0x1a: {  	s8 =	sadd.s32 $0xFFFFE003, lr  }
0x1b: {  	s9 =	sadd.s32 $0xFFFFFEF7, lr;
	s5 =	simm.s32 $0xFFFFFFFF;
	p2 =	slt.u32 s8, $0xFFFFF086  }
0x1c: {  	p1 =	slt.u32 s9, $0xF7A;
	s5 =	simm.s32 @!p2 $0x0  }
0x1d: {  	s5 =	simm.s32 @p1 $0x1;
	p0 =	seq.s32 s7, s2  }
0x1e: {  	s7 =	smul.u32 @!p0 $0xF7A, s2;
	p2 =	seq.s32 @!p0 s5, $0x0  }
0x1f: {  	s9 =	smul.u32 $0xF7A, s1;
	s8 =	simm.s32 @!p0 $0x1BF5;
	p2 =	por !p2, p0  }
0x20: {  	[sflag:s8] =	ssyncset.s32 @!p0 $0xFFFFF086;
	s6 =	sadd.s32 @!p0 s3, s7;
	s7 =	simm.s32 @!p0 $0x108  }
0x21: {  	s3 =	sadd.s32 s3, s9;
	s6 =	sadd.s32 @!p0 $0x88, s6;
	s7 =	simm.s32 @p2 $0x1082  }
0x22: {  	[simem:s7], [sflag:s8] =	dma.local @!p0 [hbm:s6], $0xF7A  }
0x23: {  	s9 =	sor.u32 $0xD0000000, s2;
	s6 =	simm.s32 $0x108;
	_ =	swait.ge @!p0 [sflag:s8], $0x0  }
0x24: {  	s3 =	sadd.s32 $0x88, s3;
	s6 =	simm.s32 @!p1 $0x1082;
	[sflag:s4] =	ssyncset.s32 $0xFFFFF086  }
0x25: {  	[simem:s6], [sflag:s4] =	dma.local [hbm:s3], $0xF7A  }
0x26: {  	[smem:$0x3FA0] =	sst s1;
	(tag) =	ssettag s2;
	_ =	strace s9  }
0x27: {  	s1 =	sld [smem:$0x3FB0]  }
0x28: {  	s2 =	sld [smem:$0x3FB1]  }
0x29: {  	s4 =	sld [smem:$0x3FB3]  }
0x2a: {  	p0 =	seq.s32 s5, $0x0;
	s5 =	sld [smem:$0x3FB4]  }
0x2b: {  	s6 =	sld [smem:$0x3FB5]  }
0x2c: {  	s7 =	sld [smem:$0x3FB6]  }
0x2d: {  	s3 =	simm.s32 $0x108;
	s8 =	sld [smem:$0x3FB7]  }
0x2e: {  	s3 =	simm.s32 @!p0 $0x1082;
	s9 =	sld [smem:$0x3FB8]  }
0x2f: {  	lr =	sadd.s32 s0, s3;
	s0 =	sld [smem:$0x3FAF]  }
0x30: {  	s3 =	sld [smem:$0x3FB2]  }
0x31: {  	[smem:$0x3FBB] =	sst s10  }
0x32: {  	s10 =	sld [smem:$0x3FB9];
	_ =	sdelay $0x3  }
0x33: {  	p0 =	seq.s32 s10, $0x1;
	s10 =	sld [smem:$0x3FBB];
	_ =	sdelay $0x3  }
0x34: {  	[smem:$0x3FBB] =	sst s10  }
0x35: {  	s10 =	sld [smem:$0x3FBA];
	_ =	sdelay $0x3  }
0x36: {  	p1 =	seq.s32 s10, $0x1;
	s10 =	sld [smem:$0x3FBB];
	_ =	sdelay $0x3  }
0x37: {  	[smem:$0x3FBB] =	sst s10  }
0x38: {  	s10 =	sld [smem:$0x3FBC]  }
0x39: {  	_ = 	snop;
	(pc) =	sbr.ind lr, $3  }
0x3a: {  	_ = 	snop  }
0x3b: {  	_ = 	snop  }
0x3c: {  	p2 =	seq.s32 s10, $0x1;
	s10 =	sld [smem:$0x3FBB]  }
0x3d: {  	_ =	shalt  }
0x3e: {  	_ =	shalt  }
0x3f: {  	_ =	shalt  }
0x40: {  	_ =	shalt  }
0x41: {  	_ =	shalt  }
0x42: {  	_ =	shalt  }
0x43: {  	_ =	shalt  }
0x44: {  	_ =	shalt  }
0x45: {  	_ =	shalt  }
0x46: {  	_ =	shalt  }
0x47: {  	_ =	shalt  }
0x48: {  	_ =	shalt  }
0x49: {  	_ =	shalt  }
0x4a: {  	_ =	shalt  }
0x4b: {  	_ =	shalt  }
0x4c: {  	_ =	shalt  }
0x4d: {  	_ =	shalt  }
0x4e: {  	_ =	shalt  }
0x4f: {  	_ =	shalt  }
0x50: {  	_ =	shalt  }
0x51: {  	_ =	shalt  }
0x52: {  	_ =	shalt  }
0x53: {  	_ =	shalt  }
0x54: {  	_ =	shalt  }
0x55: {  	_ =	shalt  }
0x56: {  	_ =	shalt  }
0x57: {  	_ =	shalt  }
0x58: {  	_ =	shalt  }
0x59: {  	_ =	shalt  }
0x5a: {  	_ =	shalt  }
0x5b: {  	_ =	shalt  }
0x5c: {  	_ =	shalt  }
0x5d: {  	_ =	shalt  }
0x5e: {  	_ =	shalt  }
0x5f: {  	_ =	shalt  }
0x60: {  	_ =	shalt  }
0x61: {  	_ =	shalt  }
0x62: {  	_ =	shalt  }
0x63: {  	_ =	shalt  }
0x64: {  	_ =	shalt  }
0x65: {  	_ =	shalt  }
0x66: {  	_ =	shalt  }
0x67: {  	_ =	shalt  }
0x68: {  	_ =	shalt  }
0x69: {  	_ =	shalt  }
0x6a: {  	_ =	shalt  }
0x6b: {  	_ =	shalt  }
0x6c: {  	_ =	shalt  }
0x6d: {  	_ =	shalt  }
0x6e: {  	_ =	shalt  }
0x6f: {  	_ =	shalt  }
0x70: {  	_ =	shalt  }
0x71: {  	_ =	shalt  }
0x72: {  	_ =	shalt  }
0x73: {  	_ =	shalt  }
0x74: {  	_ =	shalt  }
0x75: {  	_ =	shalt  }
0x76: {  	_ =	shalt  }
0x77: {  	_ =	shalt  }
0x78: {  	_ =	shalt  }
0x79: {  	_ =	shalt  }
0x7a: {  	_ =	shalt  }
0x7b: {  	_ =	shalt  }
0x7c: {  	_ =	shalt  }
0x7d: {  	_ =	shalt  }
0x7e: {  	_ =	shalt  }
0x7f: {  	_ =	shalt  }
0x80: {  	_ =	shalt  }
0x81: {  	_ =	shalt  }
0x82: {  	_ =	shalt  }
0x83: {  	_ =	shalt  }
0x84: {  	_ =	shalt  }
0x85: {  	_ =	shalt  }
0x86: {  	_ =	shalt  }
0x87: {  	_ =	shalt  }
.Lfunc_end0:
.L_simem_size_0:
called_computation.1_lowered:
.L_overlay_start_0:
0x88: {  	s2 =	sld [smem:$0x3FD9]  }
0x89: {  	s3 =	sld [smem:$0x3FFE];
	_ =	sdelay $0x1  }
0x8a: {  	s1 =	srdreg.scid  }
0x8b: {  	s0 =	sand.u32 $0x1, s1  }
0x8c: {  	s17 =	sshll.u32 s0, $0xA;
	s2 =	sadd.s32 s3, s2  }
0x8d: {  	s2 =	sadd.s32 s2, s17  }
0x8e: {  	[smem:$0x3FC7] =	sst s2  }
0x8f: {  	_ = 	snop  }
0x90: {  	s18 =	sld [smem:$0x3FD0];
	(tm) =	ssettm $0x1  }
0x91: {  	s19 =	sld [smem:$0x3FFB];
	_ =	sdelay $0x3  }
0x92: {  	_ =	strace s19  }
0x93: {  	s2 =	sld [smem:$0x3FFC];
	_ =	sdelay $0x3  }
0x94: {  	_ =	strace s2  }
0x95: {  	s2 =	sld [smem:$0x3FFD];
	_ =	sdelay $0x3  }
0x96: {  	_ =	strace s2  }
0x97: {  	_ =	strace $0x8FFFFFFF  }
0x98: {  	s20 =	sld [smem:$0x3FDB];
	_ =	sdelay $0x1  }
0x99: {  	s4 =	simm.s32 $_scs_section_size  }
0x9a: {  	s5 =	simm.s32 $_size__tile_overlayer_lowered;
	s6 =	simm.s32 $_tile_overlayer_lowered  }
0x9b: {  	s7 =	simm.s32 $0x1BFF;
	s21 =	sshll.u32 s6, $0x1;
	s4 =	sadd.s32 s4, s20  }
0x9c: {  	s22 =	simm.s32 $0x0;
	s5 =	sshll.u32 s5, $0x1;
	s6 =	sadd.s32 s21, s4  }
0x9d: {  	[timem:s22], [sflag:s7] =	dma.local [hbm:s6], s5  }
0x9e: {  	_ =	swait.ge [sflag:s7], s5  }
0x9f: {  	s5 =	ssub.s32 $0x0, s5;
	[sflag:s7] =	ssyncset.done $0x0  }
0xa0: {  	[sflag:s7] =	ssyncadd.s32 s5;
	_ =	sdelay $0x1  }
0xa1: {  	s23 =	simm.s32 $0x1B8B  }
0xa2: {  	_ =	swait.ge [sflag:s23], $0x1  }
0xa3: {  	[sflag:s23] =	ssyncset.done $0x0  }
0xa4: {  	[sflag:s23] =	ssyncadd.s32 $0xFFFFFFFF  }
0xa5: {  	s5 =	sld [smem:$0x0]  }
0xa6: {  	s6 =	sand.u32 $0xFFFFFFFE, s1  }
0xa7: {  	p0 =	sne.s32 s1, s6  }
0xa8: {  	s6 =	sshll.u32 @p0 s6, $0xE  }
0xa9: {  	s6 =	sadd.s32 @p0 $0x11B8D, s6;
	s7 =	sshll.u32 @p0 s5, $0x11  }
0xaa: {  	s6 =	sor.u32 @p0 s7, s6  }
0xab: {  	[sflag:s6] =	ssyncadd.remote.s32 @p0 $0x1;
	_ =	sdelay $0x1  }
0xac: {  	s6 =	simm.s32 @p0 $0x1B8D  }
0xad: {  	_ =	swait.eq @p0 [sflag:s6], $0x1  }
0xae: {  	[sflag:s6] =	ssyncadd.s32 @p0 $0xFFFFFFFF  }
0xaf: {  	s7 =	sshll.u32 @!p0 s1, $0xE  }
0xb0: {  	s7 =	sor.u32 @!p0 $0x4000, s7;
	s6 =	simm.s32 @!p0 $0x1B8D  }
0xb1: {  	s5 =	sshll.u32 @!p0 s5, $0x11;
	s7 =	sadd.s32 @!p0 $0x11B8D, s7;
	_ =	swait.eq @!p0 [sflag:s6], $0x1  }
0xb2: {  	s5 =	sor.u32 @!p0 s5, s7;
	[sflag:s6] =	ssyncadd.s32 @!p0 $0xFFFFFFFF  }
0xb3: {  	s25 =	simm.s32 $0x1B8E;
	s24 =	sld [smem:$0x3FFE];
	[sflag:s5] =	ssyncadd.remote.s32 @!p0 $0x1  }
0xb4: {  	s26 =	simm.s32 $execute0_lowered;
	[smem:$0x3FD2] =	sst s25  }
0xb5: {  	s6 =	sshll.u32 s26, $0x1;
	_ =	strace $0x80000049;
	[dreg:$0x1] =	wrdreg $0xFFFFFFFF  }
0xb6: {  	s28 =	simm.s32 $_size_execute0_lowered;
	s4 =	sadd.s32 s4, s6;
	[dreg:$0x0] =	wrdreg $0x0  }
0xb7: {  	s6 =	sshll.u32 s28, $0x1;
	[dreg:$0x2] =	wrdreg s4  }
0xb8: {  	[dreg:$0x3] =	wrdreg s6  }
0xb9: {  	[dreg:$0x4] =	wrdreg $0xC0  }
0xba: {  	_ =	task [dreg:s22], $0x5FFFF  }
0xbb: {  	[dreg:$0x1] =	wrdreg $0xFFFFFFFF  }
0xbc: {  	[dreg:$0x0] =	wrdreg $0x60  }
0xbd: {  	[dreg:$0x2] =	wrdreg s18  }
0xbe: {  	[dreg:$0x3] =	wrdreg s24  }
0xbf: {  	[dreg:$0x4] =	wrdreg $0xA  }
0xc0: {  	_ =	task.clear_ibuf [dreg:s22], $0x5FFFF;
	_ =	strace $0x90000049  }
0xc1: {  	s29 =	simm.s32 $0xA;
	_ =	strace $0x8000004B  }
0xc2: {  	_ =	swait.ge [sflag:s29], $0x1  }
0xc3: {  	[sflag:s29] =	ssyncadd.s32 $0xFFFFFFFF  }
0xc4: {  	_ =	strace $0x9000004B  }
0xc5: {  	_ =	sfence  }
0xc6: {  	s30 =	sld [smem:$0x0];
	_ =	sdelay $0x2  }
0xc7: {  	s31 =	sshll.u32 s1, $0xD;
	s1 =	sshrl.u32 s1, $0x2  }
0xc8: {  	s4 =	sand.u32 $0x4000, s31;
	s1 =	sadd.s32 s1, s30  }
0xc9: {  	s0 =	sor.u32 s4, s0;
	s1 =	sshll.u32 s1, $0x11  }
0xca: {  	s0 =	sor.u32 s1, s0  }
0xcb: {  	s0 =	sadd.s32 $0x8F2B, s0  }
0xcc: {  	[sflag:s0] =	ssyncadd.remote.s32 $0x1  }
0xcd: {  	_ =	sfence.sel $0xFFFF  }
0xce: {  	[dreg:$0x0] =	wrdreg $0xFFFFFFFF;
	(pc) =	sbr.abs _section_cstart, $3  }
0xcf: {  	[dreg:$0x1] =	wrdreg $0xFFFFFFFF  }
0xd0: {  	_ =	task.clear_ibuf [dreg:s22], $0x2FFFF;
	_ =	strace $0x9FFFFFFF  }
0xd1: {  	(tm) =	ssettm $0x7FFFFFFF  }
tec
execute0_lowered:
.L_overlay_start_1:
0x0: {  	(tag) =	ssettag $0x1  }
0x1: {  	s4 =	rddreg [dreg:$0x0]  }
0x2: {  	s5 =	rddreg [dreg:$0x1]  }
0x3: {  	s0 =	rddreg [dreg:$0x2]  }
0x4: {  	s2 =	simm.s32 $0x0;
	s3 =	srdreg.scid;
	s1 =	stileid.u32  }
0x5: {  	s16 =	simm.s32 $0x2800;
	s17 =	simm.s32 $0x80;
	s18 =	simm.s32 $0x1  }
0x6: {  	s19 =	simm.s32 $0x0;
	[smem:$0x7FF] =	sst s2;
	s6 =	sand.u32 $0x1, s3  }
0x7: {  	s26 =	sshll.u32 s1, $0x1;
	s9 =	sadd.s32 $0x90600, s5;
	s8 =	sshrl.u32 s1, $0x3  }
0x8: {  	s3 =	sadd.s32 $0x1E00, s5;
	s7 =	sor.u32 s6, s26;
	s29 =	smul.u32 $0xFFFEC000, s8  }
0x9: {  	s12 =	sadd.s32 $0x9F600, s5;
	s28 =	ssub.s32 $0x2, s6;
	s7 =	smul.u32 $0x1400, s7  }
0xa: {  	_ =	strace $0x8000004A;
	s8 =	smul.u32 $0x3C000, s8;
	s10 =	sshrl.u32 s28, $0x1  }
0xb: {  	s13 =	ssub.s32 s28, s10;
	s11 =	sshrl.u32 s7, $0x3;
	s7 =	sadd.s32 s29, s7  }
0xc: {  	s13 =	smax.u32 s13, $0x1;
	s4 =	sadd.s32 s4, s11;
	s7 =	sadd.s32 s8, s7  }
0xd: {  	s5 =	sadd.s32 $0x5000, s4;
	s6 =	sadd.s32 $0xA000, s4;
	s30 =	sshrl.u32 s7, $0x3  }
0xe: {  	s8 =	sadd.s32 $0x14000, s7;
	s31 =	sadd.s32 $0x28000, s7;
	s7 =	sadd.s32 s9, s30  }
0xf: {  	s14 =	sshrl.u32 s8, $0x3;
	s15 =	sshrl.u32 s31, $0x3;
	s10 =	sadd.s32 s12, s30  }
0x10: {  	s8 =	sadd.s32 s9, s14;
	s9 =	sadd.s32 s9, s15;
	s11 =	sadd.s32 s12, s14  }
0x11: {  	s12 =	sadd.s32 s12, s15;
	s14 =	simm.s32 $0x2;
	s15 =	simm.s32 $0x1400  }
.LBB2_1:
0x12: {  	[tilespmem:s2], [sflag:$0x2] =	stream.linear.gather [hbm4b:s4+s2], $0x1400, $0x38;
	[tilespmem:$0xDC00] =	vst v63  }
0x13: {  	_ =	swait.ge [sflag:s14], $0x1400  }
0x14: {  	[sflag:s14] =	ssyncset.done $0x0  }
0x15: {  	[sflag:s14] =	ssyncadd.s32 $0xFFFFEC00  }
0x16: {  	[tilespmem:s15], [sflag:$0x2] =	stream.linear.gather [hbm4b:s5+s2], $0x1400, $0x38;
	[tilespmem:$0xDC00] =	vst v63  }
0x17: {  	_ =	swait.ge [sflag:s14], $0x1400  }
0x18: {  	[sflag:s14] =	ssyncset.done $0x0  }
0x19: {  	[sflag:s14] =	ssyncadd.s32 $0xFFFFEC00  }
0x1a: {  	[tilespmem:s16], [sflag:$0x2] =	stream.linear.gather [hbm4b:s6+s2], $0x1400, $0x38;
	[tilespmem:$0xDC00] =	vst v63  }
0x1b: {  	s20 =	simm.s32 $0x3C00;
	_ =	swait.ge [sflag:s14], $0x1400  }
0x1c: {  	s21 =	simm.s32 $0x0;
	s30 =	simm.s32 $0x3C80;
	[sflag:s14] =	ssyncset.done $0x0  }
0x1d: {  	s31 =	simm.s32 $0x1400;
	s22 =	simm.s32 $0x3D00;
	[sflag:s14] =	ssyncadd.s32 $0xFFFFEC00  }
0x1e: {  	[tilespmem:s20], [sflag:$0x1] =	stream.indirect.gather [hbm4b:s3+s17], $0x1, s21, s17, $0xb8;
	[tilespmem:$0xDC00] =	vst v63  }
0x1f: {  	s23 =	simm.s32 $0x2800;
	s20 =	simm.s32 $0x200;
	s21 =	simm.s32 $0x4000  }
0x20: {  	[tilespmem:s30], [sflag:$0x1] =	stream.indirect.gather [hbm4b:s3+s17], $0x1, s31, s17, $0xb8;
	[tilespmem:$0xDC00] =	vst v63  }
.LBB2_2:
0x21: {  	[tilespmem:s22], [sflag:$0x1] =	stream.indirect.gather [hbm4b:s3+s17], $0x1, s23, s17, $0xb8;
	[tilespmem:$0xDC00] =	vst v63  }
0x22: {  	p0 =	sne.s32 s20, $0x4E00  }
.Ltmp0:
0x23: {  	s23 =	sshra.s32 s20, $0x2;
	(pc) =	sbr.rel @p0 .LBB2_2-.Ltmp0, $4  }
0x24: {  	[tilespmem:s21], [sflag:$0x1] =	stream.indirect.gather [hbm4b:s3+s17], $0x1, s23, s17, $0xb8;
	[tilespmem:$0xDC00] =	vst v63  }
0x25: {  	s22 =	sadd.s32 $0x80, s21;
	s20 =	sadd.s32 $0x200, s20;
	s24 =	sadd.s32 $0x1400, s23  }
0x26: {  	[tilespmem:s22], [sflag:$0x1] =	stream.indirect.gather [hbm4b:s3+s17], $0x1, s24, s17, $0xb8;
	[tilespmem:$0xDC00] =	vst v63  }
0x27: {  	s23 =	sadd.s32 $0x2800, s23;
	s22 =	sadd.s32 $0x100, s21;
	s21 =	sadd.s32 $0x400, s21  }
0x28: {  	[tilespmem:s22], [sflag:$0x1] =	stream.indirect.gather [hbm4b:s3+s17], $0x1, s23, s17, $0xb8;
	[tilespmem:$0xDC00] =	vst v63  }
0x29: {  	s20 =	simm.s32 $0x3D80  }
0x2a: {  	s21 =	simm.s32 $0x10;
	s23 =	sadd.s32 $0x0, s7;
	s22 =	simm.s32 $0x4180  }
.LBB2_4:
0x2b: {  	[tilespmem:s20], [sflag:$0x2] =	stream.linear.gather [hbm4b:s23+s2], $0x80, $0x38;
	[tilespmem:$0xDC00] =	vst v63  }
0x2c: {  	s23 =	smov.u32 s21;
	s20 =	smov.u32 s22;
	p0 =	sne.s32 s21, $0x270  }
.Ltmp1:
0x2d: {  	s21 =	sadd.s32 $0x10, s21;
	(pc) =	sbr.rel @p0 .LBB2_4-.Ltmp1, $2  }
0x2e: {  	_ =	sdelay $0x2  }
0x2f: {  	s22 =	sadd.s32 $0x400, s22;
	s23 =	sadd.s32 s23, s7  }
0x30: {  	[tilespmem:s20], [sflag:$0x2] =	stream.linear.gather [hbm4b:s23+s2], $0x80, $0x38;
	[tilespmem:$0xDC00] =	vst v63  }
0x31: {  	_ =	swait.ge [sflag:s14], $0x1400  }
0x32: {  	s20 =	simm.s32 $0x3E00;
	s21 =	simm.s32 $0x10;
	[sflag:s14] =	ssyncset.done $0x0  }
0x33: {  	s23 =	sadd.s32 $0x0, s8;
	s22 =	simm.s32 $0x4200;
	[sflag:s14] =	ssyncadd.s32 $0xFFFFEC00  }
.LBB2_6:
0x34: {  	[tilespmem:s20], [sflag:$0x2] =	stream.linear.gather [hbm4b:s23+s2], $0x80, $0x38;
	[tilespmem:$0xDC00] =	vst v63  }
0x35: {  	s23 =	smov.u32 s21;
	s20 =	smov.u32 s22;
	p0 =	sne.s32 s21, $0x270  }
.Ltmp2:
0x36: {  	s21 =	sadd.s32 $0x10, s21;
	(pc) =	sbr.rel @p0 .LBB2_6-.Ltmp2, $2  }
0x37: {  	_ =	sdelay $0x2  }
0x38: {  	s22 =	sadd.s32 $0x400, s22;
	s23 =	sadd.s32 s23, s8  }
0x39: {  	[tilespmem:s20], [sflag:$0x2] =	stream.linear.gather [hbm4b:s23+s2], $0x80, $0x38;
	[tilespmem:$0xDC00] =	vst v63  }
0x3a: {  	_ =	swait.ge [sflag:s14], $0x1400  }
0x3b: {  	s20 =	simm.s32 $0x3E80;
	s21 =	simm.s32 $0x10;
	[sflag:s14] =	ssyncset.done $0x0  }
0x3c: {  	s23 =	sadd.s32 $0x0, s9;
	s22 =	simm.s32 $0x4280;
	[sflag:s14] =	ssyncadd.s32 $0xFFFFEC00  }
.LBB2_8:
0x3d: {  	[tilespmem:s20], [sflag:$0x2] =	stream.linear.gather [hbm4b:s23+s2], $0x80, $0x38;
	[tilespmem:$0xDC00] =	vst v63  }
0x3e: {  	s23 =	smov.u32 s21;
	s20 =	smov.u32 s22;
	p0 =	sne.s32 s21, $0x270  }
.Ltmp3:
0x3f: {  	s21 =	sadd.s32 $0x10, s21;
	(pc) =	sbr.rel @p0 .LBB2_8-.Ltmp3, $2  }
0x40: {  	_ =	sdelay $0x2  }
0x41: {  	s22 =	sadd.s32 $0x400, s22;
	s23 =	sadd.s32 s23, s9  }
0x42: {  	[tilespmem:s20], [sflag:$0x2] =	stream.linear.gather [hbm4b:s23+s2], $0x80, $0x38;
	[tilespmem:$0xDC00] =	vst v63  }
0x43: {  	_ =	swait.ge [sflag:s14], $0x1400  }
0x44: {  	[sflag:s14] =	ssyncset.done $0x0  }
0x45: {  	[sflag:s14] =	ssyncadd.s32 $0xFFFFEC00  }
0x46: {  	_ =	swait.ge [sflag:s18], $0x1400  }
0x47: {  	[sflag:s18] =	ssyncset.done $0x0  }
0x48: {  	[sflag:s18] =	ssyncadd.s32 $0xFFFFEC00  }
0x49: {  	_ =	swait.ge [sflag:s18], $0x1400  }
0x4a: {  	[sflag:s18] =	ssyncset.done $0x0  }
0x4b: {  	[sflag:s18] =	ssyncadd.s32 $0xFFFFEC00  }
0x4c: {  	s30 =	simm.s32 $0x0;
	_ =	swait.ge [sflag:s18], $0x1400  }
0x4d: {  	s21 =	sand.u32 $0x70, s30;
	s20 =	sand.u32 $0xFC00, s30;
	[sflag:s18] =	ssyncset.done $0x0  }
0x4e: {  	s20 =	sor.u32 s21, s20;
	[sflag:s18] =	ssyncadd.s32 $0xFFFFEC00  }
0x4f: {  	v1 =	vld [tilespmem:s20+$0x3D80]  }
0x50: {  	v2 =	vld [tilespmem:s20+$0x3E00]  }
0x51: {  	v3 =	vld [tilespmem:s20+$0x3C00]  }
0x52: {  	v4 =	vld [tilespmem:s20+$0x3C80]  }
0x53: {  	v5 =	vld [tilespmem:s20+$0x3E80]  }
0x54: {  	s22 =	simm.s32 $0x10;
	s21 =	simm.s32 $0x80;
	v6 =	vld [tilespmem:s20+$0x3D00]  }
0x55: {  	s22 =	sand.u32 $0x70, s22;
	s31 =	sand.u32 $0xFC00, s21  }
0x56: {  	s22 =	sor.u32 s22, s31  }
0x57: {  	v0 =	vld [tilespmem:s22+$0x3D80];
	v3 =	vsub.f32 v3, v1  }
0x58: {  	v1 =	vld [tilespmem:s22+$0x3E00];
	v7 =	vsub.f32 v4, v2  }
0x59: {  	v2 =	vld [tilespmem:s22+$0x3E80];
	v4 =	vsub.f32 v6, v5;
	[tilespmem:s20+$0x3C00] =	vst v3  }
0x5a: {  	s23 =	simm.s32 $0x20;
	[tilespmem:s20+$0x3C80] =	vst v7;
	v3 =	vld [tilespmem:s22+$0x3C00]  }
.LBB2_10:
0x5b: {  	p0 =	sne.s32 s23, $0x13F0;
	v5 =	vld [tilespmem:s22+$0x3C80];
	[tilespmem:s20+$0x3D00] =	vst v4;
	s20 =	smov.u32 s22  }
0x5c: {  	s21 =	sadd.s32 $0x80, s21;
	v4 =	vld [tilespmem:s20+$0x3D00]  }
0x5d: {  	s22 =	sand.u32 $0x70, s23;
	s24 =	sand.u32 $0xFC00, s21  }
.Ltmp4:
0x5e: {  	s22 =	sor.u32 s22, s24;
	(pc) =	sbr.rel @p0 .LBB2_10-.Ltmp4, $4  }
0x5f: {  	v3 =	vsub.f32 v3, v0;
	v0 =	vld [tilespmem:s22+$0x3D80]  }
0x60: {  	v5 =	vsub.f32 v5, v1;
	v1 =	vld [tilespmem:s22+$0x3E00]  }
0x61: {  	[tilespmem:s20+$0x3C00] =	vst v3;
	v4 =	vsub.f32 v4, v2;
	v2 =	vld [tilespmem:s22+$0x3E80]  }
0x62: {  	s23 =	sadd.s32 $0x10, s23;
	v3 =	vld [tilespmem:s22+$0x3C00];
	[tilespmem:s20+$0x3C80] =	vst v5  }
0x63: {  	v5 =	vld [tilespmem:s22+$0x3C80];
	[tilespmem:s20+$0x3D00] =	vst v4  }
0x64: {  	v4 =	vld [tilespmem:s22+$0x3D00];
	_ =	sdelay $0x2  }
0x65: {  	v0 =	vsub.f32 v3, v0  }
0x66: {  	v1 =	vsub.f32 v5, v1  }
0x67: {  	[tilespmem:s22+$0x3C00] =	vst v0;
	v63 =	vsub.f32 v4, v2  }
0x68: {  	s20 =	simm.s32 $0x3C00;
	[tilespmem:s22+$0x3C80] =	vst v1  }
0x69: {  	s21 =	simm.s32 $0x10;
	s23 =	sadd.s32 $0x0, s10;
	[tilespmem:s22+$0x3D00] =	vst v63;
	s22 =	simm.s32 $0x4000  }
.LBB2_12:
0x6a: {  	[hbm4b:s23+s2] =	stream.linear.scatter [tilespmem:s20], [sflag:$0x2], $0x80, $0x38;
	[tilespmem:$0xDC00] =	vst v63  }
0x6b: {  	s23 =	smov.u32 s21;
	s20 =	smov.u32 s22;
	p0 =	sne.s32 s21, $0x270  }
.Ltmp5:
0x6c: {  	s21 =	sadd.s32 $0x10, s21;
	(pc) =	sbr.rel @p0 .LBB2_12-.Ltmp5, $2  }
0x6d: {  	_ =	sdelay $0x2  }
0x6e: {  	s22 =	sadd.s32 $0x400, s22;
	s23 =	sadd.s32 s23, s10  }
0x6f: {  	[hbm4b:s23+s2] =	stream.linear.scatter [tilespmem:s20], [sflag:$0x2], $0x80, $0x38;
	[tilespmem:$0xDC00] =	vst v63  }
0x70: {  	_ =	swait.ge [sflag:s14], $0x1400  }
0x71: {  	s20 =	simm.s32 $0x3C80;
	s21 =	simm.s32 $0x10;
	[sflag:s14] =	ssyncset.done $0x0  }
0x72: {  	s23 =	sadd.s32 $0x0, s11;
	s22 =	simm.s32 $0x4080;
	[sflag:s14] =	ssyncadd.s32 $0xFFFFEC00  }
.LBB2_14:
0x73: {  	[hbm4b:s23+s2] =	stream.linear.scatter [tilespmem:s20], [sflag:$0x2], $0x80, $0x38;
	[tilespmem:$0xDC00] =	vst v63  }
0x74: {  	s23 =	smov.u32 s21;
	s20 =	smov.u32 s22;
	p0 =	sne.s32 s21, $0x270  }
.Ltmp6:
0x75: {  	s21 =	sadd.s32 $0x10, s21;
	(pc) =	sbr.rel @p0 .LBB2_14-.Ltmp6, $2  }
0x76: {  	_ =	sdelay $0x2  }
0x77: {  	s22 =	sadd.s32 $0x400, s22;
	s23 =	sadd.s32 s23, s11  }
0x78: {  	[hbm4b:s23+s2] =	stream.linear.scatter [tilespmem:s20], [sflag:$0x2], $0x80, $0x38;
	[tilespmem:$0xDC00] =	vst v63  }
0x79: {  	_ =	swait.ge [sflag:s14], $0x1400  }
0x7a: {  	s20 =	simm.s32 $0x3D00;
	s21 =	simm.s32 $0x10;
	[sflag:s14] =	ssyncset.done $0x0  }
0x7b: {  	s23 =	sadd.s32 $0x0, s12;
	s22 =	simm.s32 $0x4100;
	[sflag:s14] =	ssyncadd.s32 $0xFFFFEC00  }
.LBB2_16:
0x7c: {  	[hbm4b:s23+s2] =	stream.linear.scatter [tilespmem:s20], [sflag:$0x2], $0x80, $0x38;
	[tilespmem:$0xDC00] =	vst v63  }
0x7d: {  	s23 =	smov.u32 s21;
	s20 =	smov.u32 s22;
	p0 =	sne.s32 s21, $0x270  }
.Ltmp7:
0x7e: {  	s21 =	sadd.s32 $0x10, s21;
	(pc) =	sbr.rel @p0 .LBB2_16-.Ltmp7, $2  }
0x7f: {  	_ =	sdelay $0x2  }
0x80: {  	s22 =	sadd.s32 $0x400, s22;
	s23 =	sadd.s32 s23, s12  }
0x81: {  	s19 =	sadd.s32 $0x1, s19  }
0x82: {  	p0 =	sne.s32 s19, s13  }
.Ltmp8:
0x83: {  	_ = 	snop;
	(pc) =	sbr.rel @p0 .LBB2_1-.Ltmp8, $4  }
0x84: {  	[hbm4b:s23+s2] =	stream.linear.scatter [tilespmem:s20], [sflag:$0x2], $0x80, $0x38;
	[tilespmem:$0xDC00] =	vst v63  }
0x85: {  	_ =	swait.ge [sflag:s14], $0x1400  }
0x86: {  	[sflag:s14] =	ssyncset.done $0x0  }
0x87: {  	[sflag:s14] =	ssyncadd.s32 $0xFFFFEC00  }
0x88: {  	_ =	sfence.sel $0x180000  }
0x89: {  	[bflag:$0x0] =	sbarrier.arrive $0xFFFF  }
0x8a: {  	p0 =	sne.s32 s1, $0x0;
	_ =	strace $0x9000004A  }
0x8b: {  	s0 =	sadd.s32 @!p0 $0x100000, s0;
	[bflag:$0x2] =	sbarrier.arrive $0xFFFF  }
0x8c: {  	[sflag:s0] =	ssyncadd.tile.s32 @!p0 $0x1;
	_ =	shalt  }
.Lfunc_end2:
_tile_overlayer_lowered:
.L_overlay_start_2:
0x8d: {  	(tag) =	ssettag $0x2  }
0x8e: {  	s0 =	rddreg [dreg:$0x0];
	s2 =	stileid.u32  }
0x8f: {  	s1 =	rddreg [dreg:$0x1];
	p0 =	sne.s32 s2, $0x0  }
0x90: {  	s3 =	rddreg [dreg:$0x2];
	[bflag:$0x3] =	sbarrier.arrive $0xFFFF;
	s2 =	simm.s32 @!p0 $0x1C02  }
0x91: {  	[timem:s3], [sflag:s2] =	dma.local @!p0 [hbm:s0], s1  }
0x92: {  	s0 =	simm.s32 @!p0 $0x2  }
0x93: {  	_ =	swait.ge @!p0 [sflag:s0], s1  }
0x94: {  	s1 =	ssub.s32 @!p0 $0x0, s1;
	[sflag:s0] =	ssyncset.done @!p0 $0x0  }
0x95: {  	[sflag:s0] =	ssyncadd.s32 @!p0 s1  }
0x96: {  	[bflag:$0x3] =	sbarrier.arrive $0xFFFF  }
0x97: {  	_ =	shalt  }

</sc_bundles>
